<compile_context>
chip_gen: v7x
topology: tpu7x:2x2x1
jax: 0.10.2.dev20260603
libtpu: 0.0.44.dev20260713+nightly
codegen_flags: <defaults>
</compile_context>

<pallas_src>
import functools

import jax
import jax.numpy as jnp
from jax import lax
from jax.experimental import pallas as pl
from jax.experimental.pallas import tpu as pltpu
from jax.experimental.pallas import tpu_sc as plsc

N = 10000
D = 128
E = 320000


def _tc_prep(x, W0, W1, A0, A1):
    blk = 1000
    grid = (N // blk,)

    def body(x_ref, w0_ref, w1_ref, a0_ref, a1_ref, feat_ref, elr_ref):
        xb = x_ref[...]
        f0 = jnp.dot(xb, w0_ref[...], preferred_element_type=jnp.float32)
        f1 = jnp.dot(xb, w1_ref[...], preferred_element_type=jnp.float32)
        feat_ref[0] = f0
        feat_ref[1] = f1
        elr_ref[0] = jnp.dot(f0, a0_ref[...], preferred_element_type=jnp.float32)
        elr_ref[1] = jnp.dot(f1, a1_ref[...], preferred_element_type=jnp.float32)

    return pl.pallas_call(
        body,
        grid=grid,
        in_specs=[
            pl.BlockSpec((blk, D), lambda i: (i, 0)),
            pl.BlockSpec((D, D), lambda i: (0, 0)),
            pl.BlockSpec((D, D), lambda i: (0, 0)),
            pl.BlockSpec((D, 2), lambda i: (0, 0)),
            pl.BlockSpec((D, 2), lambda i: (0, 0)),
        ],
        out_specs=[
            pl.BlockSpec((2, blk, D), lambda i: (0, i, 0)),
            pl.BlockSpec((2, blk, 2), lambda i: (0, i, 0)),
        ],
        out_shape=[
            jax.ShapeDtypeStruct((2, N, D), jnp.float32),
            jax.ShapeDtypeStruct((2, N, 2), jnp.float32),
        ],
    )(x, W0, W1, A0, A1)


def _tc_combine(rst, b0, b1):
    blk = 1000
    grid = (N // blk,)

    def body(ra_ref, rb_ref, b0_ref, b1_ref, o_ref):
        o_ref[...] = ra_ref[...] + rb_ref[...] + b0_ref[...] + b1_ref[...]

    return pl.pallas_call(
        body,
        grid=grid,
        in_specs=[
            pl.BlockSpec((blk, D), lambda i: (i, 0)),
            pl.BlockSpec((blk, D), lambda i: (i + N // blk, 0)),
            pl.BlockSpec((1, D), lambda i: (0, 0)),
            pl.BlockSpec((1, D), lambda i: (0, 0)),
        ],
        out_specs=pl.BlockSpec((blk, D), lambda i: (i, 0)),
        out_shape=jax.ShapeDtypeStruct((N, D), jnp.float32),
    )(rst, rst, b0, b1)


def _sc_body(feat_h, elr_h, src_h, dst_h, x_h, out_h,
             elr_v, src_g, dst_g, ee_row, rows_v, z_v,
             denom_s, acc_s):
    cid = lax.axis_index("c")
    sid = lax.axis_index("s")
    nch = jnp.where(sid < 4, 157, 156)
    plane = cid * 2560 + sid * 160
    base = jnp.minimum(640 * sid, 9360)

    pltpu.sync_copy(elr_h.at[pl.ds(cid * 20480, 20480)], elr_v)

    def zset(i, c):
        z_v[pl.ds(16 * i, 16)] = jnp.zeros((16,), jnp.float32)
        return c
    lax.fori_loop(0, 40, zset, 0)
    pltpu.sync_copy(z_v, denom_s.at[pl.ds(base, 640)])

    def zrow(i, c):
        rows_v[i // 8, pl.ds(16 * (i % 8), 16)] = jnp.zeros((16,), jnp.float32)
        return c
    lax.fori_loop(0, 512, zrow, 0)
    def zacc(b, c):
        pltpu.sync_copy(rows_v.at[pl.ds(0, 64)],
                        acc_s.at[pl.ds(base + 64 * b, 64)])
        return c
    lax.fori_loop(0, 10, zacc, 0)
    plsc.subcore_barrier()

    off = jnp.full((16,), cid * N, jnp.int32)

    def chunk(jj, c):
        for i in range(8):
            sl = pl.ds(16 * i, 16)
            sv = src_g[jj, sl]
            dv = dst_g[jj, sl]
            el = plsc.load_gather(elr_v, [sv + sv])
            er = plsc.load_gather(elr_v, [dv + dv + 1])
            e = el + er
            e = jnp.where(e > 0, e, 0.2 * e)
            ee_row[sl] = jnp.exp(e)
            src_g[jj, sl] = sv + off
        pltpu.sync_copy(ee_row, denom_s.at[dst_g.at[jj]], add=True)
        pltpu.sync_copy(feat_h.at[src_g.at[jj]], rows_v)

        def scale(k, cc):
            a = plsc.load_gather(ee_row, [jnp.full((16,), k, jnp.int32)])
            for t in range(8):
                slt = pl.ds(16 * t, 16)
                rows_v[k, slt] = rows_v[k, slt] * a
            return cc
        lax.fori_loop(0, 128, scale, 0)
        pltpu.sync_copy(rows_v, acc_s.at[dst_g.at[jj]], add=True)
        return c

    def group(g, njj, c):
        pltpu.sync_copy(src_h.at[pl.ds(plane + 16 * g, 16)], src_g)
        pltpu.sync_copy(dst_h.at[pl.ds(plane + 16 * g, 16)], dst_g)
        return lax.fori_loop(0, njj, chunk, c)

    lax.fori_loop(0, 9, lambda g, c: group(g, 16, c), 0)
    group(9, nch - 144, 0)
    plsc.subcore_barrier()

    pltpu.sync_copy(denom_s.at[pl.ds(base, 640)], z_v)

    def recip(i, c):
        sl = pl.ds(16 * i, 16)
        z_v[sl] = 1.0 / jnp.maximum(z_v[sl], 1e-9)
        return c
    lax.fori_loop(0, 40, recip, 0)

    def wb_block(b, c):
        pltpu.sync_copy(acc_s.at[pl.ds(base + 64 * b, 64)],
                        rows_v.at[pl.ds(0, 64)])
        pltpu.sync_copy(x_h.at[pl.ds(base + 64 * b, 64)],
                        rows_v.at[pl.ds(64, 64)])

        def norm(r, cc):
            a = plsc.load_gather(z_v, [jnp.full((16,), 64 * b + r, jnp.int32)])
            for t in range(8):
                slt = pl.ds(16 * t, 16)
                rows_v[r, slt] = rows_v[r, slt] * a + rows_v[64 + r, slt]
            return cc
        lax.fori_loop(0, 64, norm, 0)
        pltpu.sync_copy(rows_v.at[pl.ds(0, 64)],
                        out_h.at[pl.ds(cid * N + base + 64 * b, 64)])
        return c
    lax.fori_loop(0, 10, wb_block, 0)


@functools.cache
def _sc_kernel():
    mesh = plsc.VectorSubcoreMesh(core_axis_name="c", subcore_axis_name="s",
                                  num_cores=2, num_subcores=16)
    return pl.kernel(
        _sc_body,
        out_type=jax.ShapeDtypeStruct((2 * N, D), jnp.float32),
        mesh=mesh,
        compiler_params=pltpu.CompilerParams(needs_layout_passes=False),
        scratch_types=[
            pltpu.VMEM((20480,), jnp.float32),
            pltpu.VMEM((16, 128), jnp.int32),
            pltpu.VMEM((16, 128), jnp.int32),
            pltpu.VMEM((128,), jnp.float32),
            pltpu.VMEM((128, 128), jnp.float32),
            pltpu.VMEM((640,), jnp.float32),
            pltpu.VMEM_SHARED((N,), jnp.float32),
            pltpu.VMEM_SHARED((N, D), jnp.float32),
        ],
    )


def _pack_idx(row):
    chunks = row.reshape(2500, 128)
    zpad = jnp.zeros((160, 128), jnp.int32)
    parts = []
    for t in range(16):
        n = 157 if t < 4 else 156
        c0 = 156 * t + min(t, 4)
        parts.append(chunks[c0:c0 + n])
        parts.append(zpad[:160 - n])
    return jnp.concatenate(parts, axis=0)


@jax.jit
def kernel(x, edge_index_rel0, edge_index_rel1,
           W0, attn_l0, attn_r0, bias0,
           W1, attn_l1, attn_r1, bias1):
    A0 = jnp.stack([attn_l0, attn_r0], axis=1)
    A1 = jnp.stack([attn_l1, attn_r1], axis=1)
    feat, elr = _tc_prep(x, W0, W1, A0, A1)
    elrp = jnp.pad(elr.reshape(2, 2 * N), ((0, 0), (0, 480))).reshape(40960)
    srcp = jnp.concatenate(
        [_pack_idx(edge_index_rel0[0]), _pack_idx(edge_index_rel1[0])], axis=0)
    dstp = jnp.concatenate(
        [_pack_idx(edge_index_rel0[1]), _pack_idx(edge_index_rel1[1])], axis=0)
    rst = _sc_kernel()(feat.reshape(2 * N, D), elrp, srcp, dstp, x)
    return _tc_combine(rst, bias0.reshape(1, D), bias1.reshape(1, D))

# --- scband reference (transcript-rebuilt; emitter-appended) ---
"""Pipeline reference for scband-gatgraph-conv-layer-12240656794082 (READ-ONLY COPY).

The authoritative reference and input builder live on the scoring server;
editing this copy changes nothing except your own understanding.
"""

import jax, jax.numpy as jnp
import numpy as np

N_NODES = 10000
D_IN = 128
D_OUT = 128
N_EDGES = 320000


def setup_inputs(seed: int = 0) -> dict:
    key = jax.random.key(seed)
    ks = jax.random.split(key, 12)
    x = jax.random.normal(ks[0], (N_NODES, D_IN), dtype=jnp.float32)
    edge_index_rel0 = jax.random.randint(ks[1], (2, N_EDGES), 0, N_NODES, dtype=jnp.int32)
    edge_index_rel1 = jax.random.randint(ks[2], (2, N_EDGES), 0, N_NODES, dtype=jnp.int32)
    s = 1.0 / np.sqrt(D_IN)
    W0 = jax.random.normal(ks[3], (D_IN, D_OUT), dtype=jnp.float32) * s
    W1 = jax.random.normal(ks[4], (D_IN, D_OUT), dtype=jnp.float32) * s
    attn_l0 = jax.random.normal(ks[5], (D_OUT,), dtype=jnp.float32) * s
    attn_r0 = jax.random.normal(ks[6], (D_OUT,), dtype=jnp.float32) * s
    attn_l1 = jax.random.normal(ks[7], (D_OUT,), dtype=jnp.float32) * s
    attn_r1 = jax.random.normal(ks[8], (D_OUT,), dtype=jnp.float32) * s
    bias0 = jnp.zeros((D_OUT,), dtype=jnp.float32)
    bias1 = jnp.zeros((D_OUT,), dtype=jnp.float32)
    return {
        "x": x,
        "edge_index_rel0": edge_index_rel0,
        "edge_index_rel1": edge_index_rel1,
        "W0": W0, "attn_l0": attn_l0, "attn_r0": attn_r0, "bias0": bias0,
        "W1": W1, "attn_l1": attn_l1, "attn_r1": attn_r1, "bias1": bias1,
    }


def _gat_rel(x, src, dst, W, al, ar, b, n_nodes):
    # DGL GATConv with num_heads=1, feat_drop=0, attn_drop=0, bias=True
    feat = x @ W                       # [N, D_out] (fc, no bias)
    el = feat @ al                     # [N]
    er = feat @ ar                     # [N]
    e = el[src] + er[dst]              # [E]
    e = jnp.where(e > 0, e, 0.2 * e)   # leaky_relu, negative_slope=0.2
    m = jax.ops.segment_max(e, dst, num_segments=n_nodes)
    m = jnp.where(jnp.isfinite(m), m, 0.0)
    ee = jnp.exp(e - m[dst])
    denom = jax.ops.segment_sum(ee, dst, num_segments=n_nodes)
    alpha = ee / jnp.maximum(denom[dst], 1e-9)  # edge softmax per dst
    rst = jax.ops.segment_sum(alpha[:, None] * feat[src], dst, num_segments=n_nodes)
    # residual: in_feat == out_feat*num_heads -> Identity residual (added by caller)
    return rst + b


def reference(x, edge_index_rel0, edge_index_rel1,
              W0, attn_l0, attn_r0, bias0,
              W1, attn_l1, attn_r1, bias1):
    n = x.shape[0]
    h0 = _gat_rel(x, edge_index_rel0[0], edge_index_rel0[1], W0, attn_l0, attn_r0, bias0, n) + x
    h1 = _gat_rel(x, edge_index_rel1[0], edge_index_rel1[1], W1, attn_l1, attn_r1, bias1, n) + x
    # HeteroGraphConv default aggregate='sum' over relations sharing dst ntype;
    # heads dim squeezed (num_heads=1). activation=None.
    return h0 + h1

if __name__ == "__main__":
    import jax
    _d = setup_inputs()
    print(jax.jit(kernel)(*tuple(_d.values())))

</pallas_src>

<mosaic_0001>
#map = affine_map<(d0, d1) -> (0, 0)>
#map1 = affine_map<(d0, d1) -> (0)>
module attributes {stable_mosaic.version = 14 : i64} {
  func.func @_sc_body(%arg0: i32, %arg1: i32, %arg2: memref<20000x128xf32, #tpu.memory_space<hbm>>, %arg3: memref<40960xf32, #tpu.memory_space<hbm>>, %arg4: memref<5120x128xi32, #tpu.memory_space<hbm>>, %arg5: memref<5120x128xi32, #tpu.memory_space<hbm>>, %arg6: memref<10000x128xf32, #tpu.memory_space<hbm>>, %arg7: memref<20000x128xf32, #tpu.memory_space<hbm>>, %arg8: memref<20480xf32, #tpu.memory_space<vmem>>, %arg9: memref<16x128xi32, #tpu.memory_space<vmem>>, %arg10: memref<16x128xi32, #tpu.memory_space<vmem>>, %arg11: memref<128xf32, #tpu.memory_space<vmem>>, %arg12: memref<128x128xf32, #tpu.memory_space<vmem>>, %arg13: memref<640xf32, #tpu.memory_space<vmem>>, %arg14: memref<10000xf32, #tpu.memory_space<vmem_shared>>, %arg15: memref<10000x128xf32, #tpu.memory_space<vmem_shared>>) attributes {dimension_semantics = [#tpu.dimension_semantics<core_parallel>, #tpu.dimension_semantics<subcore_parallel>], iteration_bounds = array<i64: 2, 16>, scalar_prefetch = 0 : i64, scratch_operands = 8 : i64, tpu.core_type = #tpu.core_type<sc_vector_subcore>, window_params = [{transform_indices = #map}, {transform_indices = #map1}, {transform_indices = #map}, {transform_indices = #map}, {transform_indices = #map}, {transform_indices = #map}]} {
    %lt3A = arith.constant 4 : i32
    %lt3A_0 = arith.cmpi slt, %arg1, %lt3A : i32
    %jit3A = arith.constant 157 : i32
    %jit3A_1 = arith.constant 156 : i32
    %select_n3A = arith.select %lt3A_0, %jit3A, %jit3A_1 : i32
    %mul3A = arith.constant 2560 : i32
    %mul3A_2 = arith.muli %arg0, %mul3A : i32
    %mul3A_3 = arith.constant 160 : i32
    %mul3A_4 = arith.muli %arg1, %mul3A_3 : i32
    %add3A = arith.addi %mul3A_2, %mul3A_4 : i32
    %mul3A_5 = arith.constant 640 : i32
    %mul3A_6 = arith.muli %mul3A_5, %arg1 : i32
    %min3A = arith.constant 9360 : i32
    %min3A_7 = arith.minsi %mul3A_6, %min3A : i32
    %mul3A_8 = arith.constant 20480 : i32
    %mul3A_9 = arith.muli %arg0, %mul3A_8 : i32
    "tpu.region"() ({
      %run_scoped3A = tpu.sem_alloc : memref<!tpu.dma_semaphore, #tpu.memory_space<semaphore_mem>>
      %dma_start3A = tpu.memref_slice %arg3[%mul3A_9] : memref<40960xf32, #tpu.memory_space<hbm>> -> memref<20480xf32, #tpu.memory_space<hbm>>
      %dma_start3A_62 = tpu.memref_slice %arg3[%mul3A_9] : memref<40960xf32, #tpu.memory_space<hbm>> -> memref<20480xf32, #tpu.memory_space<hbm>>
      tpu.enqueue_dma source(%dma_start3A_62 : memref<20480xf32, #tpu.memory_space<hbm>>) target(%arg8 : memref<20480xf32, #tpu.memory_space<vmem>>) target_semaphore(%run_scoped3A : memref<!tpu.dma_semaphore, #tpu.memory_space<semaphore_mem>>)
      %dma_wait3A = tpu.memref_slice %arg3[%mul3A_9] : memref<40960xf32, #tpu.memory_space<hbm>> -> memref<20480xf32, #tpu.memory_space<hbm>>
      %dma_wait3A_63 = tpu.memref_slice %arg3[%mul3A_9] : memref<40960xf32, #tpu.memory_space<hbm>> -> memref<20480xf32, #tpu.memory_space<hbm>>
      tpu.wait_dma2 semaphore(%run_scoped3A : memref<!tpu.dma_semaphore, #tpu.memory_space<semaphore_mem>>) src(%dma_wait3A_63 : memref<20480xf32, #tpu.memory_space<hbm>>) dst(%arg8 : memref<20480xf32, #tpu.memory_space<vmem>>)
      tpu.yield
    }) : () -> ()
    %scan3A = arith.constant 0 : i32
    %scan3A_10 = arith.constant 0 : i32
    %scan3A_11 = arith.constant 40 : i32
    %scan3A_12 = arith.addi %scan3A_10, %scan3A_11 : i32
    %scan3A_13 = arith.constant 1 : i32
    scf.for %scan3A_62 = %scan3A_10 to %scan3A_12 step %scan3A_13  : i32 {
      %broadcast_in_dim3A_63 = arith.constant 0.000000e+00 : f32
      %broadcast_in_dim3A_64 = vector.broadcast %broadcast_in_dim3A_63 : f32 to vector<16xf32>
      %mul3A_65 = arith.constant 16 : i32
      %mul3A_66 = arith.muli %mul3A_65, %scan3A_62 : i32
      %swap3A = arith.index_cast %mul3A_66 : i32 to index
      %swap3A_67 = tpu.vector_load %arg13[%swap3A] {strides = array<i32>} : memref<640xf32, #tpu.memory_space<vmem>>, vector<16xf32>,
      tpu.vector_store %arg13[%swap3A], %broadcast_in_dim3A_64 {strides = array<i32>} : memref<640xf32, #tpu.memory_space<vmem>>, vector<16xf32>,
    }
    %scan3A_14 = arith.constant 40 : i32
    "tpu.region"() ({
      %run_scoped3A = tpu.sem_alloc : memref<!tpu.dma_semaphore, #tpu.memory_space<semaphore_mem>>
      %dma_start3A = tpu.memref_slice %arg14[%min3A_7] : memref<10000xf32, #tpu.memory_space<vmem_shared>> -> memref<640xf32, #tpu.memory_space<vmem_shared>>
      %dma_start3A_62 = tpu.memref_slice %arg14[%min3A_7] : memref<10000xf32, #tpu.memory_space<vmem_shared>> -> memref<640xf32, #tpu.memory_space<vmem_shared>>
      tpu.enqueue_dma source(%arg13 : memref<640xf32, #tpu.memory_space<vmem>>) target(%dma_start3A_62 : memref<640xf32, #tpu.memory_space<vmem_shared>>) target_semaphore(%run_scoped3A : memref<!tpu.dma_semaphore, #tpu.memory_space<semaphore_mem>>)
      %dma_wait3A = tpu.memref_slice %arg14[%min3A_7] : memref<10000xf32, #tpu.memory_space<vmem_shared>> -> memref<640xf32, #tpu.memory_space<vmem_shared>>
      %dma_wait3A_63 = tpu.memref_slice %arg14[%min3A_7] : memref<10000xf32, #tpu.memory_space<vmem_shared>> -> memref<640xf32, #tpu.memory_space<vmem_shared>>
      tpu.wait_dma2 semaphore(%run_scoped3A : memref<!tpu.dma_semaphore, #tpu.memory_space<semaphore_mem>>) src(%arg13 : memref<640xf32, #tpu.memory_space<vmem>>) dst(%dma_wait3A_63 : memref<640xf32, #tpu.memory_space<vmem_shared>>)
      tpu.yield
    }) : () -> ()
    %scan3A_15 = arith.constant 0 : i32
    %scan3A_16 = arith.constant 0 : i32
    %scan3A_17 = arith.constant 512 : i32
    %scan3A_18 = arith.addi %scan3A_16, %scan3A_17 : i32
    %scan3A_19 = arith.constant 1 : i32
    scf.for %scan3A_62 = %scan3A_16 to %scan3A_18 step %scan3A_19  : i32 {
      %broadcast_in_dim3A_63 = arith.constant 0.000000e+00 : f32
      %broadcast_in_dim3A_64 = vector.broadcast %broadcast_in_dim3A_63 : f32 to vector<16xf32>
      %jit3A_65 = arith.constant 8 : i32
      %div3A = arith.divsi %scan3A_62, %jit3A_65 : i32
      %sign3A = arith.constant 0 : i32
      %sign3A_66 = arith.cmpi sgt, %scan3A_62, %sign3A : i32
      %sign3A_67 = arith.extui %sign3A_66 : i1 to i32
      %sign3A_68 = arith.constant 0 : i32
      %sign3A_69 = arith.cmpi slt, %scan3A_62, %sign3A_68 : i32
      %sign3A_70 = arith.extui %sign3A_69 : i1 to i32
      %sign3A_71 = arith.subi %sign3A_67, %sign3A_70 : i32
      %sign3A_72 = arith.constant 0 : i32
      %sign3A_73 = arith.cmpi sgt, %jit3A_65, %sign3A_72 : i32
      %sign3A_74 = arith.extui %sign3A_73 : i1 to i32
      %sign3A_75 = arith.constant 0 : i32
      %sign3A_76 = arith.cmpi slt, %jit3A_65, %sign3A_75 : i32
      %sign3A_77 = arith.extui %sign3A_76 : i1 to i32
      %sign3A_78 = arith.subi %sign3A_74, %sign3A_77 : i32
      %ne3A = arith.cmpi ne, %sign3A_71, %sign3A_78 : i32
      %rem3A = arith.remsi %scan3A_62, %jit3A_65 : i32
      %ne3A_79 = arith.constant 0 : i32
      %ne3A_80 = arith.cmpi ne, %rem3A, %ne3A_79 : i32
      %and3A = arith.andi %ne3A, %ne3A_80 : i1
      %sub3A_81 = arith.constant 1 : i32
      %sub3A_82 = arith.subi %div3A, %sub3A_81 : i32
      %select_n3A_83 = arith.select %and3A, %sub3A_82, %div3A : i32
      %jit3A_84 = arith.constant 8 : i32
      %eq3A = arith.constant 0 : i32
      %eq3A_85 = arith.cmpi eq, %jit3A_84, %eq3A : i32
      %jit3A_86 = arith.constant 1 : i32
      %select_n3A_87 = arith.select %eq3A_85, %jit3A_86, %jit3A_84 : i32
      %rem3A_88 = arith.remsi %scan3A_62, %select_n3A_87 : i32
      %ne3A_89 = arith.constant 0 : i32
      %ne3A_90 = arith.cmpi ne, %rem3A_88, %ne3A_89 : i32
      %lt3A_91 = arith.constant 0 : i32
      %lt3A_92 = arith.cmpi slt, %rem3A_88, %lt3A_91 : i32
      %lt3A_93 = arith.constant 0 : i32
      %lt3A_94 = arith.cmpi slt, %select_n3A_87, %lt3A_93 : i32
      %ne3A_95 = arith.xori %lt3A_92, %lt3A_94 : i1
      %and3A_96 = arith.andi %ne3A_95, %ne3A_90 : i1
      %add3A_97 = arith.addi %rem3A_88, %select_n3A_87 : i32
      %select_n3A_98 = arith.select %and3A_96, %add3A_97, %rem3A_88 : i32
      %mul3A_99 = arith.constant 16 : i32
      %mul3A_100 = arith.muli %mul3A_99, %select_n3A_98 : i32
      %swap3A = arith.index_cast %select_n3A_83 : i32 to index
      %swap3A_101 = arith.index_cast %mul3A_100 : i32 to index
      %swap3A_102 = tpu.vector_load %arg12[%swap3A, %swap3A_101] {strides = array<i32>} : memref<128x128xf32, #tpu.memory_space<vmem>>, vector<16xf32>,
      tpu.vector_store %arg12[%swap3A, %swap3A_101], %broadcast_in_dim3A_64 {strides = array<i32>} : memref<128x128xf32, #tpu.memory_space<vmem>>, vector<16xf32>,
    }
    %scan3A_20 = arith.constant 512 : i32
    %scan3A_21 = arith.constant 0 : i32
    %scan3A_22 = arith.constant 0 : i32
    %scan3A_23 = arith.constant 10 : i32
    %scan3A_24 = arith.addi %scan3A_22, %scan3A_23 : i32
    %scan3A_25 = arith.constant 1 : i32
    scf.for %scan3A_62 = %scan3A_22 to %scan3A_24 step %scan3A_25  : i32 {
      %mul3A_63 = arith.constant 64 : i32
      %mul3A_64 = arith.muli %mul3A_63, %scan3A_62 : i32
      %add3A_65 = arith.addi %min3A_7, %mul3A_64 : i32
      "tpu.region"() ({
        %run_scoped3A = tpu.sem_alloc : memref<!tpu.dma_semaphore, #tpu.memory_space<semaphore_mem>>
        %dma_start3A = arith.constant 0 : i32
        %dma_start3A_66 = arith.constant 0 : i32
        %dma_start3A_67 = tpu.memref_slice %arg12[%dma_start3A, %dma_start3A_66] : memref<128x128xf32, #tpu.memory_space<vmem>> -> memref<64x128xf32, #tpu.memory_space<vmem>>
        %dma_start3A_68 = arith.constant 0 : i32
        %dma_start3A_69 = tpu.memref_slice %arg15[%add3A_65, %dma_start3A_68] : memref<10000x128xf32, #tpu.memory_space<vmem_shared>> -> memref<64x128xf32, #tpu.memory_space<vmem_shared>>
        %dma_start3A_70 = arith.constant 0 : i32
        %dma_start3A_71 = tpu.memref_slice %arg15[%add3A_65, %dma_start3A_70] : memref<10000x128xf32, #tpu.memory_space<vmem_shared>> -> memref<64x128xf32, #tpu.memory_space<vmem_shared>>
        %dma_start3A_72 = arith.constant 0 : i32
        %dma_start3A_73 = arith.constant 0 : i32
        %dma_start3A_74 = tpu.memref_slice %arg12[%dma_start3A_72, %dma_start3A_73] : memref<128x128xf32, #tpu.memory_space<vmem>> -> memref<64x128xf32, #tpu.memory_space<vmem>>
        tpu.enqueue_dma source(%dma_start3A_74 : memref<64x128xf32, #tpu.memory_space<vmem>>) target(%dma_start3A_71 : memref<64x128xf32, #tpu.memory_space<vmem_shared>>) target_semaphore(%run_scoped3A : memref<!tpu.dma_semaphore, #tpu.memory_space<semaphore_mem>>)
        %dma_wait3A = arith.constant 0 : i32
        %dma_wait3A_75 = arith.constant 0 : i32
        %dma_wait3A_76 = tpu.memref_slice %arg12[%dma_wait3A, %dma_wait3A_75] : memref<128x128xf32, #tpu.memory_space<vmem>> -> memref<64x128xf32, #tpu.memory_space<vmem>>
        %dma_wait3A_77 = arith.constant 0 : i32
        %dma_wait3A_78 = tpu.memref_slice %arg15[%add3A_65, %dma_wait3A_77] : memref<10000x128xf32, #tpu.memory_space<vmem_shared>> -> memref<64x128xf32, #tpu.memory_space<vmem_shared>>
        %dma_wait3A_79 = arith.constant 0 : i32
        %dma_wait3A_80 = tpu.memref_slice %arg15[%add3A_65, %dma_wait3A_79] : memref<10000x128xf32, #tpu.memory_space<vmem_shared>> -> memref<64x128xf32, #tpu.memory_space<vmem_shared>>
        %dma_wait3A_81 = arith.constant 0 : i32
        %dma_wait3A_82 = arith.constant 0 : i32
        %dma_wait3A_83 = tpu.memref_slice %arg12[%dma_wait3A_81, %dma_wait3A_82] : memref<128x128xf32, #tpu.memory_space<vmem>> -> memref<64x128xf32, #tpu.memory_space<vmem>>
        tpu.wait_dma2 semaphore(%run_scoped3A : memref<!tpu.dma_semaphore, #tpu.memory_space<semaphore_mem>>) src(%dma_wait3A_83 : memref<64x128xf32, #tpu.memory_space<vmem>>) dst(%dma_wait3A_80 : memref<64x128xf32, #tpu.memory_space<vmem_shared>>)
        tpu.yield
      }) : () -> ()
    }
    %scan3A_26 = arith.constant 10 : i32
    %barrier3A = arith.constant 0 : index
    tpu.barrier barrier_id(%barrier3A)
    %mul3A_27 = arith.constant 10000 : i32
    %mul3A_28 = arith.muli %arg0, %mul3A_27 : i32
    %broadcast_in_dim3A = vector.broadcast %mul3A_28 : i32 to vector<16xi32>
    %scan3A_29 = arith.constant 0 : i32
    %scan3A_30 = arith.constant 0 : i32
    %scan3A_31 = arith.constant 9 : i32
    %scan3A_32 = arith.addi %scan3A_30, %scan3A_31 : i32
    %scan3A_33 = arith.constant 1 : i32
    scf.for %scan3A_62 = %scan3A_30 to %scan3A_32 step %scan3A_33  : i32 {
      %mul3A_63 = arith.constant 16 : i32
      %mul3A_64 = arith.muli %mul3A_63, %scan3A_62 : i32
      %add3A_65 = arith.addi %add3A, %mul3A_64 : i32
      "tpu.region"() ({
        %run_scoped3A = tpu.sem_alloc : memref<!tpu.dma_semaphore, #tpu.memory_space<semaphore_mem>>
        %dma_start3A = arith.constant 0 : i32
        %dma_start3A_74 = tpu.memref_slice %arg4[%add3A_65, %dma_start3A] : memref<5120x128xi32, #tpu.memory_space<hbm>> -> memref<16x128xi32, #tpu.memory_space<hbm>>
        %dma_start3A_75 = arith.constant 0 : i32
        %dma_start3A_76 = tpu.memref_slice %arg4[%add3A_65, %dma_start3A_75] : memref<5120x128xi32, #tpu.memory_space<hbm>> -> memref<16x128xi32, #tpu.memory_space<hbm>>
        tpu.enqueue_dma source(%dma_start3A_76 : memref<16x128xi32, #tpu.memory_space<hbm>>) target(%arg9 : memref<16x128xi32, #tpu.memory_space<vmem>>) target_semaphore(%run_scoped3A : memref<!tpu.dma_semaphore, #tpu.memory_space<semaphore_mem>>)
        %dma_wait3A = arith.constant 0 : i32
        %dma_wait3A_77 = tpu.memref_slice %arg4[%add3A_65, %dma_wait3A] : memref<5120x128xi32, #tpu.memory_space<hbm>> -> memref<16x128xi32, #tpu.memory_space<hbm>>
        %dma_wait3A_78 = arith.constant 0 : i32
        %dma_wait3A_79 = tpu.memref_slice %arg4[%add3A_65, %dma_wait3A_78] : memref<5120x128xi32, #tpu.memory_space<hbm>> -> memref<16x128xi32, #tpu.memory_space<hbm>>
        tpu.wait_dma2 semaphore(%run_scoped3A : memref<!tpu.dma_semaphore, #tpu.memory_space<semaphore_mem>>) src(%dma_wait3A_79 : memref<16x128xi32, #tpu.memory_space<hbm>>) dst(%arg9 : memref<16x128xi32, #tpu.memory_space<vmem>>)
        tpu.yield
      }) : () -> ()
      %mul3A_66 = arith.constant 16 : i32
      %mul3A_67 = arith.muli %mul3A_66, %scan3A_62 : i32
      %add3A_68 = arith.addi %add3A, %mul3A_67 : i32
      "tpu.region"() ({
        %run_scoped3A = tpu.sem_alloc : memref<!tpu.dma_semaphore, #tpu.memory_space<semaphore_mem>>
        %dma_start3A = arith.constant 0 : i32
        %dma_start3A_74 = tpu.memref_slice %arg5[%add3A_68, %dma_start3A] : memref<5120x128xi32, #tpu.memory_space<hbm>> -> memref<16x128xi32, #tpu.memory_space<hbm>>
        %dma_start3A_75 = arith.constant 0 : i32
        %dma_start3A_76 = tpu.memref_slice %arg5[%add3A_68, %dma_start3A_75] : memref<5120x128xi32, #tpu.memory_space<hbm>> -> memref<16x128xi32, #tpu.memory_space<hbm>>
        tpu.enqueue_dma source(%dma_start3A_76 : memref<16x128xi32, #tpu.memory_space<hbm>>) target(%arg10 : memref<16x128xi32, #tpu.memory_space<vmem>>) target_semaphore(%run_scoped3A : memref<!tpu.dma_semaphore, #tpu.memory_space<semaphore_mem>>)
        %dma_wait3A = arith.constant 0 : i32
        %dma_wait3A_77 = tpu.memref_slice %arg5[%add3A_68, %dma_wait3A] : memref<5120x128xi32, #tpu.memory_space<hbm>> -> memref<16x128xi32, #tpu.memory_space<hbm>>
        %dma_wait3A_78 = arith.constant 0 : i32
        %dma_wait3A_79 = tpu.memref_slice %arg5[%add3A_68, %dma_wait3A_78] : memref<5120x128xi32, #tpu.memory_space<hbm>> -> memref<16x128xi32, #tpu.memory_space<hbm>>
        tpu.wait_dma2 semaphore(%run_scoped3A : memref<!tpu.dma_semaphore, #tpu.memory_space<semaphore_mem>>) src(%dma_wait3A_79 : memref<16x128xi32, #tpu.memory_space<hbm>>) dst(%arg10 : memref<16x128xi32, #tpu.memory_space<vmem>>)
        tpu.yield
      }) : () -> ()
      %scan3A_69 = arith.constant 0 : i32
      %scan3A_70 = arith.constant 16 : i32
      %scan3A_71 = arith.addi %scan3A_69, %scan3A_70 : i32
      %scan3A_72 = arith.constant 1 : i32
      scf.for %scan3A_74 = %scan3A_69 to %scan3A_71 step %scan3A_72  : i32 {
        %get3A = arith.index_cast %scan3A_74 : i32 to index
        %get3A_75 = arith.constant 0 : index
        %get3A_76 = tpu.vector_load %arg9[%get3A, %get3A_75] {strides = array<i32>} : memref<16x128xi32, #tpu.memory_space<vmem>>, vector<16xi32>,
        %get3A_77 = arith.index_cast %scan3A_74 : i32 to index
        %get3A_78 = arith.constant 0 : index
        %get3A_79 = tpu.vector_load %arg10[%get3A_77, %get3A_78] {strides = array<i32>} : memref<16x128xi32, #tpu.memory_space<vmem>>, vector<16xi32>,
        %add3A_80 = arith.addi %get3A_76, %get3A_76 : vector<16xi32>
        %gather3A = tpu.vector_load_idx %arg8[%add3A_80] : memref<20480xf32, #tpu.memory_space<vmem>>[vector<16xi32>], vector<16xf32>,
        %add3A_81 = arith.addi %get3A_79, %get3A_79 : vector<16xi32>
        %add3A_82 = arith.constant 1 : i32
        %add3A_83 = vector.broadcast %add3A_82 : i32 to vector<16xi32>
        %add3A_84 = arith.addi %add3A_81, %add3A_83 : vector<16xi32>
        %gather3A_85 = tpu.vector_load_idx %arg8[%add3A_84] : memref<20480xf32, #tpu.memory_space<vmem>>[vector<16xi32>], vector<16xf32>,
        %add3A_86 = arith.addf %gather3A, %gather3A_85 : vector<16xf32>
        %gt3A = arith.constant 0.000000e+00 : f32
        %gt3A_87 = vector.broadcast %gt3A : f32 to vector<16xf32>
        %gt3A_88 = arith.cmpf ogt, %add3A_86, %gt3A_87 : vector<16xf32>
        %mul3A_89 = arith.constant 2.000000e-01 : f32
        %mul3A_90 = vector.broadcast %mul3A_89 : f32 to vector<16xf32>
        %mul3A_91 = arith.mulf %mul3A_90, %add3A_86 : vector<16xf32>
        %select_n3A_92 = arith.select %gt3A_88, %add3A_86, %mul3A_91 : vector<16xi1>, vector<16xf32>
        %exp3A = math.exp %select_n3A_92 : vector<16xf32>
        %swap3A = arith.constant 0 : index
        %swap3A_93 = tpu.vector_load %arg11[%swap3A] {strides = array<i32>} : memref<128xf32, #tpu.memory_space<vmem>>, vector<16xf32>,
        tpu.vector_store %arg11[%swap3A], %exp3A {strides = array<i32>} : memref<128xf32, #tpu.memory_space<vmem>>, vector<16xf32>,
        %add3A_94 = arith.addi %get3A_76, %broadcast_in_dim3A : vector<16xi32>
        %swap3A_95 = arith.index_cast %scan3A_74 : i32 to index
        %swap3A_96 = arith.constant 0 : index
        %swap3A_97 = tpu.vector_load %arg9[%swap3A_95, %swap3A_96] {strides = array<i32>} : memref<16x128xi32, #tpu.memory_space<vmem>>, vector<16xi32>,
        tpu.vector_store %arg9[%swap3A_95, %swap3A_96], %add3A_94 {strides = array<i32>} : memref<16x128xi32, #tpu.memory_space<vmem>>, vector<16xi32>,
        %get3A_98 = arith.index_cast %scan3A_74 : i32 to index
        %get3A_99 = arith.constant 16 : index
        %get3A_100 = tpu.vector_load %arg9[%get3A_98, %get3A_99] {strides = array<i32>} : memref<16x128xi32, #tpu.memory_space<vmem>>, vector<16xi32>,
        %get3A_101 = arith.index_cast %scan3A_74 : i32 to index
        %get3A_102 = arith.constant 16 : index
        %get3A_103 = tpu.vector_load %arg10[%get3A_101, %get3A_102] {strides = array<i32>} : memref<16x128xi32, #tpu.memory_space<vmem>>, vector<16xi32>,
        %add3A_104 = arith.addi %get3A_100, %get3A_100 : vector<16xi32>
        %gather3A_105 = tpu.vector_load_idx %arg8[%add3A_104] : memref<20480xf32, #tpu.memory_space<vmem>>[vector<16xi32>], vector<16xf32>,
        %add3A_106 = arith.addi %get3A_103, %get3A_103 : vector<16xi32>
        %add3A_107 = arith.constant 1 : i32
        %add3A_108 = vector.broadcast %add3A_107 : i32 to vector<16xi32>
        %add3A_109 = arith.addi %add3A_106, %add3A_108 : vector<16xi32>
        %gather3A_110 = tpu.vector_load_idx %arg8[%add3A_109] : memref<20480xf32, #tpu.memory_space<vmem>>[vector<16xi32>], vector<16xf32>,
        %add3A_111 = arith.addf %gather3A_105, %gather3A_110 : vector<16xf32>
        %gt3A_112 = arith.constant 0.000000e+00 : f32
        %gt3A_113 = vector.broadcast %gt3A_112 : f32 to vector<16xf32>
        %gt3A_114 = arith.cmpf ogt, %add3A_111, %gt3A_113 : vector<16xf32>
        %mul3A_115 = arith.constant 2.000000e-01 : f32
        %mul3A_116 = vector.broadcast %mul3A_115 : f32 to vector<16xf32>
        %mul3A_117 = arith.mulf %mul3A_116, %add3A_111 : vector<16xf32>
        %select_n3A_118 = arith.select %gt3A_114, %add3A_111, %mul3A_117 : vector<16xi1>, vector<16xf32>
        %exp3A_119 = math.exp %select_n3A_118 : vector<16xf32>
        %swap3A_120 = arith.constant 16 : index
        %swap3A_121 = tpu.vector_load %arg11[%swap3A_120] {strides = array<i32>} : memref<128xf32, #tpu.memory_space<vmem>>, vector<16xf32>,
        tpu.vector_store %arg11[%swap3A_120], %exp3A_119 {strides = array<i32>} : memref<128xf32, #tpu.memory_space<vmem>>, vector<16xf32>,
        %add3A_122 = arith.addi %get3A_100, %broadcast_in_dim3A : vector<16xi32>
        %swap3A_123 = arith.index_cast %scan3A_74 : i32 to index
        %swap3A_124 = arith.constant 16 : index
        %swap3A_125 = tpu.vector_load %arg9[%swap3A_123, %swap3A_124] {strides = array<i32>} : memref<16x128xi32, #tpu.memory_space<vmem>>, vector<16xi32>,
        tpu.vector_store %arg9[%swap3A_123, %swap3A_124], %add3A_122 {strides = array<i32>} : memref<16x128xi32, #tpu.memory_space<vmem>>, vector<16xi32>,
        %get3A_126 = arith.index_cast %scan3A_74 : i32 to index
        %get3A_127 = arith.constant 32 : index
        %get3A_128 = tpu.vector_load %arg9[%get3A_126, %get3A_127] {strides = array<i32>} : memref<16x128xi32, #tpu.memory_space<vmem>>, vector<16xi32>,
        %get3A_129 = arith.index_cast %scan3A_74 : i32 to index
        %get3A_130 = arith.constant 32 : index
        %get3A_131 = tpu.vector_load %arg10[%get3A_129, %get3A_130] {strides = array<i32>} : memref<16x128xi32, #tpu.memory_space<vmem>>, vector<16xi32>,
        %add3A_132 = arith.addi %get3A_128, %get3A_128 : vector<16xi32>
        %gather3A_133 = tpu.vector_load_idx %arg8[%add3A_132] : memref<20480xf32, #tpu.memory_space<vmem>>[vector<16xi32>], vector<16xf32>,
        %add3A_134 = arith.addi %get3A_131, %get3A_131 : vector<16xi32>
        %add3A_135 = arith.constant 1 : i32
        %add3A_136 = vector.broadcast %add3A_135 : i32 to vector<16xi32>
        %add3A_137 = arith.addi %add3A_134, %add3A_136 : vector<16xi32>
        %gather3A_138 = tpu.vector_load_idx %arg8[%add3A_137] : memref<20480xf32, #tpu.memory_space<vmem>>[vector<16xi32>], vector<16xf32>,
        %add3A_139 = arith.addf %gather3A_133, %gather3A_138 : vector<16xf32>
        %gt3A_140 = arith.constant 0.000000e+00 : f32
        %gt3A_141 = vector.broadcast %gt3A_140 : f32 to vector<16xf32>
        %gt3A_142 = arith.cmpf ogt, %add3A_139, %gt3A_141 : vector<16xf32>
        %mul3A_143 = arith.constant 2.000000e-01 : f32
        %mul3A_144 = vector.broadcast %mul3A_143 : f32 to vector<16xf32>
        %mul3A_145 = arith.mulf %mul3A_144, %add3A_139 : vector<16xf32>
        %select_n3A_146 = arith.select %gt3A_142, %add3A_139, %mul3A_145 : vector<16xi1>, vector<16xf32>
        %exp3A_147 = math.exp %select_n3A_146 : vector<16xf32>
        %swap3A_148 = arith.constant 32 : index
        %swap3A_149 = tpu.vector_load %arg11[%swap3A_148] {strides = array<i32>} : memref<128xf32, #tpu.memory_space<vmem>>, vector<16xf32>,
        tpu.vector_store %arg11[%swap3A_148], %exp3A_147 {strides = array<i32>} : memref<128xf32, #tpu.memory_space<vmem>>, vector<16xf32>,
        %add3A_150 = arith.addi %get3A_128, %broadcast_in_dim3A : vector<16xi32>
        %swap3A_151 = arith.index_cast %scan3A_74 : i32 to index
        %swap3A_152 = arith.constant 32 : index
        %swap3A_153 = tpu.vector_load %arg9[%swap3A_151, %swap3A_152] {strides = array<i32>} : memref<16x128xi32, #tpu.memory_space<vmem>>, vector<16xi32>,
        tpu.vector_store %arg9[%swap3A_151, %swap3A_152], %add3A_150 {strides = array<i32>} : memref<16x128xi32, #tpu.memory_space<vmem>>, vector<16xi32>,
        %get3A_154 = arith.index_cast %scan3A_74 : i32 to index
        %get3A_155 = arith.constant 48 : index
        %get3A_156 = tpu.vector_load %arg9[%get3A_154, %get3A_155] {strides = array<i32>} : memref<16x128xi32, #tpu.memory_space<vmem>>, vector<16xi32>,
        %get3A_157 = arith.index_cast %scan3A_74 : i32 to index
        %get3A_158 = arith.constant 48 : index
        %get3A_159 = tpu.vector_load %arg10[%get3A_157, %get3A_158] {strides = array<i32>} : memref<16x128xi32, #tpu.memory_space<vmem>>, vector<16xi32>,
        %add3A_160 = arith.addi %get3A_156, %get3A_156 : vector<16xi32>
        %gather3A_161 = tpu.vector_load_idx %arg8[%add3A_160] : memref<20480xf32, #tpu.memory_space<vmem>>[vector<16xi32>], vector<16xf32>,
        %add3A_162 = arith.addi %get3A_159, %get3A_159 : vector<16xi32>
        %add3A_163 = arith.constant 1 : i32
        %add3A_164 = vector.broadcast %add3A_163 : i32 to vector<16xi32>
        %add3A_165 = arith.addi %add3A_162, %add3A_164 : vector<16xi32>
        %gather3A_166 = tpu.vector_load_idx %arg8[%add3A_165] : memref<20480xf32, #tpu.memory_space<vmem>>[vector<16xi32>], vector<16xf32>,
        %add3A_167 = arith.addf %gather3A_161, %gather3A_166 : vector<16xf32>
        %gt3A_168 = arith.constant 0.000000e+00 : f32
        %gt3A_169 = vector.broadcast %gt3A_168 : f32 to vector<16xf32>
        %gt3A_170 = arith.cmpf ogt, %add3A_167, %gt3A_169 : vector<16xf32>
        %mul3A_171 = arith.constant 2.000000e-01 : f32
        %mul3A_172 = vector.broadcast %mul3A_171 : f32 to vector<16xf32>
        %mul3A_173 = arith.mulf %mul3A_172, %add3A_167 : vector<16xf32>
        %select_n3A_174 = arith.select %gt3A_170, %add3A_167, %mul3A_173 : vector<16xi1>, vector<16xf32>
        %exp3A_175 = math.exp %select_n3A_174 : vector<16xf32>
        %swap3A_176 = arith.constant 48 : index
        %swap3A_177 = tpu.vector_load %arg11[%swap3A_176] {strides = array<i32>} : memref<128xf32, #tpu.memory_space<vmem>>, vector<16xf32>,
        tpu.vector_store %arg11[%swap3A_176], %exp3A_175 {strides = array<i32>} : memref<128xf32, #tpu.memory_space<vmem>>, vector<16xf32>,
        %add3A_178 = arith.addi %get3A_156, %broadcast_in_dim3A : vector<16xi32>
        %swap3A_179 = arith.index_cast %scan3A_74 : i32 to index
        %swap3A_180 = arith.constant 48 : index
        %swap3A_181 = tpu.vector_load %arg9[%swap3A_179, %swap3A_180] {strides = array<i32>} : memref<16x128xi32, #tpu.memory_space<vmem>>, vector<16xi32>,
        tpu.vector_store %arg9[%swap3A_179, %swap3A_180], %add3A_178 {strides = array<i32>} : memref<16x128xi32, #tpu.memory_space<vmem>>, vector<16xi32>,
        %get3A_182 = arith.index_cast %scan3A_74 : i32 to index
        %get3A_183 = arith.constant 64 : index
        %get3A_184 = tpu.vector_load %arg9[%get3A_182, %get3A_183] {strides = array<i32>} : memref<16x128xi32, #tpu.memory_space<vmem>>, vector<16xi32>,
        %get3A_185 = arith.index_cast %scan3A_74 : i32 to index
        %get3A_186 = arith.constant 64 : index
        %get3A_187 = tpu.vector_load %arg10[%get3A_185, %get3A_186] {strides = array<i32>} : memref<16x128xi32, #tpu.memory_space<vmem>>, vector<16xi32>,
        %add3A_188 = arith.addi %get3A_184, %get3A_184 : vector<16xi32>
        %gather3A_189 = tpu.vector_load_idx %arg8[%add3A_188] : memref<20480xf32, #tpu.memory_space<vmem>>[vector<16xi32>], vector<16xf32>,
        %add3A_190 = arith.addi %get3A_187, %get3A_187 : vector<16xi32>
        %add3A_191 = arith.constant 1 : i32
        %add3A_192 = vector.broadcast %add3A_191 : i32 to vector<16xi32>
        %add3A_193 = arith.addi %add3A_190, %add3A_192 : vector<16xi32>
        %gather3A_194 = tpu.vector_load_idx %arg8[%add3A_193] : memref<20480xf32, #tpu.memory_space<vmem>>[vector<16xi32>], vector<16xf32>,
        %add3A_195 = arith.addf %gather3A_189, %gather3A_194 : vector<16xf32>
        %gt3A_196 = arith.constant 0.000000e+00 : f32
        %gt3A_197 = vector.broadcast %gt3A_196 : f32 to vector<16xf32>
        %gt3A_198 = arith.cmpf ogt, %add3A_195, %gt3A_197 : vector<16xf32>
        %mul3A_199 = arith.constant 2.000000e-01 : f32
        %mul3A_200 = vector.broadcast %mul3A_199 : f32 to vector<16xf32>
        %mul3A_201 = arith.mulf %mul3A_200, %add3A_195 : vector<16xf32>
        %select_n3A_202 = arith.select %gt3A_198, %add3A_195, %mul3A_201 : vector<16xi1>, vector<16xf32>
        %exp3A_203 = math.exp %select_n3A_202 : vector<16xf32>
        %swap3A_204 = arith.constant 64 : index
        %swap3A_205 = tpu.vector_load %arg11[%swap3A_204] {strides = array<i32>} : memref<128xf32, #tpu.memory_space<vmem>>, vector<16xf32>,
        tpu.vector_store %arg11[%swap3A_204], %exp3A_203 {strides = array<i32>} : memref<128xf32, #tpu.memory_space<vmem>>, vector<16xf32>,
        %add3A_206 = arith.addi %get3A_184, %broadcast_in_dim3A : vector<16xi32>
        %swap3A_207 = arith.index_cast %scan3A_74 : i32 to index
        %swap3A_208 = arith.constant 64 : index
        %swap3A_209 = tpu.vector_load %arg9[%swap3A_207, %swap3A_208] {strides = array<i32>} : memref<16x128xi32, #tpu.memory_space<vmem>>, vector<16xi32>,
        tpu.vector_store %arg9[%swap3A_207, %swap3A_208], %add3A_206 {strides = array<i32>} : memref<16x128xi32, #tpu.memory_space<vmem>>, vector<16xi32>,
        %get3A_210 = arith.index_cast %scan3A_74 : i32 to index
        %get3A_211 = arith.constant 80 : index
        %get3A_212 = tpu.vector_load %arg9[%get3A_210, %get3A_211] {strides = array<i32>} : memref<16x128xi32, #tpu.memory_space<vmem>>, vector<16xi32>,
        %get3A_213 = arith.index_cast %scan3A_74 : i32 to index
        %get3A_214 = arith.constant 80 : index
        %get3A_215 = tpu.vector_load %arg10[%get3A_213, %get3A_214] {strides = array<i32>} : memref<16x128xi32, #tpu.memory_space<vmem>>, vector<16xi32>,
        %add3A_216 = arith.addi %get3A_212, %get3A_212 : vector<16xi32>
        %gather3A_217 = tpu.vector_load_idx %arg8[%add3A_216] : memref<20480xf32, #tpu.memory_space<vmem>>[vector<16xi32>], vector<16xf32>,
        %add3A_218 = arith.addi %get3A_215, %get3A_215 : vector<16xi32>
        %add3A_219 = arith.constant 1 : i32
        %add3A_220 = vector.broadcast %add3A_219 : i32 to vector<16xi32>
        %add3A_221 = arith.addi %add3A_218, %add3A_220 : vector<16xi32>
        %gather3A_222 = tpu.vector_load_idx %arg8[%add3A_221] : memref<20480xf32, #tpu.memory_space<vmem>>[vector<16xi32>], vector<16xf32>,
        %add3A_223 = arith.addf %gather3A_217, %gather3A_222 : vector<16xf32>
        %gt3A_224 = arith.constant 0.000000e+00 : f32
        %gt3A_225 = vector.broadcast %gt3A_224 : f32 to vector<16xf32>
        %gt3A_226 = arith.cmpf ogt, %add3A_223, %gt3A_225 : vector<16xf32>
        %mul3A_227 = arith.constant 2.000000e-01 : f32
        %mul3A_228 = vector.broadcast %mul3A_227 : f32 to vector<16xf32>
        %mul3A_229 = arith.mulf %mul3A_228, %add3A_223 : vector<16xf32>
        %select_n3A_230 = arith.select %gt3A_226, %add3A_223, %mul3A_229 : vector<16xi1>, vector<16xf32>
        %exp3A_231 = math.exp %select_n3A_230 : vector<16xf32>
        %swap3A_232 = arith.constant 80 : index
        %swap3A_233 = tpu.vector_load %arg11[%swap3A_232] {strides = array<i32>} : memref<128xf32, #tpu.memory_space<vmem>>, vector<16xf32>,
        tpu.vector_store %arg11[%swap3A_232], %exp3A_231 {strides = array<i32>} : memref<128xf32, #tpu.memory_space<vmem>>, vector<16xf32>,
        %add3A_234 = arith.addi %get3A_212, %broadcast_in_dim3A : vector<16xi32>
        %swap3A_235 = arith.index_cast %scan3A_74 : i32 to index
        %swap3A_236 = arith.constant 80 : index
        %swap3A_237 = tpu.vector_load %arg9[%swap3A_235, %swap3A_236] {strides = array<i32>} : memref<16x128xi32, #tpu.memory_space<vmem>>, vector<16xi32>,
        tpu.vector_store %arg9[%swap3A_235, %swap3A_236], %add3A_234 {strides = array<i32>} : memref<16x128xi32, #tpu.memory_space<vmem>>, vector<16xi32>,
        %get3A_238 = arith.index_cast %scan3A_74 : i32 to index
        %get3A_239 = arith.constant 96 : index
        %get3A_240 = tpu.vector_load %arg9[%get3A_238, %get3A_239] {strides = array<i32>} : memref<16x128xi32, #tpu.memory_space<vmem>>, vector<16xi32>,
        %get3A_241 = arith.index_cast %scan3A_74 : i32 to index
        %get3A_242 = arith.constant 96 : index
        %get3A_243 = tpu.vector_load %arg10[%get3A_241, %get3A_242] {strides = array<i32>} : memref<16x128xi32, #tpu.memory_space<vmem>>, vector<16xi32>,
        %add3A_244 = arith.addi %get3A_240, %get3A_240 : vector<16xi32>
        %gather3A_245 = tpu.vector_load_idx %arg8[%add3A_244] : memref<20480xf32, #tpu.memory_space<vmem>>[vector<16xi32>], vector<16xf32>,
        %add3A_246 = arith.addi %get3A_243, %get3A_243 : vector<16xi32>
        %add3A_247 = arith.constant 1 : i32
        %add3A_248 = vector.broadcast %add3A_247 : i32 to vector<16xi32>
        %add3A_249 = arith.addi %add3A_246, %add3A_248 : vector<16xi32>
        %gather3A_250 = tpu.vector_load_idx %arg8[%add3A_249] : memref<20480xf32, #tpu.memory_space<vmem>>[vector<16xi32>], vector<16xf32>,
        %add3A_251 = arith.addf %gather3A_245, %gather3A_250 : vector<16xf32>
        %gt3A_252 = arith.constant 0.000000e+00 : f32
        %gt3A_253 = vector.broadcast %gt3A_252 : f32 to vector<16xf32>
        %gt3A_254 = arith.cmpf ogt, %add3A_251, %gt3A_253 : vector<16xf32>
        %mul3A_255 = arith.constant 2.000000e-01 : f32
        %mul3A_256 = vector.broadcast %mul3A_255 : f32 to vector<16xf32>
        %mul3A_257 = arith.mulf %mul3A_256, %add3A_251 : vector<16xf32>
        %select_n3A_258 = arith.select %gt3A_254, %add3A_251, %mul3A_257 : vector<16xi1>, vector<16xf32>
        %exp3A_259 = math.exp %select_n3A_258 : vector<16xf32>
        %swap3A_260 = arith.constant 96 : index
        %swap3A_261 = tpu.vector_load %arg11[%swap3A_260] {strides = array<i32>} : memref<128xf32, #tpu.memory_space<vmem>>, vector<16xf32>,
        tpu.vector_store %arg11[%swap3A_260], %exp3A_259 {strides = array<i32>} : memref<128xf32, #tpu.memory_space<vmem>>, vector<16xf32>,
        %add3A_262 = arith.addi %get3A_240, %broadcast_in_dim3A : vector<16xi32>
        %swap3A_263 = arith.index_cast %scan3A_74 : i32 to index
        %swap3A_264 = arith.constant 96 : index
        %swap3A_265 = tpu.vector_load %arg9[%swap3A_263, %swap3A_264] {strides = array<i32>} : memref<16x128xi32, #tpu.memory_space<vmem>>, vector<16xi32>,
        tpu.vector_store %arg9[%swap3A_263, %swap3A_264], %add3A_262 {strides = array<i32>} : memref<16x128xi32, #tpu.memory_space<vmem>>, vector<16xi32>,
        %get3A_266 = arith.index_cast %scan3A_74 : i32 to index
        %get3A_267 = arith.constant 112 : index
        %get3A_268 = tpu.vector_load %arg9[%get3A_266, %get3A_267] {strides = array<i32>} : memref<16x128xi32, #tpu.memory_space<vmem>>, vector<16xi32>,
        %get3A_269 = arith.index_cast %scan3A_74 : i32 to index
        %get3A_270 = arith.constant 112 : index
        %get3A_271 = tpu.vector_load %arg10[%get3A_269, %get3A_270] {strides = array<i32>} : memref<16x128xi32, #tpu.memory_space<vmem>>, vector<16xi32>,
        %add3A_272 = arith.addi %get3A_268, %get3A_268 : vector<16xi32>
        %gather3A_273 = tpu.vector_load_idx %arg8[%add3A_272] : memref<20480xf32, #tpu.memory_space<vmem>>[vector<16xi32>], vector<16xf32>,
        %add3A_274 = arith.addi %get3A_271, %get3A_271 : vector<16xi32>
        %add3A_275 = arith.constant 1 : i32
        %add3A_276 = vector.broadcast %add3A_275 : i32 to vector<16xi32>
        %add3A_277 = arith.addi %add3A_274, %add3A_276 : vector<16xi32>
        %gather3A_278 = tpu.vector_load_idx %arg8[%add3A_277] : memref<20480xf32, #tpu.memory_space<vmem>>[vector<16xi32>], vector<16xf32>,
        %add3A_279 = arith.addf %gather3A_273, %gather3A_278 : vector<16xf32>
        %gt3A_280 = arith.constant 0.000000e+00 : f32
        %gt3A_281 = vector.broadcast %gt3A_280 : f32 to vector<16xf32>
        %gt3A_282 = arith.cmpf ogt, %add3A_279, %gt3A_281 : vector<16xf32>
        %mul3A_283 = arith.constant 2.000000e-01 : f32
        %mul3A_284 = vector.broadcast %mul3A_283 : f32 to vector<16xf32>
        %mul3A_285 = arith.mulf %mul3A_284, %add3A_279 : vector<16xf32>
        %select_n3A_286 = arith.select %gt3A_282, %add3A_279, %mul3A_285 : vector<16xi1>, vector<16xf32>
        %exp3A_287 = math.exp %select_n3A_286 : vector<16xf32>
        %swap3A_288 = arith.constant 112 : index
        %swap3A_289 = tpu.vector_load %arg11[%swap3A_288] {strides = array<i32>} : memref<128xf32, #tpu.memory_space<vmem>>, vector<16xf32>,
        tpu.vector_store %arg11[%swap3A_288], %exp3A_287 {strides = array<i32>} : memref<128xf32, #tpu.memory_space<vmem>>, vector<16xf32>,
        %add3A_290 = arith.addi %get3A_268, %broadcast_in_dim3A : vector<16xi32>
        %swap3A_291 = arith.index_cast %scan3A_74 : i32 to index
        %swap3A_292 = arith.constant 112 : index
        %swap3A_293 = tpu.vector_load %arg9[%swap3A_291, %swap3A_292] {strides = array<i32>} : memref<16x128xi32, #tpu.memory_space<vmem>>, vector<16xi32>,
        tpu.vector_store %arg9[%swap3A_291, %swap3A_292], %add3A_290 {strides = array<i32>} : memref<16x128xi32, #tpu.memory_space<vmem>>, vector<16xi32>,
        "tpu.region"() ({
          %run_scoped3A = tpu.sem_alloc : memref<!tpu.dma_semaphore, #tpu.memory_space<semaphore_mem>>
          %dma_start3A = arith.constant 0 : i32
          %dma_start3A_300 = tpu.memref_slice %arg10[%scan3A_74, %dma_start3A] : memref<16x128xi32, #tpu.memory_space<vmem>> -> memref<1x128xi32, #tpu.memory_space<vmem>>
          %dma_start3A_301 = tpu.memref_squeeze %dma_start3A_300 : memref<1x128xi32, #tpu.memory_space<vmem>> -> memref<128xi32, #tpu.memory_space<vmem>>
          %dma_start3A_302 = arith.constant 0 : i32
          %dma_start3A_303 = tpu.memref_slice %arg14[%dma_start3A_302] : memref<10000xf32, #tpu.memory_space<vmem_shared>> -> memref<10000xf32, #tpu.memory_space<vmem_shared>>
          tpu.enqueue_indirect_dma source(%arg11 : memref<128xf32, #tpu.memory_space<vmem>>) target(%dma_start3A_303 : memref<10000xf32, #tpu.memory_space<vmem_shared>>) offsets(%dma_start3A_301 : memref<128xi32, #tpu.memory_space<vmem>>) semaphore(%run_scoped3A : memref<!tpu.dma_semaphore, #tpu.memory_space<semaphore_mem>>) {add = true}
          %dma_wait3A = arith.constant 0 : i32
          %dma_wait3A_304 = tpu.memref_slice %arg10[%scan3A_74, %dma_wait3A] : memref<16x128xi32, #tpu.memory_space<vmem>> -> memref<1x128xi32, #tpu.memory_space<vmem>>
          %dma_wait3A_305 = tpu.memref_squeeze %dma_wait3A_304 : memref<1x128xi32, #tpu.memory_space<vmem>> -> memref<128xi32, #tpu.memory_space<vmem>>
          %dma_wait3A_306 = arith.constant 0 : i32
          %dma_wait3A_307 = tpu.memref_slice %arg14[%dma_wait3A_306] : memref<10000xf32, #tpu.memory_space<vmem_shared>> -> memref<10000xf32, #tpu.memory_space<vmem_shared>>
          tpu.wait_indirect_dma semaphore(%run_scoped3A : memref<!tpu.dma_semaphore, #tpu.memory_space<semaphore_mem>>) src(%arg11 : memref<128xf32, #tpu.memory_space<vmem>>) dst(%dma_wait3A_307 : memref<10000xf32, #tpu.memory_space<vmem_shared>>)
          tpu.yield
        }) : () -> ()
        "tpu.region"() ({
          %run_scoped3A = tpu.sem_alloc : memref<!tpu.dma_semaphore, #tpu.memory_space<semaphore_mem>>
          %dma_start3A = arith.constant 0 : i32
          %dma_start3A_300 = tpu.memref_slice %arg9[%scan3A_74, %dma_start3A] : memref<16x128xi32, #tpu.memory_space<vmem>> -> memref<1x128xi32, #tpu.memory_space<vmem>>
          %dma_start3A_301 = tpu.memref_squeeze %dma_start3A_300 : memref<1x128xi32, #tpu.memory_space<vmem>> -> memref<128xi32, #tpu.memory_space<vmem>>
          %dma_start3A_302 = arith.constant 0 : i32
          %dma_start3A_303 = arith.constant 0 : i32
          %dma_start3A_304 = tpu.memref_slice %arg2[%dma_start3A_302, %dma_start3A_303] : memref<20000x128xf32, #tpu.memory_space<hbm>> -> memref<20000x128xf32, #tpu.memory_space<hbm>>
          tpu.enqueue_indirect_dma source(%dma_start3A_304 : memref<20000x128xf32, #tpu.memory_space<hbm>>) target(%arg12 : memref<128x128xf32, #tpu.memory_space<vmem>>) offsets(%dma_start3A_301 : memref<128xi32, #tpu.memory_space<vmem>>) semaphore(%run_scoped3A : memref<!tpu.dma_semaphore, #tpu.memory_space<semaphore_mem>>)
          %dma_wait3A = arith.constant 0 : i32
          %dma_wait3A_305 = tpu.memref_slice %arg9[%scan3A_74, %dma_wait3A] : memref<16x128xi32, #tpu.memory_space<vmem>> -> memref<1x128xi32, #tpu.memory_space<vmem>>
          %dma_wait3A_306 = tpu.memref_squeeze %dma_wait3A_305 : memref<1x128xi32, #tpu.memory_space<vmem>> -> memref<128xi32, #tpu.memory_space<vmem>>
          %dma_wait3A_307 = arith.constant 0 : i32
          %dma_wait3A_308 = arith.constant 0 : i32
          %dma_wait3A_309 = tpu.memref_slice %arg2[%dma_wait3A_307, %dma_wait3A_308] : memref<20000x128xf32, #tpu.memory_space<hbm>> -> memref<20000x128xf32, #tpu.memory_space<hbm>>
          tpu.wait_indirect_dma semaphore(%run_scoped3A : memref<!tpu.dma_semaphore, #tpu.memory_space<semaphore_mem>>) src(%dma_wait3A_309 : memref<20000x128xf32, #tpu.memory_space<hbm>>) dst(%arg12 : memref<128x128xf32, #tpu.memory_space<vmem>>)
          tpu.yield
        }) : () -> ()
        %scan3A_294 = arith.constant 0 : i32
        %scan3A_295 = arith.constant 0 : i32
        %scan3A_296 = arith.constant 128 : i32
        %scan3A_297 = arith.addi %scan3A_295, %scan3A_296 : i32
        %scan3A_298 = arith.constant 1 : i32
        scf.for %scan3A_300 = %scan3A_295 to %scan3A_297 step %scan3A_298  : i32 {
          %broadcast_in_dim3A_301 = vector.broadcast %scan3A_300 : i32 to vector<16xi32>
          %gather3A_302 = tpu.vector_load_idx %arg11[%broadcast_in_dim3A_301] : memref<128xf32, #tpu.memory_space<vmem>>[vector<16xi32>], vector<16xf32>,
          %get3A_303 = arith.index_cast %scan3A_300 : i32 to index
          %get3A_304 = arith.constant 0 : index
          %get3A_305 = tpu.vector_load %arg12[%get3A_303, %get3A_304] {strides = array<i32>} : memref<128x128xf32, #tpu.memory_space<vmem>>, vector<16xf32>,
          %mul3A_306 = arith.mulf %get3A_305, %gather3A_302 : vector<16xf32>
          %swap3A_307 = arith.index_cast %scan3A_300 : i32 to index
          %swap3A_308 = arith.constant 0 : index
          %swap3A_309 = tpu.vector_load %arg12[%swap3A_307, %swap3A_308] {strides = array<i32>} : memref<128x128xf32, #tpu.memory_space<vmem>>, vector<16xf32>,
          tpu.vector_store %arg12[%swap3A_307, %swap3A_308], %mul3A_306 {strides = array<i32>} : memref<128x128xf32, #tpu.memory_space<vmem>>, vector<16xf32>,
          %get3A_310 = arith.index_cast %scan3A_300 : i32 to index
          %get3A_311 = arith.constant 16 : index
          %get3A_312 = tpu.vector_load %arg12[%get3A_310, %get3A_311] {strides = array<i32>} : memref<128x128xf32, #tpu.memory_space<vmem>>, vector<16xf32>,
          %mul3A_313 = arith.mulf %get3A_312, %gather3A_302 : vector<16xf32>
          %swap3A_314 = arith.index_cast %scan3A_300 : i32 to index
          %swap3A_315 = arith.constant 16 : index
          %swap3A_316 = tpu.vector_load %arg12[%swap3A_314, %swap3A_315] {strides = array<i32>} : memref<128x128xf32, #tpu.memory_space<vmem>>, vector<16xf32>,
          tpu.vector_store %arg12[%swap3A_314, %swap3A_315], %mul3A_313 {strides = array<i32>} : memref<128x128xf32, #tpu.memory_space<vmem>>, vector<16xf32>,
          %get3A_317 = arith.index_cast %scan3A_300 : i32 to index
          %get3A_318 = arith.constant 32 : index
          %get3A_319 = tpu.vector_load %arg12[%get3A_317, %get3A_318] {strides = array<i32>} : memref<128x128xf32, #tpu.memory_space<vmem>>, vector<16xf32>,
          %mul3A_320 = arith.mulf %get3A_319, %gather3A_302 : vector<16xf32>
          %swap3A_321 = arith.index_cast %scan3A_300 : i32 to index
          %swap3A_322 = arith.constant 32 : index
          %swap3A_323 = tpu.vector_load %arg12[%swap3A_321, %swap3A_322] {strides = array<i32>} : memref<128x128xf32, #tpu.memory_space<vmem>>, vector<16xf32>,
          tpu.vector_store %arg12[%swap3A_321, %swap3A_322], %mul3A_320 {strides = array<i32>} : memref<128x128xf32, #tpu.memory_space<vmem>>, vector<16xf32>,
          %get3A_324 = arith.index_cast %scan3A_300 : i32 to index
          %get3A_325 = arith.constant 48 : index
          %get3A_326 = tpu.vector_load %arg12[%get3A_324, %get3A_325] {strides = array<i32>} : memref<128x128xf32, #tpu.memory_space<vmem>>, vector<16xf32>,
          %mul3A_327 = arith.mulf %get3A_326, %gather3A_302 : vector<16xf32>
          %swap3A_328 = arith.index_cast %scan3A_300 : i32 to index
          %swap3A_329 = arith.constant 48 : index
          %swap3A_330 = tpu.vector_load %arg12[%swap3A_328, %swap3A_329] {strides = array<i32>} : memref<128x128xf32, #tpu.memory_space<vmem>>, vector<16xf32>,
          tpu.vector_store %arg12[%swap3A_328, %swap3A_329], %mul3A_327 {strides = array<i32>} : memref<128x128xf32, #tpu.memory_space<vmem>>, vector<16xf32>,
          %get3A_331 = arith.index_cast %scan3A_300 : i32 to index
          %get3A_332 = arith.constant 64 : index
          %get3A_333 = tpu.vector_load %arg12[%get3A_331, %get3A_332] {strides = array<i32>} : memref<128x128xf32, #tpu.memory_space<vmem>>, vector<16xf32>,
          %mul3A_334 = arith.mulf %get3A_333, %gather3A_302 : vector<16xf32>
          %swap3A_335 = arith.index_cast %scan3A_300 : i32 to index
          %swap3A_336 = arith.constant 64 : index
          %swap3A_337 = tpu.vector_load %arg12[%swap3A_335, %swap3A_336] {strides = array<i32>} : memref<128x128xf32, #tpu.memory_space<vmem>>, vector<16xf32>,
          tpu.vector_store %arg12[%swap3A_335, %swap3A_336], %mul3A_334 {strides = array<i32>} : memref<128x128xf32, #tpu.memory_space<vmem>>, vector<16xf32>,
          %get3A_338 = arith.index_cast %scan3A_300 : i32 to index
          %get3A_339 = arith.constant 80 : index
          %get3A_340 = tpu.vector_load %arg12[%get3A_338, %get3A_339] {strides = array<i32>} : memref<128x128xf32, #tpu.memory_space<vmem>>, vector<16xf32>,
          %mul3A_341 = arith.mulf %get3A_340, %gather3A_302 : vector<16xf32>
          %swap3A_342 = arith.index_cast %scan3A_300 : i32 to index
          %swap3A_343 = arith.constant 80 : index
          %swap3A_344 = tpu.vector_load %arg12[%swap3A_342, %swap3A_343] {strides = array<i32>} : memref<128x128xf32, #tpu.memory_space<vmem>>, vector<16xf32>,
          tpu.vector_store %arg12[%swap3A_342, %swap3A_343], %mul3A_341 {strides = array<i32>} : memref<128x128xf32, #tpu.memory_space<vmem>>, vector<16xf32>,
          %get3A_345 = arith.index_cast %scan3A_300 : i32 to index
          %get3A_346 = arith.constant 96 : index
          %get3A_347 = tpu.vector_load %arg12[%get3A_345, %get3A_346] {strides = array<i32>} : memref<128x128xf32, #tpu.memory_space<vmem>>, vector<16xf32>,
          %mul3A_348 = arith.mulf %get3A_347, %gather3A_302 : vector<16xf32>
          %swap3A_349 = arith.index_cast %scan3A_300 : i32 to index
          %swap3A_350 = arith.constant 96 : index
          %swap3A_351 = tpu.vector_load %arg12[%swap3A_349, %swap3A_350] {strides = array<i32>} : memref<128x128xf32, #tpu.memory_space<vmem>>, vector<16xf32>,
          tpu.vector_store %arg12[%swap3A_349, %swap3A_350], %mul3A_348 {strides = array<i32>} : memref<128x128xf32, #tpu.memory_space<vmem>>, vector<16xf32>,
          %get3A_352 = arith.index_cast %scan3A_300 : i32 to index
          %get3A_353 = arith.constant 112 : index
          %get3A_354 = tpu.vector_load %arg12[%get3A_352, %get3A_353] {strides = array<i32>} : memref<128x128xf32, #tpu.memory_space<vmem>>, vector<16xf32>,
          %mul3A_355 = arith.mulf %get3A_354, %gather3A_302 : vector<16xf32>
          %swap3A_356 = arith.index_cast %scan3A_300 : i32 to index
          %swap3A_357 = arith.constant 112 : index
          %swap3A_358 = tpu.vector_load %arg12[%swap3A_356, %swap3A_357] {strides = array<i32>} : memref<128x128xf32, #tpu.memory_space<vmem>>, vector<16xf32>,
          tpu.vector_store %arg12[%swap3A_356, %swap3A_357], %mul3A_355 {strides = array<i32>} : memref<128x128xf32, #tpu.memory_space<vmem>>, vector<16xf32>,
        }
        %scan3A_299 = arith.constant 128 : i32
        "tpu.region"() ({
          %run_scoped3A = tpu.sem_alloc : memref<!tpu.dma_semaphore, #tpu.memory_space<semaphore_mem>>
          %dma_start3A = arith.constant 0 : i32
          %dma_start3A_300 = tpu.memref_slice %arg10[%scan3A_74, %dma_start3A] : memref<16x128xi32, #tpu.memory_space<vmem>> -> memref<1x128xi32, #tpu.memory_space<vmem>>
          %dma_start3A_301 = tpu.memref_squeeze %dma_start3A_300 : memref<1x128xi32, #tpu.memory_space<vmem>> -> memref<128xi32, #tpu.memory_space<vmem>>
          %dma_start3A_302 = arith.constant 0 : i32
          %dma_start3A_303 = arith.constant 0 : i32
          %dma_start3A_304 = tpu.memref_slice %arg15[%dma_start3A_302, %dma_start3A_303] : memref<10000x128xf32, #tpu.memory_space<vmem_shared>> -> memref<10000x128xf32, #tpu.memory_space<vmem_shared>>
          tpu.enqueue_indirect_dma source(%arg12 : memref<128x128xf32, #tpu.memory_space<vmem>>) target(%dma_start3A_304 : memref<10000x128xf32, #tpu.memory_space<vmem_shared>>) offsets(%dma_start3A_301 : memref<128xi32, #tpu.memory_space<vmem>>) semaphore(%run_scoped3A : memref<!tpu.dma_semaphore, #tpu.memory_space<semaphore_mem>>) {add = true}
          %dma_wait3A = arith.constant 0 : i32
          %dma_wait3A_305 = tpu.memref_slice %arg10[%scan3A_74, %dma_wait3A] : memref<16x128xi32, #tpu.memory_space<vmem>> -> memref<1x128xi32, #tpu.memory_space<vmem>>
          %dma_wait3A_306 = tpu.memref_squeeze %dma_wait3A_305 : memref<1x128xi32, #tpu.memory_space<vmem>> -> memref<128xi32, #tpu.memory_space<vmem>>
          %dma_wait3A_307 = arith.constant 0 : i32
          %dma_wait3A_308 = arith.constant 0 : i32
          %dma_wait3A_309 = tpu.memref_slice %arg15[%dma_wait3A_307, %dma_wait3A_308] : memref<10000x128xf32, #tpu.memory_space<vmem_shared>> -> memref<10000x128xf32, #tpu.memory_space<vmem_shared>>
          tpu.wait_indirect_dma semaphore(%run_scoped3A : memref<!tpu.dma_semaphore, #tpu.memory_space<semaphore_mem>>) src(%arg12 : memref<128x128xf32, #tpu.memory_space<vmem>>) dst(%dma_wait3A_309 : memref<10000x128xf32, #tpu.memory_space<vmem_shared>>)
          tpu.yield
        }) : () -> ()
      }
      %scan3A_73 = arith.constant 16 : i32
    }
    %scan3A_34 = arith.constant 9 : i32
    %sub3A = arith.constant 144 : i32
    %sub3A_35 = arith.subi %select_n3A, %sub3A : i32
    %add3A_36 = arith.constant 144 : i32
    %add3A_37 = arith.addi %add3A, %add3A_36 : i32
    "tpu.region"() ({
      %run_scoped3A = tpu.sem_alloc : memref<!tpu.dma_semaphore, #tpu.memory_space<semaphore_mem>>
      %dma_start3A = arith.constant 0 : i32
      %dma_start3A_62 = tpu.memref_slice %arg4[%add3A_37, %dma_start3A] : memref<5120x128xi32, #tpu.memory_space<hbm>> -> memref<16x128xi32, #tpu.memory_space<hbm>>
      %dma_start3A_63 = arith.constant 0 : i32
      %dma_start3A_64 = tpu.memref_slice %arg4[%add3A_37, %dma_start3A_63] : memref<5120x128xi32, #tpu.memory_space<hbm>> -> memref<16x128xi32, #tpu.memory_space<hbm>>
      tpu.enqueue_dma source(%dma_start3A_64 : memref<16x128xi32, #tpu.memory_space<hbm>>) target(%arg9 : memref<16x128xi32, #tpu.memory_space<vmem>>) target_semaphore(%run_scoped3A : memref<!tpu.dma_semaphore, #tpu.memory_space<semaphore_mem>>)
      %dma_wait3A = arith.constant 0 : i32
      %dma_wait3A_65 = tpu.memref_slice %arg4[%add3A_37, %dma_wait3A] : memref<5120x128xi32, #tpu.memory_space<hbm>> -> memref<16x128xi32, #tpu.memory_space<hbm>>
      %dma_wait3A_66 = arith.constant 0 : i32
      %dma_wait3A_67 = tpu.memref_slice %arg4[%add3A_37, %dma_wait3A_66] : memref<5120x128xi32, #tpu.memory_space<hbm>> -> memref<16x128xi32, #tpu.memory_space<hbm>>
      tpu.wait_dma2 semaphore(%run_scoped3A : memref<!tpu.dma_semaphore, #tpu.memory_space<semaphore_mem>>) src(%dma_wait3A_67 : memref<16x128xi32, #tpu.memory_space<hbm>>) dst(%arg9 : memref<16x128xi32, #tpu.memory_space<vmem>>)
      tpu.yield
    }) : () -> ()
    %add3A_38 = arith.constant 144 : i32
    %add3A_39 = arith.addi %add3A, %add3A_38 : i32
    "tpu.region"() ({
      %run_scoped3A = tpu.sem_alloc : memref<!tpu.dma_semaphore, #tpu.memory_space<semaphore_mem>>
      %dma_start3A = arith.constant 0 : i32
      %dma_start3A_62 = tpu.memref_slice %arg5[%add3A_39, %dma_start3A] : memref<5120x128xi32, #tpu.memory_space<hbm>> -> memref<16x128xi32, #tpu.memory_space<hbm>>
      %dma_start3A_63 = arith.constant 0 : i32
      %dma_start3A_64 = tpu.memref_slice %arg5[%add3A_39, %dma_start3A_63] : memref<5120x128xi32, #tpu.memory_space<hbm>> -> memref<16x128xi32, #tpu.memory_space<hbm>>
      tpu.enqueue_dma source(%dma_start3A_64 : memref<16x128xi32, #tpu.memory_space<hbm>>) target(%arg10 : memref<16x128xi32, #tpu.memory_space<vmem>>) target_semaphore(%run_scoped3A : memref<!tpu.dma_semaphore, #tpu.memory_space<semaphore_mem>>)
      %dma_wait3A = arith.constant 0 : i32
      %dma_wait3A_65 = tpu.memref_slice %arg5[%add3A_39, %dma_wait3A] : memref<5120x128xi32, #tpu.memory_space<hbm>> -> memref<16x128xi32, #tpu.memory_space<hbm>>
      %dma_wait3A_66 = arith.constant 0 : i32
      %dma_wait3A_67 = tpu.memref_slice %arg5[%add3A_39, %dma_wait3A_66] : memref<5120x128xi32, #tpu.memory_space<hbm>> -> memref<16x128xi32, #tpu.memory_space<hbm>>
      tpu.wait_dma2 semaphore(%run_scoped3A : memref<!tpu.dma_semaphore, #tpu.memory_space<semaphore_mem>>) src(%dma_wait3A_67 : memref<16x128xi32, #tpu.memory_space<hbm>>) dst(%arg10 : memref<16x128xi32, #tpu.memory_space<vmem>>)
      tpu.yield
    }) : () -> ()
    %while3A = arith.constant 0 : i32
    %while3A_40 = arith.constant 0 : i32
    %while3A_41 = arith.subi %sub3A_35, %while3A_40 : i32
    %while3A_42 = arith.addi %while3A_40, %while3A_41 : i32
    %while3A_43 = arith.constant 1 : i32
    %while3A_44 = arith.divsi %while3A_41, %while3A_43 : i32
    %while3A_45 = arith.muli %while3A_44, %while3A_43 : i32
    %while3A_46 = arith.addi %while3A_40, %while3A_45 : i32
    %while3A_47 = arith.constant 1 : i32
    scf.for %while3A_62 = %while3A_40 to %while3A_46 step %while3A_47  : i32 {
      %get3A = arith.index_cast %while3A_62 : i32 to index
      %get3A_63 = arith.constant 0 : index
      %get3A_64 = tpu.vector_load %arg9[%get3A, %get3A_63] {strides = array<i32>} : memref<16x128xi32, #tpu.memory_space<vmem>>, vector<16xi32>,
      %get3A_65 = arith.index_cast %while3A_62 : i32 to index
      %get3A_66 = arith.constant 0 : index
      %get3A_67 = tpu.vector_load %arg10[%get3A_65, %get3A_66] {strides = array<i32>} : memref<16x128xi32, #tpu.memory_space<vmem>>, vector<16xi32>,
      %add3A_68 = arith.addi %get3A_64, %get3A_64 : vector<16xi32>
      %gather3A = tpu.vector_load_idx %arg8[%add3A_68] : memref<20480xf32, #tpu.memory_space<vmem>>[vector<16xi32>], vector<16xf32>,
      %add3A_69 = arith.addi %get3A_67, %get3A_67 : vector<16xi32>
      %add3A_70 = arith.constant 1 : i32
      %add3A_71 = vector.broadcast %add3A_70 : i32 to vector<16xi32>
      %add3A_72 = arith.addi %add3A_69, %add3A_71 : vector<16xi32>
      %gather3A_73 = tpu.vector_load_idx %arg8[%add3A_72] : memref<20480xf32, #tpu.memory_space<vmem>>[vector<16xi32>], vector<16xf32>,
      %add3A_74 = arith.addf %gather3A, %gather3A_73 : vector<16xf32>
      %gt3A = arith.constant 0.000000e+00 : f32
      %gt3A_75 = vector.broadcast %gt3A : f32 to vector<16xf32>
      %gt3A_76 = arith.cmpf ogt, %add3A_74, %gt3A_75 : vector<16xf32>
      %mul3A_77 = arith.constant 2.000000e-01 : f32
      %mul3A_78 = vector.broadcast %mul3A_77 : f32 to vector<16xf32>
      %mul3A_79 = arith.mulf %mul3A_78, %add3A_74 : vector<16xf32>
      %select_n3A_80 = arith.select %gt3A_76, %add3A_74, %mul3A_79 : vector<16xi1>, vector<16xf32>
      %exp3A = math.exp %select_n3A_80 : vector<16xf32>
      %swap3A = arith.constant 0 : index
      %swap3A_81 = tpu.vector_load %arg11[%swap3A] {strides = array<i32>} : memref<128xf32, #tpu.memory_space<vmem>>, vector<16xf32>,
      tpu.vector_store %arg11[%swap3A], %exp3A {strides = array<i32>} : memref<128xf32, #tpu.memory_space<vmem>>, vector<16xf32>,
      %add3A_82 = arith.addi %get3A_64, %broadcast_in_dim3A : vector<16xi32>
      %swap3A_83 = arith.index_cast %while3A_62 : i32 to index
      %swap3A_84 = arith.constant 0 : index
      %swap3A_85 = tpu.vector_load %arg9[%swap3A_83, %swap3A_84] {strides = array<i32>} : memref<16x128xi32, #tpu.memory_space<vmem>>, vector<16xi32>,
      tpu.vector_store %arg9[%swap3A_83, %swap3A_84], %add3A_82 {strides = array<i32>} : memref<16x128xi32, #tpu.memory_space<vmem>>, vector<16xi32>,
      %get3A_86 = arith.index_cast %while3A_62 : i32 to index
      %get3A_87 = arith.constant 16 : index
      %get3A_88 = tpu.vector_load %arg9[%get3A_86, %get3A_87] {strides = array<i32>} : memref<16x128xi32, #tpu.memory_space<vmem>>, vector<16xi32>,
      %get3A_89 = arith.index_cast %while3A_62 : i32 to index
      %get3A_90 = arith.constant 16 : index
      %get3A_91 = tpu.vector_load %arg10[%get3A_89, %get3A_90] {strides = array<i32>} : memref<16x128xi32, #tpu.memory_space<vmem>>, vector<16xi32>,
      %add3A_92 = arith.addi %get3A_88, %get3A_88 : vector<16xi32>
      %gather3A_93 = tpu.vector_load_idx %arg8[%add3A_92] : memref<20480xf32, #tpu.memory_space<vmem>>[vector<16xi32>], vector<16xf32>,
      %add3A_94 = arith.addi %get3A_91, %get3A_91 : vector<16xi32>
      %add3A_95 = arith.constant 1 : i32
      %add3A_96 = vector.broadcast %add3A_95 : i32 to vector<16xi32>
      %add3A_97 = arith.addi %add3A_94, %add3A_96 : vector<16xi32>
      %gather3A_98 = tpu.vector_load_idx %arg8[%add3A_97] : memref<20480xf32, #tpu.memory_space<vmem>>[vector<16xi32>], vector<16xf32>,
      %add3A_99 = arith.addf %gather3A_93, %gather3A_98 : vector<16xf32>
      %gt3A_100 = arith.constant 0.000000e+00 : f32
      %gt3A_101 = vector.broadcast %gt3A_100 : f32 to vector<16xf32>
      %gt3A_102 = arith.cmpf ogt, %add3A_99, %gt3A_101 : vector<16xf32>
      %mul3A_103 = arith.constant 2.000000e-01 : f32
      %mul3A_104 = vector.broadcast %mul3A_103 : f32 to vector<16xf32>
      %mul3A_105 = arith.mulf %mul3A_104, %add3A_99 : vector<16xf32>
      %select_n3A_106 = arith.select %gt3A_102, %add3A_99, %mul3A_105 : vector<16xi1>, vector<16xf32>
      %exp3A_107 = math.exp %select_n3A_106 : vector<16xf32>
      %swap3A_108 = arith.constant 16 : index
      %swap3A_109 = tpu.vector_load %arg11[%swap3A_108] {strides = array<i32>} : memref<128xf32, #tpu.memory_space<vmem>>, vector<16xf32>,
      tpu.vector_store %arg11[%swap3A_108], %exp3A_107 {strides = array<i32>} : memref<128xf32, #tpu.memory_space<vmem>>, vector<16xf32>,
      %add3A_110 = arith.addi %get3A_88, %broadcast_in_dim3A : vector<16xi32>
      %swap3A_111 = arith.index_cast %while3A_62 : i32 to index
      %swap3A_112 = arith.constant 16 : index
      %swap3A_113 = tpu.vector_load %arg9[%swap3A_111, %swap3A_112] {strides = array<i32>} : memref<16x128xi32, #tpu.memory_space<vmem>>, vector<16xi32>,
      tpu.vector_store %arg9[%swap3A_111, %swap3A_112], %add3A_110 {strides = array<i32>} : memref<16x128xi32, #tpu.memory_space<vmem>>, vector<16xi32>,
      %get3A_114 = arith.index_cast %while3A_62 : i32 to index
      %get3A_115 = arith.constant 32 : index
      %get3A_116 = tpu.vector_load %arg9[%get3A_114, %get3A_115] {strides = array<i32>} : memref<16x128xi32, #tpu.memory_space<vmem>>, vector<16xi32>,
      %get3A_117 = arith.index_cast %while3A_62 : i32 to index
      %get3A_118 = arith.constant 32 : index
      %get3A_119 = tpu.vector_load %arg10[%get3A_117, %get3A_118] {strides = array<i32>} : memref<16x128xi32, #tpu.memory_space<vmem>>, vector<16xi32>,
      %add3A_120 = arith.addi %get3A_116, %get3A_116 : vector<16xi32>
      %gather3A_121 = tpu.vector_load_idx %arg8[%add3A_120] : memref<20480xf32, #tpu.memory_space<vmem>>[vector<16xi32>], vector<16xf32>,
      %add3A_122 = arith.addi %get3A_119, %get3A_119 : vector<16xi32>
      %add3A_123 = arith.constant 1 : i32
      %add3A_124 = vector.broadcast %add3A_123 : i32 to vector<16xi32>
      %add3A_125 = arith.addi %add3A_122, %add3A_124 : vector<16xi32>
      %gather3A_126 = tpu.vector_load_idx %arg8[%add3A_125] : memref<20480xf32, #tpu.memory_space<vmem>>[vector<16xi32>], vector<16xf32>,
      %add3A_127 = arith.addf %gather3A_121, %gather3A_126 : vector<16xf32>
      %gt3A_128 = arith.constant 0.000000e+00 : f32
      %gt3A_129 = vector.broadcast %gt3A_128 : f32 to vector<16xf32>
      %gt3A_130 = arith.cmpf ogt, %add3A_127, %gt3A_129 : vector<16xf32>
      %mul3A_131 = arith.constant 2.000000e-01 : f32
      %mul3A_132 = vector.broadcast %mul3A_131 : f32 to vector<16xf32>
      %mul3A_133 = arith.mulf %mul3A_132, %add3A_127 : vector<16xf32>
      %select_n3A_134 = arith.select %gt3A_130, %add3A_127, %mul3A_133 : vector<16xi1>, vector<16xf32>
      %exp3A_135 = math.exp %select_n3A_134 : vector<16xf32>
      %swap3A_136 = arith.constant 32 : index
      %swap3A_137 = tpu.vector_load %arg11[%swap3A_136] {strides = array<i32>} : memref<128xf32, #tpu.memory_space<vmem>>, vector<16xf32>,
      tpu.vector_store %arg11[%swap3A_136], %exp3A_135 {strides = array<i32>} : memref<128xf32, #tpu.memory_space<vmem>>, vector<16xf32>,
      %add3A_138 = arith.addi %get3A_116, %broadcast_in_dim3A : vector<16xi32>
      %swap3A_139 = arith.index_cast %while3A_62 : i32 to index
      %swap3A_140 = arith.constant 32 : index
      %swap3A_141 = tpu.vector_load %arg9[%swap3A_139, %swap3A_140] {strides = array<i32>} : memref<16x128xi32, #tpu.memory_space<vmem>>, vector<16xi32>,
      tpu.vector_store %arg9[%swap3A_139, %swap3A_140], %add3A_138 {strides = array<i32>} : memref<16x128xi32, #tpu.memory_space<vmem>>, vector<16xi32>,
      %get3A_142 = arith.index_cast %while3A_62 : i32 to index
      %get3A_143 = arith.constant 48 : index
      %get3A_144 = tpu.vector_load %arg9[%get3A_142, %get3A_143] {strides = array<i32>} : memref<16x128xi32, #tpu.memory_space<vmem>>, vector<16xi32>,
      %get3A_145 = arith.index_cast %while3A_62 : i32 to index
      %get3A_146 = arith.constant 48 : index
      %get3A_147 = tpu.vector_load %arg10[%get3A_145, %get3A_146] {strides = array<i32>} : memref<16x128xi32, #tpu.memory_space<vmem>>, vector<16xi32>,
      %add3A_148 = arith.addi %get3A_144, %get3A_144 : vector<16xi32>
      %gather3A_149 = tpu.vector_load_idx %arg8[%add3A_148] : memref<20480xf32, #tpu.memory_space<vmem>>[vector<16xi32>], vector<16xf32>,
      %add3A_150 = arith.addi %get3A_147, %get3A_147 : vector<16xi32>
      %add3A_151 = arith.constant 1 : i32
      %add3A_152 = vector.broadcast %add3A_151 : i32 to vector<16xi32>
      %add3A_153 = arith.addi %add3A_150, %add3A_152 : vector<16xi32>
      %gather3A_154 = tpu.vector_load_idx %arg8[%add3A_153] : memref<20480xf32, #tpu.memory_space<vmem>>[vector<16xi32>], vector<16xf32>,
      %add3A_155 = arith.addf %gather3A_149, %gather3A_154 : vector<16xf32>
      %gt3A_156 = arith.constant 0.000000e+00 : f32
      %gt3A_157 = vector.broadcast %gt3A_156 : f32 to vector<16xf32>
      %gt3A_158 = arith.cmpf ogt, %add3A_155, %gt3A_157 : vector<16xf32>
      %mul3A_159 = arith.constant 2.000000e-01 : f32
      %mul3A_160 = vector.broadcast %mul3A_159 : f32 to vector<16xf32>
      %mul3A_161 = arith.mulf %mul3A_160, %add3A_155 : vector<16xf32>
      %select_n3A_162 = arith.select %gt3A_158, %add3A_155, %mul3A_161 : vector<16xi1>, vector<16xf32>
      %exp3A_163 = math.exp %select_n3A_162 : vector<16xf32>
      %swap3A_164 = arith.constant 48 : index
      %swap3A_165 = tpu.vector_load %arg11[%swap3A_164] {strides = array<i32>} : memref<128xf32, #tpu.memory_space<vmem>>, vector<16xf32>,
      tpu.vector_store %arg11[%swap3A_164], %exp3A_163 {strides = array<i32>} : memref<128xf32, #tpu.memory_space<vmem>>, vector<16xf32>,
      %add3A_166 = arith.addi %get3A_144, %broadcast_in_dim3A : vector<16xi32>
      %swap3A_167 = arith.index_cast %while3A_62 : i32 to index
      %swap3A_168 = arith.constant 48 : index
      %swap3A_169 = tpu.vector_load %arg9[%swap3A_167, %swap3A_168] {strides = array<i32>} : memref<16x128xi32, #tpu.memory_space<vmem>>, vector<16xi32>,
      tpu.vector_store %arg9[%swap3A_167, %swap3A_168], %add3A_166 {strides = array<i32>} : memref<16x128xi32, #tpu.memory_space<vmem>>, vector<16xi32>,
      %get3A_170 = arith.index_cast %while3A_62 : i32 to index
      %get3A_171 = arith.constant 64 : index
      %get3A_172 = tpu.vector_load %arg9[%get3A_170, %get3A_171] {strides = array<i32>} : memref<16x128xi32, #tpu.memory_space<vmem>>, vector<16xi32>,
      %get3A_173 = arith.index_cast %while3A_62 : i32 to index
      %get3A_174 = arith.constant 64 : index
      %get3A_175 = tpu.vector_load %arg10[%get3A_173, %get3A_174] {strides = array<i32>} : memref<16x128xi32, #tpu.memory_space<vmem>>, vector<16xi32>,
      %add3A_176 = arith.addi %get3A_172, %get3A_172 : vector<16xi32>
      %gather3A_177 = tpu.vector_load_idx %arg8[%add3A_176] : memref<20480xf32, #tpu.memory_space<vmem>>[vector<16xi32>], vector<16xf32>,
      %add3A_178 = arith.addi %get3A_175, %get3A_175 : vector<16xi32>
      %add3A_179 = arith.constant 1 : i32
      %add3A_180 = vector.broadcast %add3A_179 : i32 to vector<16xi32>
      %add3A_181 = arith.addi %add3A_178, %add3A_180 : vector<16xi32>
      %gather3A_182 = tpu.vector_load_idx %arg8[%add3A_181] : memref<20480xf32, #tpu.memory_space<vmem>>[vector<16xi32>], vector<16xf32>,
      %add3A_183 = arith.addf %gather3A_177, %gather3A_182 : vector<16xf32>
      %gt3A_184 = arith.constant 0.000000e+00 : f32
      %gt3A_185 = vector.broadcast %gt3A_184 : f32 to vector<16xf32>
      %gt3A_186 = arith.cmpf ogt, %add3A_183, %gt3A_185 : vector<16xf32>
      %mul3A_187 = arith.constant 2.000000e-01 : f32
      %mul3A_188 = vector.broadcast %mul3A_187 : f32 to vector<16xf32>
      %mul3A_189 = arith.mulf %mul3A_188, %add3A_183 : vector<16xf32>
      %select_n3A_190 = arith.select %gt3A_186, %add3A_183, %mul3A_189 : vector<16xi1>, vector<16xf32>
      %exp3A_191 = math.exp %select_n3A_190 : vector<16xf32>
      %swap3A_192 = arith.constant 64 : index
      %swap3A_193 = tpu.vector_load %arg11[%swap3A_192] {strides = array<i32>} : memref<128xf32, #tpu.memory_space<vmem>>, vector<16xf32>,
      tpu.vector_store %arg11[%swap3A_192], %exp3A_191 {strides = array<i32>} : memref<128xf32, #tpu.memory_space<vmem>>, vector<16xf32>,
      %add3A_194 = arith.addi %get3A_172, %broadcast_in_dim3A : vector<16xi32>
      %swap3A_195 = arith.index_cast %while3A_62 : i32 to index
      %swap3A_196 = arith.constant 64 : index
      %swap3A_197 = tpu.vector_load %arg9[%swap3A_195, %swap3A_196] {strides = array<i32>} : memref<16x128xi32, #tpu.memory_space<vmem>>, vector<16xi32>,
      tpu.vector_store %arg9[%swap3A_195, %swap3A_196], %add3A_194 {strides = array<i32>} : memref<16x128xi32, #tpu.memory_space<vmem>>, vector<16xi32>,
      %get3A_198 = arith.index_cast %while3A_62 : i32 to index
      %get3A_199 = arith.constant 80 : index
      %get3A_200 = tpu.vector_load %arg9[%get3A_198, %get3A_199] {strides = array<i32>} : memref<16x128xi32, #tpu.memory_space<vmem>>, vector<16xi32>,
      %get3A_201 = arith.index_cast %while3A_62 : i32 to index
      %get3A_202 = arith.constant 80 : index
      %get3A_203 = tpu.vector_load %arg10[%get3A_201, %get3A_202] {strides = array<i32>} : memref<16x128xi32, #tpu.memory_space<vmem>>, vector<16xi32>,
      %add3A_204 = arith.addi %get3A_200, %get3A_200 : vector<16xi32>
      %gather3A_205 = tpu.vector_load_idx %arg8[%add3A_204] : memref<20480xf32, #tpu.memory_space<vmem>>[vector<16xi32>], vector<16xf32>,
      %add3A_206 = arith.addi %get3A_203, %get3A_203 : vector<16xi32>
      %add3A_207 = arith.constant 1 : i32
      %add3A_208 = vector.broadcast %add3A_207 : i32 to vector<16xi32>
      %add3A_209 = arith.addi %add3A_206, %add3A_208 : vector<16xi32>
      %gather3A_210 = tpu.vector_load_idx %arg8[%add3A_209] : memref<20480xf32, #tpu.memory_space<vmem>>[vector<16xi32>], vector<16xf32>,
      %add3A_211 = arith.addf %gather3A_205, %gather3A_210 : vector<16xf32>
      %gt3A_212 = arith.constant 0.000000e+00 : f32
      %gt3A_213 = vector.broadcast %gt3A_212 : f32 to vector<16xf32>
      %gt3A_214 = arith.cmpf ogt, %add3A_211, %gt3A_213 : vector<16xf32>
      %mul3A_215 = arith.constant 2.000000e-01 : f32
      %mul3A_216 = vector.broadcast %mul3A_215 : f32 to vector<16xf32>
      %mul3A_217 = arith.mulf %mul3A_216, %add3A_211 : vector<16xf32>
      %select_n3A_218 = arith.select %gt3A_214, %add3A_211, %mul3A_217 : vector<16xi1>, vector<16xf32>
      %exp3A_219 = math.exp %select_n3A_218 : vector<16xf32>
      %swap3A_220 = arith.constant 80 : index
      %swap3A_221 = tpu.vector_load %arg11[%swap3A_220] {strides = array<i32>} : memref<128xf32, #tpu.memory_space<vmem>>, vector<16xf32>,
      tpu.vector_store %arg11[%swap3A_220], %exp3A_219 {strides = array<i32>} : memref<128xf32, #tpu.memory_space<vmem>>, vector<16xf32>,
      %add3A_222 = arith.addi %get3A_200, %broadcast_in_dim3A : vector<16xi32>
      %swap3A_223 = arith.index_cast %while3A_62 : i32 to index
      %swap3A_224 = arith.constant 80 : index
      %swap3A_225 = tpu.vector_load %arg9[%swap3A_223, %swap3A_224] {strides = array<i32>} : memref<16x128xi32, #tpu.memory_space<vmem>>, vector<16xi32>,
      tpu.vector_store %arg9[%swap3A_223, %swap3A_224], %add3A_222 {strides = array<i32>} : memref<16x128xi32, #tpu.memory_space<vmem>>, vector<16xi32>,
      %get3A_226 = arith.index_cast %while3A_62 : i32 to index
      %get3A_227 = arith.constant 96 : index
      %get3A_228 = tpu.vector_load %arg9[%get3A_226, %get3A_227] {strides = array<i32>} : memref<16x128xi32, #tpu.memory_space<vmem>>, vector<16xi32>,
      %get3A_229 = arith.index_cast %while3A_62 : i32 to index
      %get3A_230 = arith.constant 96 : index
      %get3A_231 = tpu.vector_load %arg10[%get3A_229, %get3A_230] {strides = array<i32>} : memref<16x128xi32, #tpu.memory_space<vmem>>, vector<16xi32>,
      %add3A_232 = arith.addi %get3A_228, %get3A_228 : vector<16xi32>
      %gather3A_233 = tpu.vector_load_idx %arg8[%add3A_232] : memref<20480xf32, #tpu.memory_space<vmem>>[vector<16xi32>], vector<16xf32>,
      %add3A_234 = arith.addi %get3A_231, %get3A_231 : vector<16xi32>
      %add3A_235 = arith.constant 1 : i32
      %add3A_236 = vector.broadcast %add3A_235 : i32 to vector<16xi32>
      %add3A_237 = arith.addi %add3A_234, %add3A_236 : vector<16xi32>
      %gather3A_238 = tpu.vector_load_idx %arg8[%add3A_237] : memref<20480xf32, #tpu.memory_space<vmem>>[vector<16xi32>], vector<16xf32>,
      %add3A_239 = arith.addf %gather3A_233, %gather3A_238 : vector<16xf32>
      %gt3A_240 = arith.constant 0.000000e+00 : f32
      %gt3A_241 = vector.broadcast %gt3A_240 : f32 to vector<16xf32>
      %gt3A_242 = arith.cmpf ogt, %add3A_239, %gt3A_241 : vector<16xf32>
      %mul3A_243 = arith.constant 2.000000e-01 : f32
      %mul3A_244 = vector.broadcast %mul3A_243 : f32 to vector<16xf32>
      %mul3A_245 = arith.mulf %mul3A_244, %add3A_239 : vector<16xf32>
      %select_n3A_246 = arith.select %gt3A_242, %add3A_239, %mul3A_245 : vector<16xi1>, vector<16xf32>
      %exp3A_247 = math.exp %select_n3A_246 : vector<16xf32>
      %swap3A_248 = arith.constant 96 : index
      %swap3A_249 = tpu.vector_load %arg11[%swap3A_248] {strides = array<i32>} : memref<128xf32, #tpu.memory_space<vmem>>, vector<16xf32>,
      tpu.vector_store %arg11[%swap3A_248], %exp3A_247 {strides = array<i32>} : memref<128xf32, #tpu.memory_space<vmem>>, vector<16xf32>,
      %add3A_250 = arith.addi %get3A_228, %broadcast_in_dim3A : vector<16xi32>
      %swap3A_251 = arith.index_cast %while3A_62 : i32 to index
      %swap3A_252 = arith.constant 96 : index
      %swap3A_253 = tpu.vector_load %arg9[%swap3A_251, %swap3A_252] {strides = array<i32>} : memref<16x128xi32, #tpu.memory_space<vmem>>, vector<16xi32>,
      tpu.vector_store %arg9[%swap3A_251, %swap3A_252], %add3A_250 {strides = array<i32>} : memref<16x128xi32, #tpu.memory_space<vmem>>, vector<16xi32>,
      %get3A_254 = arith.index_cast %while3A_62 : i32 to index
      %get3A_255 = arith.constant 112 : index
      %get3A_256 = tpu.vector_load %arg9[%get3A_254, %get3A_255] {strides = array<i32>} : memref<16x128xi32, #tpu.memory_space<vmem>>, vector<16xi32>,
      %get3A_257 = arith.index_cast %while3A_62 : i32 to index
      %get3A_258 = arith.constant 112 : index
      %get3A_259 = tpu.vector_load %arg10[%get3A_257, %get3A_258] {strides = array<i32>} : memref<16x128xi32, #tpu.memory_space<vmem>>, vector<16xi32>,
      %add3A_260 = arith.addi %get3A_256, %get3A_256 : vector<16xi32>
      %gather3A_261 = tpu.vector_load_idx %arg8[%add3A_260] : memref<20480xf32, #tpu.memory_space<vmem>>[vector<16xi32>], vector<16xf32>,
      %add3A_262 = arith.addi %get3A_259, %get3A_259 : vector<16xi32>
      %add3A_263 = arith.constant 1 : i32
      %add3A_264 = vector.broadcast %add3A_263 : i32 to vector<16xi32>
      %add3A_265 = arith.addi %add3A_262, %add3A_264 : vector<16xi32>
      %gather3A_266 = tpu.vector_load_idx %arg8[%add3A_265] : memref<20480xf32, #tpu.memory_space<vmem>>[vector<16xi32>], vector<16xf32>,
      %add3A_267 = arith.addf %gather3A_261, %gather3A_266 : vector<16xf32>
      %gt3A_268 = arith.constant 0.000000e+00 : f32
      %gt3A_269 = vector.broadcast %gt3A_268 : f32 to vector<16xf32>
      %gt3A_270 = arith.cmpf ogt, %add3A_267, %gt3A_269 : vector<16xf32>
      %mul3A_271 = arith.constant 2.000000e-01 : f32
      %mul3A_272 = vector.broadcast %mul3A_271 : f32 to vector<16xf32>
      %mul3A_273 = arith.mulf %mul3A_272, %add3A_267 : vector<16xf32>
      %select_n3A_274 = arith.select %gt3A_270, %add3A_267, %mul3A_273 : vector<16xi1>, vector<16xf32>
      %exp3A_275 = math.exp %select_n3A_274 : vector<16xf32>
      %swap3A_276 = arith.constant 112 : index
      %swap3A_277 = tpu.vector_load %arg11[%swap3A_276] {strides = array<i32>} : memref<128xf32, #tpu.memory_space<vmem>>, vector<16xf32>,
      tpu.vector_store %arg11[%swap3A_276], %exp3A_275 {strides = array<i32>} : memref<128xf32, #tpu.memory_space<vmem>>, vector<16xf32>,
      %add3A_278 = arith.addi %get3A_256, %broadcast_in_dim3A : vector<16xi32>
      %swap3A_279 = arith.index_cast %while3A_62 : i32 to index
      %swap3A_280 = arith.constant 112 : index
      %swap3A_281 = tpu.vector_load %arg9[%swap3A_279, %swap3A_280] {strides = array<i32>} : memref<16x128xi32, #tpu.memory_space<vmem>>, vector<16xi32>,
      tpu.vector_store %arg9[%swap3A_279, %swap3A_280], %add3A_278 {strides = array<i32>} : memref<16x128xi32, #tpu.memory_space<vmem>>, vector<16xi32>,
      "tpu.region"() ({
        %run_scoped3A = tpu.sem_alloc : memref<!tpu.dma_semaphore, #tpu.memory_space<semaphore_mem>>
        %dma_start3A = arith.constant 0 : i32
        %dma_start3A_288 = tpu.memref_slice %arg10[%while3A_62, %dma_start3A] : memref<16x128xi32, #tpu.memory_space<vmem>> -> memref<1x128xi32, #tpu.memory_space<vmem>>
        %dma_start3A_289 = tpu.memref_squeeze %dma_start3A_288 : memref<1x128xi32, #tpu.memory_space<vmem>> -> memref<128xi32, #tpu.memory_space<vmem>>
        %dma_start3A_290 = arith.constant 0 : i32
        %dma_start3A_291 = tpu.memref_slice %arg14[%dma_start3A_290] : memref<10000xf32, #tpu.memory_space<vmem_shared>> -> memref<10000xf32, #tpu.memory_space<vmem_shared>>
        tpu.enqueue_indirect_dma source(%arg11 : memref<128xf32, #tpu.memory_space<vmem>>) target(%dma_start3A_291 : memref<10000xf32, #tpu.memory_space<vmem_shared>>) offsets(%dma_start3A_289 : memref<128xi32, #tpu.memory_space<vmem>>) semaphore(%run_scoped3A : memref<!tpu.dma_semaphore, #tpu.memory_space<semaphore_mem>>) {add = true}
        %dma_wait3A = arith.constant 0 : i32
        %dma_wait3A_292 = tpu.memref_slice %arg10[%while3A_62, %dma_wait3A] : memref<16x128xi32, #tpu.memory_space<vmem>> -> memref<1x128xi32, #tpu.memory_space<vmem>>
        %dma_wait3A_293 = tpu.memref_squeeze %dma_wait3A_292 : memref<1x128xi32, #tpu.memory_space<vmem>> -> memref<128xi32, #tpu.memory_space<vmem>>
        %dma_wait3A_294 = arith.constant 0 : i32
        %dma_wait3A_295 = tpu.memref_slice %arg14[%dma_wait3A_294] : memref<10000xf32, #tpu.memory_space<vmem_shared>> -> memref<10000xf32, #tpu.memory_space<vmem_shared>>
        tpu.wait_indirect_dma semaphore(%run_scoped3A : memref<!tpu.dma_semaphore, #tpu.memory_space<semaphore_mem>>) src(%arg11 : memref<128xf32, #tpu.memory_space<vmem>>) dst(%dma_wait3A_295 : memref<10000xf32, #tpu.memory_space<vmem_shared>>)
        tpu.yield
      }) : () -> ()
      "tpu.region"() ({
        %run_scoped3A = tpu.sem_alloc : memref<!tpu.dma_semaphore, #tpu.memory_space<semaphore_mem>>
        %dma_start3A = arith.constant 0 : i32
        %dma_start3A_288 = tpu.memref_slice %arg9[%while3A_62, %dma_start3A] : memref<16x128xi32, #tpu.memory_space<vmem>> -> memref<1x128xi32, #tpu.memory_space<vmem>>
        %dma_start3A_289 = tpu.memref_squeeze %dma_start3A_288 : memref<1x128xi32, #tpu.memory_space<vmem>> -> memref<128xi32, #tpu.memory_space<vmem>>
        %dma_start3A_290 = arith.constant 0 : i32
        %dma_start3A_291 = arith.constant 0 : i32
        %dma_start3A_292 = tpu.memref_slice %arg2[%dma_start3A_290, %dma_start3A_291] : memref<20000x128xf32, #tpu.memory_space<hbm>> -> memref<20000x128xf32, #tpu.memory_space<hbm>>
        tpu.enqueue_indirect_dma source(%dma_start3A_292 : memref<20000x128xf32, #tpu.memory_space<hbm>>) target(%arg12 : memref<128x128xf32, #tpu.memory_space<vmem>>) offsets(%dma_start3A_289 : memref<128xi32, #tpu.memory_space<vmem>>) semaphore(%run_scoped3A : memref<!tpu.dma_semaphore, #tpu.memory_space<semaphore_mem>>)
        %dma_wait3A = arith.constant 0 : i32
        %dma_wait3A_293 = tpu.memref_slice %arg9[%while3A_62, %dma_wait3A] : memref<16x128xi32, #tpu.memory_space<vmem>> -> memref<1x128xi32, #tpu.memory_space<vmem>>
        %dma_wait3A_294 = tpu.memref_squeeze %dma_wait3A_293 : memref<1x128xi32, #tpu.memory_space<vmem>> -> memref<128xi32, #tpu.memory_space<vmem>>
        %dma_wait3A_295 = arith.constant 0 : i32
        %dma_wait3A_296 = arith.constant 0 : i32
        %dma_wait3A_297 = tpu.memref_slice %arg2[%dma_wait3A_295, %dma_wait3A_296] : memref<20000x128xf32, #tpu.memory_space<hbm>> -> memref<20000x128xf32, #tpu.memory_space<hbm>>
        tpu.wait_indirect_dma semaphore(%run_scoped3A : memref<!tpu.dma_semaphore, #tpu.memory_space<semaphore_mem>>) src(%dma_wait3A_297 : memref<20000x128xf32, #tpu.memory_space<hbm>>) dst(%arg12 : memref<128x128xf32, #tpu.memory_space<vmem>>)
        tpu.yield
      }) : () -> ()
      %scan3A_282 = arith.constant 0 : i32
      %scan3A_283 = arith.constant 0 : i32
      %scan3A_284 = arith.constant 128 : i32
      %scan3A_285 = arith.addi %scan3A_283, %scan3A_284 : i32
      %scan3A_286 = arith.constant 1 : i32
      scf.for %scan3A_288 = %scan3A_283 to %scan3A_285 step %scan3A_286  : i32 {
        %broadcast_in_dim3A_289 = vector.broadcast %scan3A_288 : i32 to vector<16xi32>
        %gather3A_290 = tpu.vector_load_idx %arg11[%broadcast_in_dim3A_289] : memref<128xf32, #tpu.memory_space<vmem>>[vector<16xi32>], vector<16xf32>,
        %get3A_291 = arith.index_cast %scan3A_288 : i32 to index
        %get3A_292 = arith.constant 0 : index
        %get3A_293 = tpu.vector_load %arg12[%get3A_291, %get3A_292] {strides = array<i32>} : memref<128x128xf32, #tpu.memory_space<vmem>>, vector<16xf32>,
        %mul3A_294 = arith.mulf %get3A_293, %gather3A_290 : vector<16xf32>
        %swap3A_295 = arith.index_cast %scan3A_288 : i32 to index
        %swap3A_296 = arith.constant 0 : index
        %swap3A_297 = tpu.vector_load %arg12[%swap3A_295, %swap3A_296] {strides = array<i32>} : memref<128x128xf32, #tpu.memory_space<vmem>>, vector<16xf32>,
        tpu.vector_store %arg12[%swap3A_295, %swap3A_296], %mul3A_294 {strides = array<i32>} : memref<128x128xf32, #tpu.memory_space<vmem>>, vector<16xf32>,
        %get3A_298 = arith.index_cast %scan3A_288 : i32 to index
        %get3A_299 = arith.constant 16 : index
        %get3A_300 = tpu.vector_load %arg12[%get3A_298, %get3A_299] {strides = array<i32>} : memref<128x128xf32, #tpu.memory_space<vmem>>, vector<16xf32>,
        %mul3A_301 = arith.mulf %get3A_300, %gather3A_290 : vector<16xf32>
        %swap3A_302 = arith.index_cast %scan3A_288 : i32 to index
        %swap3A_303 = arith.constant 16 : index
        %swap3A_304 = tpu.vector_load %arg12[%swap3A_302, %swap3A_303] {strides = array<i32>} : memref<128x128xf32, #tpu.memory_space<vmem>>, vector<16xf32>,
        tpu.vector_store %arg12[%swap3A_302, %swap3A_303], %mul3A_301 {strides = array<i32>} : memref<128x128xf32, #tpu.memory_space<vmem>>, vector<16xf32>,
        %get3A_305 = arith.index_cast %scan3A_288 : i32 to index
        %get3A_306 = arith.constant 32 : index
        %get3A_307 = tpu.vector_load %arg12[%get3A_305, %get3A_306] {strides = array<i32>} : memref<128x128xf32, #tpu.memory_space<vmem>>, vector<16xf32>,
        %mul3A_308 = arith.mulf %get3A_307, %gather3A_290 : vector<16xf32>
        %swap3A_309 = arith.index_cast %scan3A_288 : i32 to index
        %swap3A_310 = arith.constant 32 : index
        %swap3A_311 = tpu.vector_load %arg12[%swap3A_309, %swap3A_310] {strides = array<i32>} : memref<128x128xf32, #tpu.memory_space<vmem>>, vector<16xf32>,
        tpu.vector_store %arg12[%swap3A_309, %swap3A_310], %mul3A_308 {strides = array<i32>} : memref<128x128xf32, #tpu.memory_space<vmem>>, vector<16xf32>,
        %get3A_312 = arith.index_cast %scan3A_288 : i32 to index
        %get3A_313 = arith.constant 48 : index
        %get3A_314 = tpu.vector_load %arg12[%get3A_312, %get3A_313] {strides = array<i32>} : memref<128x128xf32, #tpu.memory_space<vmem>>, vector<16xf32>,
        %mul3A_315 = arith.mulf %get3A_314, %gather3A_290 : vector<16xf32>
        %swap3A_316 = arith.index_cast %scan3A_288 : i32 to index
        %swap3A_317 = arith.constant 48 : index
        %swap3A_318 = tpu.vector_load %arg12[%swap3A_316, %swap3A_317] {strides = array<i32>} : memref<128x128xf32, #tpu.memory_space<vmem>>, vector<16xf32>,
        tpu.vector_store %arg12[%swap3A_316, %swap3A_317], %mul3A_315 {strides = array<i32>} : memref<128x128xf32, #tpu.memory_space<vmem>>, vector<16xf32>,
        %get3A_319 = arith.index_cast %scan3A_288 : i32 to index
        %get3A_320 = arith.constant 64 : index
        %get3A_321 = tpu.vector_load %arg12[%get3A_319, %get3A_320] {strides = array<i32>} : memref<128x128xf32, #tpu.memory_space<vmem>>, vector<16xf32>,
        %mul3A_322 = arith.mulf %get3A_321, %gather3A_290 : vector<16xf32>
        %swap3A_323 = arith.index_cast %scan3A_288 : i32 to index
        %swap3A_324 = arith.constant 64 : index
        %swap3A_325 = tpu.vector_load %arg12[%swap3A_323, %swap3A_324] {strides = array<i32>} : memref<128x128xf32, #tpu.memory_space<vmem>>, vector<16xf32>,
        tpu.vector_store %arg12[%swap3A_323, %swap3A_324], %mul3A_322 {strides = array<i32>} : memref<128x128xf32, #tpu.memory_space<vmem>>, vector<16xf32>,
        %get3A_326 = arith.index_cast %scan3A_288 : i32 to index
        %get3A_327 = arith.constant 80 : index
        %get3A_328 = tpu.vector_load %arg12[%get3A_326, %get3A_327] {strides = array<i32>} : memref<128x128xf32, #tpu.memory_space<vmem>>, vector<16xf32>,
        %mul3A_329 = arith.mulf %get3A_328, %gather3A_290 : vector<16xf32>
        %swap3A_330 = arith.index_cast %scan3A_288 : i32 to index
        %swap3A_331 = arith.constant 80 : index
        %swap3A_332 = tpu.vector_load %arg12[%swap3A_330, %swap3A_331] {strides = array<i32>} : memref<128x128xf32, #tpu.memory_space<vmem>>, vector<16xf32>,
        tpu.vector_store %arg12[%swap3A_330, %swap3A_331], %mul3A_329 {strides = array<i32>} : memref<128x128xf32, #tpu.memory_space<vmem>>, vector<16xf32>,
        %get3A_333 = arith.index_cast %scan3A_288 : i32 to index
        %get3A_334 = arith.constant 96 : index
        %get3A_335 = tpu.vector_load %arg12[%get3A_333, %get3A_334] {strides = array<i32>} : memref<128x128xf32, #tpu.memory_space<vmem>>, vector<16xf32>,
        %mul3A_336 = arith.mulf %get3A_335, %gather3A_290 : vector<16xf32>
        %swap3A_337 = arith.index_cast %scan3A_288 : i32 to index
        %swap3A_338 = arith.constant 96 : index
        %swap3A_339 = tpu.vector_load %arg12[%swap3A_337, %swap3A_338] {strides = array<i32>} : memref<128x128xf32, #tpu.memory_space<vmem>>, vector<16xf32>,
        tpu.vector_store %arg12[%swap3A_337, %swap3A_338], %mul3A_336 {strides = array<i32>} : memref<128x128xf32, #tpu.memory_space<vmem>>, vector<16xf32>,
        %get3A_340 = arith.index_cast %scan3A_288 : i32 to index
        %get3A_341 = arith.constant 112 : index
        %get3A_342 = tpu.vector_load %arg12[%get3A_340, %get3A_341] {strides = array<i32>} : memref<128x128xf32, #tpu.memory_space<vmem>>, vector<16xf32>,
        %mul3A_343 = arith.mulf %get3A_342, %gather3A_290 : vector<16xf32>
        %swap3A_344 = arith.index_cast %scan3A_288 : i32 to index
        %swap3A_345 = arith.constant 112 : index
        %swap3A_346 = tpu.vector_load %arg12[%swap3A_344, %swap3A_345] {strides = array<i32>} : memref<128x128xf32, #tpu.memory_space<vmem>>, vector<16xf32>,
        tpu.vector_store %arg12[%swap3A_344, %swap3A_345], %mul3A_343 {strides = array<i32>} : memref<128x128xf32, #tpu.memory_space<vmem>>, vector<16xf32>,
      }
      %scan3A_287 = arith.constant 128 : i32
      "tpu.region"() ({
        %run_scoped3A = tpu.sem_alloc : memref<!tpu.dma_semaphore, #tpu.memory_space<semaphore_mem>>
        %dma_start3A = arith.constant 0 : i32
        %dma_start3A_288 = tpu.memref_slice %arg10[%while3A_62, %dma_start3A] : memref<16x128xi32, #tpu.memory_space<vmem>> -> memref<1x128xi32, #tpu.memory_space<vmem>>
        %dma_start3A_289 = tpu.memref_squeeze %dma_start3A_288 : memref<1x128xi32, #tpu.memory_space<vmem>> -> memref<128xi32, #tpu.memory_space<vmem>>
        %dma_start3A_290 = arith.constant 0 : i32
        %dma_start3A_291 = arith.constant 0 : i32
        %dma_start3A_292 = tpu.memref_slice %arg15[%dma_start3A_290, %dma_start3A_291] : memref<10000x128xf32, #tpu.memory_space<vmem_shared>> -> memref<10000x128xf32, #tpu.memory_space<vmem_shared>>
        tpu.enqueue_indirect_dma source(%arg12 : memref<128x128xf32, #tpu.memory_space<vmem>>) target(%dma_start3A_292 : memref<10000x128xf32, #tpu.memory_space<vmem_shared>>) offsets(%dma_start3A_289 : memref<128xi32, #tpu.memory_space<vmem>>) semaphore(%run_scoped3A : memref<!tpu.dma_semaphore, #tpu.memory_space<semaphore_mem>>) {add = true}
        %dma_wait3A = arith.constant 0 : i32
        %dma_wait3A_293 = tpu.memref_slice %arg10[%while3A_62, %dma_wait3A] : memref<16x128xi32, #tpu.memory_space<vmem>> -> memref<1x128xi32, #tpu.memory_space<vmem>>
        %dma_wait3A_294 = tpu.memref_squeeze %dma_wait3A_293 : memref<1x128xi32, #tpu.memory_space<vmem>> -> memref<128xi32, #tpu.memory_space<vmem>>
        %dma_wait3A_295 = arith.constant 0 : i32
        %dma_wait3A_296 = arith.constant 0 : i32
        %dma_wait3A_297 = tpu.memref_slice %arg15[%dma_wait3A_295, %dma_wait3A_296] : memref<10000x128xf32, #tpu.memory_space<vmem_shared>> -> memref<10000x128xf32, #tpu.memory_space<vmem_shared>>
        tpu.wait_indirect_dma semaphore(%run_scoped3A : memref<!tpu.dma_semaphore, #tpu.memory_space<semaphore_mem>>) src(%arg12 : memref<128x128xf32, #tpu.memory_space<vmem>>) dst(%dma_wait3A_297 : memref<10000x128xf32, #tpu.memory_space<vmem_shared>>)
        tpu.yield
      }) : () -> ()
    }
    %while3A_48 = arith.constant 1 : i32
    scf.for %while3A_62 = %while3A_46 to %while3A_42 step %while3A_48  : i32 {
      %get3A = arith.index_cast %while3A_62 : i32 to index
      %get3A_63 = arith.constant 0 : index
      %get3A_64 = tpu.vector_load %arg9[%get3A, %get3A_63] {strides = array<i32>} : memref<16x128xi32, #tpu.memory_space<vmem>>, vector<16xi32>,
      %get3A_65 = arith.index_cast %while3A_62 : i32 to index
      %get3A_66 = arith.constant 0 : index
      %get3A_67 = tpu.vector_load %arg10[%get3A_65, %get3A_66] {strides = array<i32>} : memref<16x128xi32, #tpu.memory_space<vmem>>, vector<16xi32>,
      %add3A_68 = arith.addi %get3A_64, %get3A_64 : vector<16xi32>
      %gather3A = tpu.vector_load_idx %arg8[%add3A_68] : memref<20480xf32, #tpu.memory_space<vmem>>[vector<16xi32>], vector<16xf32>,
      %add3A_69 = arith.addi %get3A_67, %get3A_67 : vector<16xi32>
      %add3A_70 = arith.constant 1 : i32
      %add3A_71 = vector.broadcast %add3A_70 : i32 to vector<16xi32>
      %add3A_72 = arith.addi %add3A_69, %add3A_71 : vector<16xi32>
      %gather3A_73 = tpu.vector_load_idx %arg8[%add3A_72] : memref<20480xf32, #tpu.memory_space<vmem>>[vector<16xi32>], vector<16xf32>,
      %add3A_74 = arith.addf %gather3A, %gather3A_73 : vector<16xf32>
      %gt3A = arith.constant 0.000000e+00 : f32
      %gt3A_75 = vector.broadcast %gt3A : f32 to vector<16xf32>
      %gt3A_76 = arith.cmpf ogt, %add3A_74, %gt3A_75 : vector<16xf32>
      %mul3A_77 = arith.constant 2.000000e-01 : f32
      %mul3A_78 = vector.broadcast %mul3A_77 : f32 to vector<16xf32>
      %mul3A_79 = arith.mulf %mul3A_78, %add3A_74 : vector<16xf32>
      %select_n3A_80 = arith.select %gt3A_76, %add3A_74, %mul3A_79 : vector<16xi1>, vector<16xf32>
      %exp3A = math.exp %select_n3A_80 : vector<16xf32>
      %swap3A = arith.constant 0 : index
      %swap3A_81 = tpu.vector_load %arg11[%swap3A] {strides = array<i32>} : memref<128xf32, #tpu.memory_space<vmem>>, vector<16xf32>,
      tpu.vector_store %arg11[%swap3A], %exp3A {strides = array<i32>} : memref<128xf32, #tpu.memory_space<vmem>>, vector<16xf32>,
      %add3A_82 = arith.addi %get3A_64, %broadcast_in_dim3A : vector<16xi32>
      %swap3A_83 = arith.index_cast %while3A_62 : i32 to index
      %swap3A_84 = arith.constant 0 : index
      %swap3A_85 = tpu.vector_load %arg9[%swap3A_83, %swap3A_84] {strides = array<i32>} : memref<16x128xi32, #tpu.memory_space<vmem>>, vector<16xi32>,
      tpu.vector_store %arg9[%swap3A_83, %swap3A_84], %add3A_82 {strides = array<i32>} : memref<16x128xi32, #tpu.memory_space<vmem>>, vector<16xi32>,
      %get3A_86 = arith.index_cast %while3A_62 : i32 to index
      %get3A_87 = arith.constant 16 : index
      %get3A_88 = tpu.vector_load %arg9[%get3A_86, %get3A_87] {strides = array<i32>} : memref<16x128xi32, #tpu.memory_space<vmem>>, vector<16xi32>,
      %get3A_89 = arith.index_cast %while3A_62 : i32 to index
      %get3A_90 = arith.constant 16 : index
      %get3A_91 = tpu.vector_load %arg10[%get3A_89, %get3A_90] {strides = array<i32>} : memref<16x128xi32, #tpu.memory_space<vmem>>, vector<16xi32>,
      %add3A_92 = arith.addi %get3A_88, %get3A_88 : vector<16xi32>
      %gather3A_93 = tpu.vector_load_idx %arg8[%add3A_92] : memref<20480xf32, #tpu.memory_space<vmem>>[vector<16xi32>], vector<16xf32>,
      %add3A_94 = arith.addi %get3A_91, %get3A_91 : vector<16xi32>
      %add3A_95 = arith.constant 1 : i32
      %add3A_96 = vector.broadcast %add3A_95 : i32 to vector<16xi32>
      %add3A_97 = arith.addi %add3A_94, %add3A_96 : vector<16xi32>
      %gather3A_98 = tpu.vector_load_idx %arg8[%add3A_97] : memref<20480xf32, #tpu.memory_space<vmem>>[vector<16xi32>], vector<16xf32>,
      %add3A_99 = arith.addf %gather3A_93, %gather3A_98 : vector<16xf32>
      %gt3A_100 = arith.constant 0.000000e+00 : f32
      %gt3A_101 = vector.broadcast %gt3A_100 : f32 to vector<16xf32>
      %gt3A_102 = arith.cmpf ogt, %add3A_99, %gt3A_101 : vector<16xf32>
      %mul3A_103 = arith.constant 2.000000e-01 : f32
      %mul3A_104 = vector.broadcast %mul3A_103 : f32 to vector<16xf32>
      %mul3A_105 = arith.mulf %mul3A_104, %add3A_99 : vector<16xf32>
      %select_n3A_106 = arith.select %gt3A_102, %add3A_99, %mul3A_105 : vector<16xi1>, vector<16xf32>
      %exp3A_107 = math.exp %select_n3A_106 : vector<16xf32>
      %swap3A_108 = arith.constant 16 : index
      %swap3A_109 = tpu.vector_load %arg11[%swap3A_108] {strides = array<i32>} : memref<128xf32, #tpu.memory_space<vmem>>, vector<16xf32>,
      tpu.vector_store %arg11[%swap3A_108], %exp3A_107 {strides = array<i32>} : memref<128xf32, #tpu.memory_space<vmem>>, vector<16xf32>,
      %add3A_110 = arith.addi %get3A_88, %broadcast_in_dim3A : vector<16xi32>
      %swap3A_111 = arith.index_cast %while3A_62 : i32 to index
      %swap3A_112 = arith.constant 16 : index
      %swap3A_113 = tpu.vector_load %arg9[%swap3A_111, %swap3A_112] {strides = array<i32>} : memref<16x128xi32, #tpu.memory_space<vmem>>, vector<16xi32>,
      tpu.vector_store %arg9[%swap3A_111, %swap3A_112], %add3A_110 {strides = array<i32>} : memref<16x128xi32, #tpu.memory_space<vmem>>, vector<16xi32>,
      %get3A_114 = arith.index_cast %while3A_62 : i32 to index
      %get3A_115 = arith.constant 32 : index
      %get3A_116 = tpu.vector_load %arg9[%get3A_114, %get3A_115] {strides = array<i32>} : memref<16x128xi32, #tpu.memory_space<vmem>>, vector<16xi32>,
      %get3A_117 = arith.index_cast %while3A_62 : i32 to index
      %get3A_118 = arith.constant 32 : index
      %get3A_119 = tpu.vector_load %arg10[%get3A_117, %get3A_118] {strides = array<i32>} : memref<16x128xi32, #tpu.memory_space<vmem>>, vector<16xi32>,
      %add3A_120 = arith.addi %get3A_116, %get3A_116 : vector<16xi32>
      %gather3A_121 = tpu.vector_load_idx %arg8[%add3A_120] : memref<20480xf32, #tpu.memory_space<vmem>>[vector<16xi32>], vector<16xf32>,
      %add3A_122 = arith.addi %get3A_119, %get3A_119 : vector<16xi32>
      %add3A_123 = arith.constant 1 : i32
      %add3A_124 = vector.broadcast %add3A_123 : i32 to vector<16xi32>
      %add3A_125 = arith.addi %add3A_122, %add3A_124 : vector<16xi32>
      %gather3A_126 = tpu.vector_load_idx %arg8[%add3A_125] : memref<20480xf32, #tpu.memory_space<vmem>>[vector<16xi32>], vector<16xf32>,
      %add3A_127 = arith.addf %gather3A_121, %gather3A_126 : vector<16xf32>
      %gt3A_128 = arith.constant 0.000000e+00 : f32
      %gt3A_129 = vector.broadcast %gt3A_128 : f32 to vector<16xf32>
      %gt3A_130 = arith.cmpf ogt, %add3A_127, %gt3A_129 : vector<16xf32>
      %mul3A_131 = arith.constant 2.000000e-01 : f32
      %mul3A_132 = vector.broadcast %mul3A_131 : f32 to vector<16xf32>
      %mul3A_133 = arith.mulf %mul3A_132, %add3A_127 : vector<16xf32>
      %select_n3A_134 = arith.select %gt3A_130, %add3A_127, %mul3A_133 : vector<16xi1>, vector<16xf32>
      %exp3A_135 = math.exp %select_n3A_134 : vector<16xf32>
      %swap3A_136 = arith.constant 32 : index
      %swap3A_137 = tpu.vector_load %arg11[%swap3A_136] {strides = array<i32>} : memref<128xf32, #tpu.memory_space<vmem>>, vector<16xf32>,
      tpu.vector_store %arg11[%swap3A_136], %exp3A_135 {strides = array<i32>} : memref<128xf32, #tpu.memory_space<vmem>>, vector<16xf32>,
      %add3A_138 = arith.addi %get3A_116, %broadcast_in_dim3A : vector<16xi32>
      %swap3A_139 = arith.index_cast %while3A_62 : i32 to index
      %swap3A_140 = arith.constant 32 : index
      %swap3A_141 = tpu.vector_load %arg9[%swap3A_139, %swap3A_140] {strides = array<i32>} : memref<16x128xi32, #tpu.memory_space<vmem>>, vector<16xi32>,
      tpu.vector_store %arg9[%swap3A_139, %swap3A_140], %add3A_138 {strides = array<i32>} : memref<16x128xi32, #tpu.memory_space<vmem>>, vector<16xi32>,
      %get3A_142 = arith.index_cast %while3A_62 : i32 to index
      %get3A_143 = arith.constant 48 : index
      %get3A_144 = tpu.vector_load %arg9[%get3A_142, %get3A_143] {strides = array<i32>} : memref<16x128xi32, #tpu.memory_space<vmem>>, vector<16xi32>,
      %get3A_145 = arith.index_cast %while3A_62 : i32 to index
      %get3A_146 = arith.constant 48 : index
      %get3A_147 = tpu.vector_load %arg10[%get3A_145, %get3A_146] {strides = array<i32>} : memref<16x128xi32, #tpu.memory_space<vmem>>, vector<16xi32>,
      %add3A_148 = arith.addi %get3A_144, %get3A_144 : vector<16xi32>
      %gather3A_149 = tpu.vector_load_idx %arg8[%add3A_148] : memref<20480xf32, #tpu.memory_space<vmem>>[vector<16xi32>], vector<16xf32>,
      %add3A_150 = arith.addi %get3A_147, %get3A_147 : vector<16xi32>
      %add3A_151 = arith.constant 1 : i32
      %add3A_152 = vector.broadcast %add3A_151 : i32 to vector<16xi32>
      %add3A_153 = arith.addi %add3A_150, %add3A_152 : vector<16xi32>
      %gather3A_154 = tpu.vector_load_idx %arg8[%add3A_153] : memref<20480xf32, #tpu.memory_space<vmem>>[vector<16xi32>], vector<16xf32>,
      %add3A_155 = arith.addf %gather3A_149, %gather3A_154 : vector<16xf32>
      %gt3A_156 = arith.constant 0.000000e+00 : f32
      %gt3A_157 = vector.broadcast %gt3A_156 : f32 to vector<16xf32>
      %gt3A_158 = arith.cmpf ogt, %add3A_155, %gt3A_157 : vector<16xf32>
      %mul3A_159 = arith.constant 2.000000e-01 : f32
      %mul3A_160 = vector.broadcast %mul3A_159 : f32 to vector<16xf32>
      %mul3A_161 = arith.mulf %mul3A_160, %add3A_155 : vector<16xf32>
      %select_n3A_162 = arith.select %gt3A_158, %add3A_155, %mul3A_161 : vector<16xi1>, vector<16xf32>
      %exp3A_163 = math.exp %select_n3A_162 : vector<16xf32>
      %swap3A_164 = arith.constant 48 : index
      %swap3A_165 = tpu.vector_load %arg11[%swap3A_164] {strides = array<i32>} : memref<128xf32, #tpu.memory_space<vmem>>, vector<16xf32>,
      tpu.vector_store %arg11[%swap3A_164], %exp3A_163 {strides = array<i32>} : memref<128xf32, #tpu.memory_space<vmem>>, vector<16xf32>,
      %add3A_166 = arith.addi %get3A_144, %broadcast_in_dim3A : vector<16xi32>
      %swap3A_167 = arith.index_cast %while3A_62 : i32 to index
      %swap3A_168 = arith.constant 48 : index
      %swap3A_169 = tpu.vector_load %arg9[%swap3A_167, %swap3A_168] {strides = array<i32>} : memref<16x128xi32, #tpu.memory_space<vmem>>, vector<16xi32>,
      tpu.vector_store %arg9[%swap3A_167, %swap3A_168], %add3A_166 {strides = array<i32>} : memref<16x128xi32, #tpu.memory_space<vmem>>, vector<16xi32>,
      %get3A_170 = arith.index_cast %while3A_62 : i32 to index
      %get3A_171 = arith.constant 64 : index
      %get3A_172 = tpu.vector_load %arg9[%get3A_170, %get3A_171] {strides = array<i32>} : memref<16x128xi32, #tpu.memory_space<vmem>>, vector<16xi32>,
      %get3A_173 = arith.index_cast %while3A_62 : i32 to index
      %get3A_174 = arith.constant 64 : index
      %get3A_175 = tpu.vector_load %arg10[%get3A_173, %get3A_174] {strides = array<i32>} : memref<16x128xi32, #tpu.memory_space<vmem>>, vector<16xi32>,
      %add3A_176 = arith.addi %get3A_172, %get3A_172 : vector<16xi32>
      %gather3A_177 = tpu.vector_load_idx %arg8[%add3A_176] : memref<20480xf32, #tpu.memory_space<vmem>>[vector<16xi32>], vector<16xf32>,
      %add3A_178 = arith.addi %get3A_175, %get3A_175 : vector<16xi32>
      %add3A_179 = arith.constant 1 : i32
      %add3A_180 = vector.broadcast %add3A_179 : i32 to vector<16xi32>
      %add3A_181 = arith.addi %add3A_178, %add3A_180 : vector<16xi32>
      %gather3A_182 = tpu.vector_load_idx %arg8[%add3A_181] : memref<20480xf32, #tpu.memory_space<vmem>>[vector<16xi32>], vector<16xf32>,
      %add3A_183 = arith.addf %gather3A_177, %gather3A_182 : vector<16xf32>
      %gt3A_184 = arith.constant 0.000000e+00 : f32
      %gt3A_185 = vector.broadcast %gt3A_184 : f32 to vector<16xf32>
      %gt3A_186 = arith.cmpf ogt, %add3A_183, %gt3A_185 : vector<16xf32>
      %mul3A_187 = arith.constant 2.000000e-01 : f32
      %mul3A_188 = vector.broadcast %mul3A_187 : f32 to vector<16xf32>
      %mul3A_189 = arith.mulf %mul3A_188, %add3A_183 : vector<16xf32>
      %select_n3A_190 = arith.select %gt3A_186, %add3A_183, %mul3A_189 : vector<16xi1>, vector<16xf32>
      %exp3A_191 = math.exp %select_n3A_190 : vector<16xf32>
      %swap3A_192 = arith.constant 64 : index
      %swap3A_193 = tpu.vector_load %arg11[%swap3A_192] {strides = array<i32>} : memref<128xf32, #tpu.memory_space<vmem>>, vector<16xf32>,
      tpu.vector_store %arg11[%swap3A_192], %exp3A_191 {strides = array<i32>} : memref<128xf32, #tpu.memory_space<vmem>>, vector<16xf32>,
      %add3A_194 = arith.addi %get3A_172, %broadcast_in_dim3A : vector<16xi32>
      %swap3A_195 = arith.index_cast %while3A_62 : i32 to index
      %swap3A_196 = arith.constant 64 : index
      %swap3A_197 = tpu.vector_load %arg9[%swap3A_195, %swap3A_196] {strides = array<i32>} : memref<16x128xi32, #tpu.memory_space<vmem>>, vector<16xi32>,
      tpu.vector_store %arg9[%swap3A_195, %swap3A_196], %add3A_194 {strides = array<i32>} : memref<16x128xi32, #tpu.memory_space<vmem>>, vector<16xi32>,
      %get3A_198 = arith.index_cast %while3A_62 : i32 to index
      %get3A_199 = arith.constant 80 : index
      %get3A_200 = tpu.vector_load %arg9[%get3A_198, %get3A_199] {strides = array<i32>} : memref<16x128xi32, #tpu.memory_space<vmem>>, vector<16xi32>,
      %get3A_201 = arith.index_cast %while3A_62 : i32 to index
      %get3A_202 = arith.constant 80 : index
      %get3A_203 = tpu.vector_load %arg10[%get3A_201, %get3A_202] {strides = array<i32>} : memref<16x128xi32, #tpu.memory_space<vmem>>, vector<16xi32>,
      %add3A_204 = arith.addi %get3A_200, %get3A_200 : vector<16xi32>
      %gather3A_205 = tpu.vector_load_idx %arg8[%add3A_204] : memref<20480xf32, #tpu.memory_space<vmem>>[vector<16xi32>], vector<16xf32>,
      %add3A_206 = arith.addi %get3A_203, %get3A_203 : vector<16xi32>
      %add3A_207 = arith.constant 1 : i32
      %add3A_208 = vector.broadcast %add3A_207 : i32 to vector<16xi32>
      %add3A_209 = arith.addi %add3A_206, %add3A_208 : vector<16xi32>
      %gather3A_210 = tpu.vector_load_idx %arg8[%add3A_209] : memref<20480xf32, #tpu.memory_space<vmem>>[vector<16xi32>], vector<16xf32>,
      %add3A_211 = arith.addf %gather3A_205, %gather3A_210 : vector<16xf32>
      %gt3A_212 = arith.constant 0.000000e+00 : f32
      %gt3A_213 = vector.broadcast %gt3A_212 : f32 to vector<16xf32>
      %gt3A_214 = arith.cmpf ogt, %add3A_211, %gt3A_213 : vector<16xf32>
      %mul3A_215 = arith.constant 2.000000e-01 : f32
      %mul3A_216 = vector.broadcast %mul3A_215 : f32 to vector<16xf32>
      %mul3A_217 = arith.mulf %mul3A_216, %add3A_211 : vector<16xf32>
      %select_n3A_218 = arith.select %gt3A_214, %add3A_211, %mul3A_217 : vector<16xi1>, vector<16xf32>
      %exp3A_219 = math.exp %select_n3A_218 : vector<16xf32>
      %swap3A_220 = arith.constant 80 : index
      %swap3A_221 = tpu.vector_load %arg11[%swap3A_220] {strides = array<i32>} : memref<128xf32, #tpu.memory_space<vmem>>, vector<16xf32>,
      tpu.vector_store %arg11[%swap3A_220], %exp3A_219 {strides = array<i32>} : memref<128xf32, #tpu.memory_space<vmem>>, vector<16xf32>,
      %add3A_222 = arith.addi %get3A_200, %broadcast_in_dim3A : vector<16xi32>
      %swap3A_223 = arith.index_cast %while3A_62 : i32 to index
      %swap3A_224 = arith.constant 80 : index
      %swap3A_225 = tpu.vector_load %arg9[%swap3A_223, %swap3A_224] {strides = array<i32>} : memref<16x128xi32, #tpu.memory_space<vmem>>, vector<16xi32>,
      tpu.vector_store %arg9[%swap3A_223, %swap3A_224], %add3A_222 {strides = array<i32>} : memref<16x128xi32, #tpu.memory_space<vmem>>, vector<16xi32>,
      %get3A_226 = arith.index_cast %while3A_62 : i32 to index
      %get3A_227 = arith.constant 96 : index
      %get3A_228 = tpu.vector_load %arg9[%get3A_226, %get3A_227] {strides = array<i32>} : memref<16x128xi32, #tpu.memory_space<vmem>>, vector<16xi32>,
      %get3A_229 = arith.index_cast %while3A_62 : i32 to index
      %get3A_230 = arith.constant 96 : index
      %get3A_231 = tpu.vector_load %arg10[%get3A_229, %get3A_230] {strides = array<i32>} : memref<16x128xi32, #tpu.memory_space<vmem>>, vector<16xi32>,
      %add3A_232 = arith.addi %get3A_228, %get3A_228 : vector<16xi32>
      %gather3A_233 = tpu.vector_load_idx %arg8[%add3A_232] : memref<20480xf32, #tpu.memory_space<vmem>>[vector<16xi32>], vector<16xf32>,
      %add3A_234 = arith.addi %get3A_231, %get3A_231 : vector<16xi32>
      %add3A_235 = arith.constant 1 : i32
      %add3A_236 = vector.broadcast %add3A_235 : i32 to vector<16xi32>
      %add3A_237 = arith.addi %add3A_234, %add3A_236 : vector<16xi32>
      %gather3A_238 = tpu.vector_load_idx %arg8[%add3A_237] : memref<20480xf32, #tpu.memory_space<vmem>>[vector<16xi32>], vector<16xf32>,
      %add3A_239 = arith.addf %gather3A_233, %gather3A_238 : vector<16xf32>
      %gt3A_240 = arith.constant 0.000000e+00 : f32
      %gt3A_241 = vector.broadcast %gt3A_240 : f32 to vector<16xf32>
      %gt3A_242 = arith.cmpf ogt, %add3A_239, %gt3A_241 : vector<16xf32>
      %mul3A_243 = arith.constant 2.000000e-01 : f32
      %mul3A_244 = vector.broadcast %mul3A_243 : f32 to vector<16xf32>
      %mul3A_245 = arith.mulf %mul3A_244, %add3A_239 : vector<16xf32>
      %select_n3A_246 = arith.select %gt3A_242, %add3A_239, %mul3A_245 : vector<16xi1>, vector<16xf32>
      %exp3A_247 = math.exp %select_n3A_246 : vector<16xf32>
      %swap3A_248 = arith.constant 96 : index
      %swap3A_249 = tpu.vector_load %arg11[%swap3A_248] {strides = array<i32>} : memref<128xf32, #tpu.memory_space<vmem>>, vector<16xf32>,
      tpu.vector_store %arg11[%swap3A_248], %exp3A_247 {strides = array<i32>} : memref<128xf32, #tpu.memory_space<vmem>>, vector<16xf32>,
      %add3A_250 = arith.addi %get3A_228, %broadcast_in_dim3A : vector<16xi32>
      %swap3A_251 = arith.index_cast %while3A_62 : i32 to index
      %swap3A_252 = arith.constant 96 : index
      %swap3A_253 = tpu.vector_load %arg9[%swap3A_251, %swap3A_252] {strides = array<i32>} : memref<16x128xi32, #tpu.memory_space<vmem>>, vector<16xi32>,
      tpu.vector_store %arg9[%swap3A_251, %swap3A_252], %add3A_250 {strides = array<i32>} : memref<16x128xi32, #tpu.memory_space<vmem>>, vector<16xi32>,
      %get3A_254 = arith.index_cast %while3A_62 : i32 to index
      %get3A_255 = arith.constant 112 : index
      %get3A_256 = tpu.vector_load %arg9[%get3A_254, %get3A_255] {strides = array<i32>} : memref<16x128xi32, #tpu.memory_space<vmem>>, vector<16xi32>,
      %get3A_257 = arith.index_cast %while3A_62 : i32 to index
      %get3A_258 = arith.constant 112 : index
      %get3A_259 = tpu.vector_load %arg10[%get3A_257, %get3A_258] {strides = array<i32>} : memref<16x128xi32, #tpu.memory_space<vmem>>, vector<16xi32>,
      %add3A_260 = arith.addi %get3A_256, %get3A_256 : vector<16xi32>
      %gather3A_261 = tpu.vector_load_idx %arg8[%add3A_260] : memref<20480xf32, #tpu.memory_space<vmem>>[vector<16xi32>], vector<16xf32>,
      %add3A_262 = arith.addi %get3A_259, %get3A_259 : vector<16xi32>
      %add3A_263 = arith.constant 1 : i32
      %add3A_264 = vector.broadcast %add3A_263 : i32 to vector<16xi32>
      %add3A_265 = arith.addi %add3A_262, %add3A_264 : vector<16xi32>
      %gather3A_266 = tpu.vector_load_idx %arg8[%add3A_265] : memref<20480xf32, #tpu.memory_space<vmem>>[vector<16xi32>], vector<16xf32>,
      %add3A_267 = arith.addf %gather3A_261, %gather3A_266 : vector<16xf32>
      %gt3A_268 = arith.constant 0.000000e+00 : f32
      %gt3A_269 = vector.broadcast %gt3A_268 : f32 to vector<16xf32>
      %gt3A_270 = arith.cmpf ogt, %add3A_267, %gt3A_269 : vector<16xf32>
      %mul3A_271 = arith.constant 2.000000e-01 : f32
      %mul3A_272 = vector.broadcast %mul3A_271 : f32 to vector<16xf32>
      %mul3A_273 = arith.mulf %mul3A_272, %add3A_267 : vector<16xf32>
      %select_n3A_274 = arith.select %gt3A_270, %add3A_267, %mul3A_273 : vector<16xi1>, vector<16xf32>
      %exp3A_275 = math.exp %select_n3A_274 : vector<16xf32>
      %swap3A_276 = arith.constant 112 : index
      %swap3A_277 = tpu.vector_load %arg11[%swap3A_276] {strides = array<i32>} : memref<128xf32, #tpu.memory_space<vmem>>, vector<16xf32>,
      tpu.vector_store %arg11[%swap3A_276], %exp3A_275 {strides = array<i32>} : memref<128xf32, #tpu.memory_space<vmem>>, vector<16xf32>,
      %add3A_278 = arith.addi %get3A_256, %broadcast_in_dim3A : vector<16xi32>
      %swap3A_279 = arith.index_cast %while3A_62 : i32 to index
      %swap3A_280 = arith.constant 112 : index
      %swap3A_281 = tpu.vector_load %arg9[%swap3A_279, %swap3A_280] {strides = array<i32>} : memref<16x128xi32, #tpu.memory_space<vmem>>, vector<16xi32>,
      tpu.vector_store %arg9[%swap3A_279, %swap3A_280], %add3A_278 {strides = array<i32>} : memref<16x128xi32, #tpu.memory_space<vmem>>, vector<16xi32>,
      "tpu.region"() ({
        %run_scoped3A = tpu.sem_alloc : memref<!tpu.dma_semaphore, #tpu.memory_space<semaphore_mem>>
        %dma_start3A = arith.constant 0 : i32
        %dma_start3A_288 = tpu.memref_slice %arg10[%while3A_62, %dma_start3A] : memref<16x128xi32, #tpu.memory_space<vmem>> -> memref<1x128xi32, #tpu.memory_space<vmem>>
        %dma_start3A_289 = tpu.memref_squeeze %dma_start3A_288 : memref<1x128xi32, #tpu.memory_space<vmem>> -> memref<128xi32, #tpu.memory_space<vmem>>
        %dma_start3A_290 = arith.constant 0 : i32
        %dma_start3A_291 = tpu.memref_slice %arg14[%dma_start3A_290] : memref<10000xf32, #tpu.memory_space<vmem_shared>> -> memref<10000xf32, #tpu.memory_space<vmem_shared>>
        tpu.enqueue_indirect_dma source(%arg11 : memref<128xf32, #tpu.memory_space<vmem>>) target(%dma_start3A_291 : memref<10000xf32, #tpu.memory_space<vmem_shared>>) offsets(%dma_start3A_289 : memref<128xi32, #tpu.memory_space<vmem>>) semaphore(%run_scoped3A : memref<!tpu.dma_semaphore, #tpu.memory_space<semaphore_mem>>) {add = true}
        %dma_wait3A = arith.constant 0 : i32
        %dma_wait3A_292 = tpu.memref_slice %arg10[%while3A_62, %dma_wait3A] : memref<16x128xi32, #tpu.memory_space<vmem>> -> memref<1x128xi32, #tpu.memory_space<vmem>>
        %dma_wait3A_293 = tpu.memref_squeeze %dma_wait3A_292 : memref<1x128xi32, #tpu.memory_space<vmem>> -> memref<128xi32, #tpu.memory_space<vmem>>
        %dma_wait3A_294 = arith.constant 0 : i32
        %dma_wait3A_295 = tpu.memref_slice %arg14[%dma_wait3A_294] : memref<10000xf32, #tpu.memory_space<vmem_shared>> -> memref<10000xf32, #tpu.memory_space<vmem_shared>>
        tpu.wait_indirect_dma semaphore(%run_scoped3A : memref<!tpu.dma_semaphore, #tpu.memory_space<semaphore_mem>>) src(%arg11 : memref<128xf32, #tpu.memory_space<vmem>>) dst(%dma_wait3A_295 : memref<10000xf32, #tpu.memory_space<vmem_shared>>)
        tpu.yield
      }) : () -> ()
      "tpu.region"() ({
        %run_scoped3A = tpu.sem_alloc : memref<!tpu.dma_semaphore, #tpu.memory_space<semaphore_mem>>
        %dma_start3A = arith.constant 0 : i32
        %dma_start3A_288 = tpu.memref_slice %arg9[%while3A_62, %dma_start3A] : memref<16x128xi32, #tpu.memory_space<vmem>> -> memref<1x128xi32, #tpu.memory_space<vmem>>
        %dma_start3A_289 = tpu.memref_squeeze %dma_start3A_288 : memref<1x128xi32, #tpu.memory_space<vmem>> -> memref<128xi32, #tpu.memory_space<vmem>>
        %dma_start3A_290 = arith.constant 0 : i32
        %dma_start3A_291 = arith.constant 0 : i32
        %dma_start3A_292 = tpu.memref_slice %arg2[%dma_start3A_290, %dma_start3A_291] : memref<20000x128xf32, #tpu.memory_space<hbm>> -> memref<20000x128xf32, #tpu.memory_space<hbm>>
        tpu.enqueue_indirect_dma source(%dma_start3A_292 : memref<20000x128xf32, #tpu.memory_space<hbm>>) target(%arg12 : memref<128x128xf32, #tpu.memory_space<vmem>>) offsets(%dma_start3A_289 : memref<128xi32, #tpu.memory_space<vmem>>) semaphore(%run_scoped3A : memref<!tpu.dma_semaphore, #tpu.memory_space<semaphore_mem>>)
        %dma_wait3A = arith.constant 0 : i32
        %dma_wait3A_293 = tpu.memref_slice %arg9[%while3A_62, %dma_wait3A] : memref<16x128xi32, #tpu.memory_space<vmem>> -> memref<1x128xi32, #tpu.memory_space<vmem>>
        %dma_wait3A_294 = tpu.memref_squeeze %dma_wait3A_293 : memref<1x128xi32, #tpu.memory_space<vmem>> -> memref<128xi32, #tpu.memory_space<vmem>>
        %dma_wait3A_295 = arith.constant 0 : i32
        %dma_wait3A_296 = arith.constant 0 : i32
        %dma_wait3A_297 = tpu.memref_slice %arg2[%dma_wait3A_295, %dma_wait3A_296] : memref<20000x128xf32, #tpu.memory_space<hbm>> -> memref<20000x128xf32, #tpu.memory_space<hbm>>
        tpu.wait_indirect_dma semaphore(%run_scoped3A : memref<!tpu.dma_semaphore, #tpu.memory_space<semaphore_mem>>) src(%dma_wait3A_297 : memref<20000x128xf32, #tpu.memory_space<hbm>>) dst(%arg12 : memref<128x128xf32, #tpu.memory_space<vmem>>)
        tpu.yield
      }) : () -> ()
      %scan3A_282 = arith.constant 0 : i32
      %scan3A_283 = arith.constant 0 : i32
      %scan3A_284 = arith.constant 128 : i32
      %scan3A_285 = arith.addi %scan3A_283, %scan3A_284 : i32
      %scan3A_286 = arith.constant 1 : i32
      scf.for %scan3A_288 = %scan3A_283 to %scan3A_285 step %scan3A_286  : i32 {
        %broadcast_in_dim3A_289 = vector.broadcast %scan3A_288 : i32 to vector<16xi32>
        %gather3A_290 = tpu.vector_load_idx %arg11[%broadcast_in_dim3A_289] : memref<128xf32, #tpu.memory_space<vmem>>[vector<16xi32>], vector<16xf32>,
        %get3A_291 = arith.index_cast %scan3A_288 : i32 to index
        %get3A_292 = arith.constant 0 : index
        %get3A_293 = tpu.vector_load %arg12[%get3A_291, %get3A_292] {strides = array<i32>} : memref<128x128xf32, #tpu.memory_space<vmem>>, vector<16xf32>,
        %mul3A_294 = arith.mulf %get3A_293, %gather3A_290 : vector<16xf32>
        %swap3A_295 = arith.index_cast %scan3A_288 : i32 to index
        %swap3A_296 = arith.constant 0 : index
        %swap3A_297 = tpu.vector_load %arg12[%swap3A_295, %swap3A_296] {strides = array<i32>} : memref<128x128xf32, #tpu.memory_space<vmem>>, vector<16xf32>,
        tpu.vector_store %arg12[%swap3A_295, %swap3A_296], %mul3A_294 {strides = array<i32>} : memref<128x128xf32, #tpu.memory_space<vmem>>, vector<16xf32>,
        %get3A_298 = arith.index_cast %scan3A_288 : i32 to index
        %get3A_299 = arith.constant 16 : index
        %get3A_300 = tpu.vector_load %arg12[%get3A_298, %get3A_299] {strides = array<i32>} : memref<128x128xf32, #tpu.memory_space<vmem>>, vector<16xf32>,
        %mul3A_301 = arith.mulf %get3A_300, %gather3A_290 : vector<16xf32>
        %swap3A_302 = arith.index_cast %scan3A_288 : i32 to index
        %swap3A_303 = arith.constant 16 : index
        %swap3A_304 = tpu.vector_load %arg12[%swap3A_302, %swap3A_303] {strides = array<i32>} : memref<128x128xf32, #tpu.memory_space<vmem>>, vector<16xf32>,
        tpu.vector_store %arg12[%swap3A_302, %swap3A_303], %mul3A_301 {strides = array<i32>} : memref<128x128xf32, #tpu.memory_space<vmem>>, vector<16xf32>,
        %get3A_305 = arith.index_cast %scan3A_288 : i32 to index
        %get3A_306 = arith.constant 32 : index
        %get3A_307 = tpu.vector_load %arg12[%get3A_305, %get3A_306] {strides = array<i32>} : memref<128x128xf32, #tpu.memory_space<vmem>>, vector<16xf32>,
        %mul3A_308 = arith.mulf %get3A_307, %gather3A_290 : vector<16xf32>
        %swap3A_309 = arith.index_cast %scan3A_288 : i32 to index
        %swap3A_310 = arith.constant 32 : index
        %swap3A_311 = tpu.vector_load %arg12[%swap3A_309, %swap3A_310] {strides = array<i32>} : memref<128x128xf32, #tpu.memory_space<vmem>>, vector<16xf32>,
        tpu.vector_store %arg12[%swap3A_309, %swap3A_310], %mul3A_308 {strides = array<i32>} : memref<128x128xf32, #tpu.memory_space<vmem>>, vector<16xf32>,
        %get3A_312 = arith.index_cast %scan3A_288 : i32 to index
        %get3A_313 = arith.constant 48 : index
        %get3A_314 = tpu.vector_load %arg12[%get3A_312, %get3A_313] {strides = array<i32>} : memref<128x128xf32, #tpu.memory_space<vmem>>, vector<16xf32>,
        %mul3A_315 = arith.mulf %get3A_314, %gather3A_290 : vector<16xf32>
        %swap3A_316 = arith.index_cast %scan3A_288 : i32 to index
        %swap3A_317 = arith.constant 48 : index
        %swap3A_318 = tpu.vector_load %arg12[%swap3A_316, %swap3A_317] {strides = array<i32>} : memref<128x128xf32, #tpu.memory_space<vmem>>, vector<16xf32>,
        tpu.vector_store %arg12[%swap3A_316, %swap3A_317], %mul3A_315 {strides = array<i32>} : memref<128x128xf32, #tpu.memory_space<vmem>>, vector<16xf32>,
        %get3A_319 = arith.index_cast %scan3A_288 : i32 to index
        %get3A_320 = arith.constant 64 : index
        %get3A_321 = tpu.vector_load %arg12[%get3A_319, %get3A_320] {strides = array<i32>} : memref<128x128xf32, #tpu.memory_space<vmem>>, vector<16xf32>,
        %mul3A_322 = arith.mulf %get3A_321, %gather3A_290 : vector<16xf32>
        %swap3A_323 = arith.index_cast %scan3A_288 : i32 to index
        %swap3A_324 = arith.constant 64 : index
        %swap3A_325 = tpu.vector_load %arg12[%swap3A_323, %swap3A_324] {strides = array<i32>} : memref<128x128xf32, #tpu.memory_space<vmem>>, vector<16xf32>,
        tpu.vector_store %arg12[%swap3A_323, %swap3A_324], %mul3A_322 {strides = array<i32>} : memref<128x128xf32, #tpu.memory_space<vmem>>, vector<16xf32>,
        %get3A_326 = arith.index_cast %scan3A_288 : i32 to index
        %get3A_327 = arith.constant 80 : index
        %get3A_328 = tpu.vector_load %arg12[%get3A_326, %get3A_327] {strides = array<i32>} : memref<128x128xf32, #tpu.memory_space<vmem>>, vector<16xf32>,
        %mul3A_329 = arith.mulf %get3A_328, %gather3A_290 : vector<16xf32>
        %swap3A_330 = arith.index_cast %scan3A_288 : i32 to index
        %swap3A_331 = arith.constant 80 : index
        %swap3A_332 = tpu.vector_load %arg12[%swap3A_330, %swap3A_331] {strides = array<i32>} : memref<128x128xf32, #tpu.memory_space<vmem>>, vector<16xf32>,
        tpu.vector_store %arg12[%swap3A_330, %swap3A_331], %mul3A_329 {strides = array<i32>} : memref<128x128xf32, #tpu.memory_space<vmem>>, vector<16xf32>,
        %get3A_333 = arith.index_cast %scan3A_288 : i32 to index
        %get3A_334 = arith.constant 96 : index
        %get3A_335 = tpu.vector_load %arg12[%get3A_333, %get3A_334] {strides = array<i32>} : memref<128x128xf32, #tpu.memory_space<vmem>>, vector<16xf32>,
        %mul3A_336 = arith.mulf %get3A_335, %gather3A_290 : vector<16xf32>
        %swap3A_337 = arith.index_cast %scan3A_288 : i32 to index
        %swap3A_338 = arith.constant 96 : index
        %swap3A_339 = tpu.vector_load %arg12[%swap3A_337, %swap3A_338] {strides = array<i32>} : memref<128x128xf32, #tpu.memory_space<vmem>>, vector<16xf32>,
        tpu.vector_store %arg12[%swap3A_337, %swap3A_338], %mul3A_336 {strides = array<i32>} : memref<128x128xf32, #tpu.memory_space<vmem>>, vector<16xf32>,
        %get3A_340 = arith.index_cast %scan3A_288 : i32 to index
        %get3A_341 = arith.constant 112 : index
        %get3A_342 = tpu.vector_load %arg12[%get3A_340, %get3A_341] {strides = array<i32>} : memref<128x128xf32, #tpu.memory_space<vmem>>, vector<16xf32>,
        %mul3A_343 = arith.mulf %get3A_342, %gather3A_290 : vector<16xf32>
        %swap3A_344 = arith.index_cast %scan3A_288 : i32 to index
        %swap3A_345 = arith.constant 112 : index
        %swap3A_346 = tpu.vector_load %arg12[%swap3A_344, %swap3A_345] {strides = array<i32>} : memref<128x128xf32, #tpu.memory_space<vmem>>, vector<16xf32>,
        tpu.vector_store %arg12[%swap3A_344, %swap3A_345], %mul3A_343 {strides = array<i32>} : memref<128x128xf32, #tpu.memory_space<vmem>>, vector<16xf32>,
      }
      %scan3A_287 = arith.constant 128 : i32
      "tpu.region"() ({
        %run_scoped3A = tpu.sem_alloc : memref<!tpu.dma_semaphore, #tpu.memory_space<semaphore_mem>>
        %dma_start3A = arith.constant 0 : i32
        %dma_start3A_288 = tpu.memref_slice %arg10[%while3A_62, %dma_start3A] : memref<16x128xi32, #tpu.memory_space<vmem>> -> memref<1x128xi32, #tpu.memory_space<vmem>>
        %dma_start3A_289 = tpu.memref_squeeze %dma_start3A_288 : memref<1x128xi32, #tpu.memory_space<vmem>> -> memref<128xi32, #tpu.memory_space<vmem>>
        %dma_start3A_290 = arith.constant 0 : i32
        %dma_start3A_291 = arith.constant 0 : i32
        %dma_start3A_292 = tpu.memref_slice %arg15[%dma_start3A_290, %dma_start3A_291] : memref<10000x128xf32, #tpu.memory_space<vmem_shared>> -> memref<10000x128xf32, #tpu.memory_space<vmem_shared>>
        tpu.enqueue_indirect_dma source(%arg12 : memref<128x128xf32, #tpu.memory_space<vmem>>) target(%dma_start3A_292 : memref<10000x128xf32, #tpu.memory_space<vmem_shared>>) offsets(%dma_start3A_289 : memref<128xi32, #tpu.memory_space<vmem>>) semaphore(%run_scoped3A : memref<!tpu.dma_semaphore, #tpu.memory_space<semaphore_mem>>) {add = true}
        %dma_wait3A = arith.constant 0 : i32
        %dma_wait3A_293 = tpu.memref_slice %arg10[%while3A_62, %dma_wait3A] : memref<16x128xi32, #tpu.memory_space<vmem>> -> memref<1x128xi32, #tpu.memory_space<vmem>>
        %dma_wait3A_294 = tpu.memref_squeeze %dma_wait3A_293 : memref<1x128xi32, #tpu.memory_space<vmem>> -> memref<128xi32, #tpu.memory_space<vmem>>
        %dma_wait3A_295 = arith.constant 0 : i32
        %dma_wait3A_296 = arith.constant 0 : i32
        %dma_wait3A_297 = tpu.memref_slice %arg15[%dma_wait3A_295, %dma_wait3A_296] : memref<10000x128xf32, #tpu.memory_space<vmem_shared>> -> memref<10000x128xf32, #tpu.memory_space<vmem_shared>>
        tpu.wait_indirect_dma semaphore(%run_scoped3A : memref<!tpu.dma_semaphore, #tpu.memory_space<semaphore_mem>>) src(%arg12 : memref<128x128xf32, #tpu.memory_space<vmem>>) dst(%dma_wait3A_297 : memref<10000x128xf32, #tpu.memory_space<vmem_shared>>)
        tpu.yield
      }) : () -> ()
    }
    %barrier3A_49 = arith.constant 0 : index
    tpu.barrier barrier_id(%barrier3A_49)
    "tpu.region"() ({
      %run_scoped3A = tpu.sem_alloc : memref<!tpu.dma_semaphore, #tpu.memory_space<semaphore_mem>>
      %dma_start3A = tpu.memref_slice %arg14[%min3A_7] : memref<10000xf32, #tpu.memory_space<vmem_shared>> -> memref<640xf32, #tpu.memory_space<vmem_shared>>
      %dma_start3A_62 = tpu.memref_slice %arg14[%min3A_7] : memref<10000xf32, #tpu.memory_space<vmem_shared>> -> memref<640xf32, #tpu.memory_space<vmem_shared>>
      tpu.enqueue_dma source(%dma_start3A_62 : memref<640xf32, #tpu.memory_space<vmem_shared>>) target(%arg13 : memref<640xf32, #tpu.memory_space<vmem>>) target_semaphore(%run_scoped3A : memref<!tpu.dma_semaphore, #tpu.memory_space<semaphore_mem>>)
      %dma_wait3A = tpu.memref_slice %arg14[%min3A_7] : memref<10000xf32, #tpu.memory_space<vmem_shared>> -> memref<640xf32, #tpu.memory_space<vmem_shared>>
      %dma_wait3A_63 = tpu.memref_slice %arg14[%min3A_7] : memref<10000xf32, #tpu.memory_space<vmem_shared>> -> memref<640xf32, #tpu.memory_space<vmem_shared>>
      tpu.wait_dma2 semaphore(%run_scoped3A : memref<!tpu.dma_semaphore, #tpu.memory_space<semaphore_mem>>) src(%dma_wait3A_63 : memref<640xf32, #tpu.memory_space<vmem_shared>>) dst(%arg13 : memref<640xf32, #tpu.memory_space<vmem>>)
      tpu.yield
    }) : () -> ()
    %scan3A_50 = arith.constant 0 : i32
    %scan3A_51 = arith.constant 0 : i32
    %scan3A_52 = arith.constant 40 : i32
    %scan3A_53 = arith.addi %scan3A_51, %scan3A_52 : i32
    %scan3A_54 = arith.constant 1 : i32
    scf.for %scan3A_62 = %scan3A_51 to %scan3A_53 step %scan3A_54  : i32 {
      %mul3A_63 = arith.constant 16 : i32
      %mul3A_64 = arith.muli %mul3A_63, %scan3A_62 : i32
      %get3A = arith.index_cast %mul3A_64 : i32 to index
      %get3A_65 = tpu.vector_load %arg13[%get3A] {strides = array<i32>} : memref<640xf32, #tpu.memory_space<vmem>>, vector<16xf32>,
      %max3A = arith.constant 9.99999971E-10 : f32
      %max3A_66 = vector.broadcast %max3A : f32 to vector<16xf32>
      %max3A_67 = arith.maximumf %get3A_65, %max3A_66 : vector<16xf32>
      %div3A = arith.constant 1.000000e+00 : f32
      %div3A_68 = vector.broadcast %div3A : f32 to vector<16xf32>
      %div3A_69 = arith.divf %div3A_68, %max3A_67 : vector<16xf32>
      %swap3A = arith.index_cast %mul3A_64 : i32 to index
      %swap3A_70 = tpu.vector_load %arg13[%swap3A] {strides = array<i32>} : memref<640xf32, #tpu.memory_space<vmem>>, vector<16xf32>,
      tpu.vector_store %arg13[%swap3A], %div3A_69 {strides = array<i32>} : memref<640xf32, #tpu.memory_space<vmem>>, vector<16xf32>,
    }
    %scan3A_55 = arith.constant 40 : i32
    %scan3A_56 = arith.constant 0 : i32
    %scan3A_57 = arith.constant 0 : i32
    %scan3A_58 = arith.constant 10 : i32
    %scan3A_59 = arith.addi %scan3A_57, %scan3A_58 : i32
    %scan3A_60 = arith.constant 1 : i32
    scf.for %scan3A_62 = %scan3A_57 to %scan3A_59 step %scan3A_60  : i32 {
      %mul3A_63 = arith.constant 64 : i32
      %mul3A_64 = arith.muli %mul3A_63, %scan3A_62 : i32
      %add3A_65 = arith.addi %min3A_7, %mul3A_64 : i32
      "tpu.region"() ({
        %run_scoped3A = tpu.sem_alloc : memref<!tpu.dma_semaphore, #tpu.memory_space<semaphore_mem>>
        %dma_start3A = arith.constant 0 : i32
        %dma_start3A_81 = arith.constant 0 : i32
        %dma_start3A_82 = tpu.memref_slice %arg12[%dma_start3A, %dma_start3A_81] : memref<128x128xf32, #tpu.memory_space<vmem>> -> memref<64x128xf32, #tpu.memory_space<vmem>>
        %dma_start3A_83 = arith.constant 0 : i32
        %dma_start3A_84 = tpu.memref_slice %arg15[%add3A_65, %dma_start3A_83] : memref<10000x128xf32, #tpu.memory_space<vmem_shared>> -> memref<64x128xf32, #tpu.memory_space<vmem_shared>>
        %dma_start3A_85 = arith.constant 0 : i32
        %dma_start3A_86 = arith.constant 0 : i32
        %dma_start3A_87 = tpu.memref_slice %arg12[%dma_start3A_85, %dma_start3A_86] : memref<128x128xf32, #tpu.memory_space<vmem>> -> memref<64x128xf32, #tpu.memory_space<vmem>>
        %dma_start3A_88 = arith.constant 0 : i32
        %dma_start3A_89 = tpu.memref_slice %arg15[%add3A_65, %dma_start3A_88] : memref<10000x128xf32, #tpu.memory_space<vmem_shared>> -> memref<64x128xf32, #tpu.memory_space<vmem_shared>>
        tpu.enqueue_dma source(%dma_start3A_89 : memref<64x128xf32, #tpu.memory_space<vmem_shared>>) target(%dma_start3A_87 : memref<64x128xf32, #tpu.memory_space<vmem>>) target_semaphore(%run_scoped3A : memref<!tpu.dma_semaphore, #tpu.memory_space<semaphore_mem>>)
        %dma_wait3A = arith.constant 0 : i32
        %dma_wait3A_90 = arith.constant 0 : i32
        %dma_wait3A_91 = tpu.memref_slice %arg12[%dma_wait3A, %dma_wait3A_90] : memref<128x128xf32, #tpu.memory_space<vmem>> -> memref<64x128xf32, #tpu.memory_space<vmem>>
        %dma_wait3A_92 = arith.constant 0 : i32
        %dma_wait3A_93 = tpu.memref_slice %arg15[%add3A_65, %dma_wait3A_92] : memref<10000x128xf32, #tpu.memory_space<vmem_shared>> -> memref<64x128xf32, #tpu.memory_space<vmem_shared>>
        %dma_wait3A_94 = arith.constant 0 : i32
        %dma_wait3A_95 = arith.constant 0 : i32
        %dma_wait3A_96 = tpu.memref_slice %arg12[%dma_wait3A_94, %dma_wait3A_95] : memref<128x128xf32, #tpu.memory_space<vmem>> -> memref<64x128xf32, #tpu.memory_space<vmem>>
        %dma_wait3A_97 = arith.constant 0 : i32
        %dma_wait3A_98 = tpu.memref_slice %arg15[%add3A_65, %dma_wait3A_97] : memref<10000x128xf32, #tpu.memory_space<vmem_shared>> -> memref<64x128xf32, #tpu.memory_space<vmem_shared>>
        tpu.wait_dma2 semaphore(%run_scoped3A : memref<!tpu.dma_semaphore, #tpu.memory_space<semaphore_mem>>) src(%dma_wait3A_98 : memref<64x128xf32, #tpu.memory_space<vmem_shared>>) dst(%dma_wait3A_96 : memref<64x128xf32, #tpu.memory_space<vmem>>)
        tpu.yield
      }) : () -> ()
      %mul3A_66 = arith.constant 64 : i32
      %mul3A_67 = arith.muli %mul3A_66, %scan3A_62 : i32
      %add3A_68 = arith.addi %min3A_7, %mul3A_67 : i32
      "tpu.region"() ({
        %run_scoped3A = tpu.sem_alloc : memref<!tpu.dma_semaphore, #tpu.memory_space<semaphore_mem>>
        %dma_start3A = arith.constant 64 : i32
        %dma_start3A_81 = arith.constant 0 : i32
        %dma_start3A_82 = tpu.memref_slice %arg12[%dma_start3A, %dma_start3A_81] : memref<128x128xf32, #tpu.memory_space<vmem>> -> memref<64x128xf32, #tpu.memory_space<vmem>>
        %dma_start3A_83 = arith.constant 0 : i32
        %dma_start3A_84 = tpu.memref_slice %arg6[%add3A_68, %dma_start3A_83] : memref<10000x128xf32, #tpu.memory_space<hbm>> -> memref<64x128xf32, #tpu.memory_space<hbm>>
        %dma_start3A_85 = arith.constant 64 : i32
        %dma_start3A_86 = arith.constant 0 : i32
        %dma_start3A_87 = tpu.memref_slice %arg12[%dma_start3A_85, %dma_start3A_86] : memref<128x128xf32, #tpu.memory_space<vmem>> -> memref<64x128xf32, #tpu.memory_space<vmem>>
        %dma_start3A_88 = arith.constant 0 : i32
        %dma_start3A_89 = tpu.memref_slice %arg6[%add3A_68, %dma_start3A_88] : memref<10000x128xf32, #tpu.memory_space<hbm>> -> memref<64x128xf32, #tpu.memory_space<hbm>>
        tpu.enqueue_dma source(%dma_start3A_89 : memref<64x128xf32, #tpu.memory_space<hbm>>) target(%dma_start3A_87 : memref<64x128xf32, #tpu.memory_space<vmem>>) target_semaphore(%run_scoped3A : memref<!tpu.dma_semaphore, #tpu.memory_space<semaphore_mem>>)
        %dma_wait3A = arith.constant 64 : i32
        %dma_wait3A_90 = arith.constant 0 : i32
        %dma_wait3A_91 = tpu.memref_slice %arg12[%dma_wait3A, %dma_wait3A_90] : memref<128x128xf32, #tpu.memory_space<vmem>> -> memref<64x128xf32, #tpu.memory_space<vmem>>
        %dma_wait3A_92 = arith.constant 0 : i32
        %dma_wait3A_93 = tpu.memref_slice %arg6[%add3A_68, %dma_wait3A_92] : memref<10000x128xf32, #tpu.memory_space<hbm>> -> memref<64x128xf32, #tpu.memory_space<hbm>>
        %dma_wait3A_94 = arith.constant 64 : i32
        %dma_wait3A_95 = arith.constant 0 : i32
        %dma_wait3A_96 = tpu.memref_slice %arg12[%dma_wait3A_94, %dma_wait3A_95] : memref<128x128xf32, #tpu.memory_space<vmem>> -> memref<64x128xf32, #tpu.memory_space<vmem>>
        %dma_wait3A_97 = arith.constant 0 : i32
        %dma_wait3A_98 = tpu.memref_slice %arg6[%add3A_68, %dma_wait3A_97] : memref<10000x128xf32, #tpu.memory_space<hbm>> -> memref<64x128xf32, #tpu.memory_space<hbm>>
        tpu.wait_dma2 semaphore(%run_scoped3A : memref<!tpu.dma_semaphore, #tpu.memory_space<semaphore_mem>>) src(%dma_wait3A_98 : memref<64x128xf32, #tpu.memory_space<hbm>>) dst(%dma_wait3A_96 : memref<64x128xf32, #tpu.memory_space<vmem>>)
        tpu.yield
      }) : () -> ()
      %scan3A_69 = arith.constant 0 : i32
      %scan3A_70 = arith.constant 0 : i32
      %scan3A_71 = arith.constant 64 : i32
      %scan3A_72 = arith.addi %scan3A_70, %scan3A_71 : i32
      %scan3A_73 = arith.constant 1 : i32
      scf.for %scan3A_81 = %scan3A_70 to %scan3A_72 step %scan3A_73  : i32 {
        %mul3A_82 = arith.constant 64 : i32
        %mul3A_83 = arith.muli %mul3A_82, %scan3A_62 : i32
        %add3A_84 = arith.addi %mul3A_83, %scan3A_81 : i32
        %broadcast_in_dim3A_85 = vector.broadcast %add3A_84 : i32 to vector<16xi32>
        %gather3A = tpu.vector_load_idx %arg13[%broadcast_in_dim3A_85] : memref<640xf32, #tpu.memory_space<vmem>>[vector<16xi32>], vector<16xf32>,
        %get3A = arith.index_cast %scan3A_81 : i32 to index
        %get3A_86 = arith.constant 0 : index
        %get3A_87 = tpu.vector_load %arg12[%get3A, %get3A_86] {strides = array<i32>} : memref<128x128xf32, #tpu.memory_space<vmem>>, vector<16xf32>,
        %mul3A_88 = arith.mulf %get3A_87, %gather3A : vector<16xf32>
        %add3A_89 = arith.constant 64 : i32
        %add3A_90 = arith.addi %add3A_89, %scan3A_81 : i32
        %get3A_91 = arith.index_cast %add3A_90 : i32 to index
        %get3A_92 = arith.constant 0 : index
        %get3A_93 = tpu.vector_load %arg12[%get3A_91, %get3A_92] {strides = array<i32>} : memref<128x128xf32, #tpu.memory_space<vmem>>, vector<16xf32>,
        %add3A_94 = arith.addf %mul3A_88, %get3A_93 : vector<16xf32>
        %swap3A = arith.index_cast %scan3A_81 : i32 to index
        %swap3A_95 = arith.constant 0 : index
        %swap3A_96 = tpu.vector_load %arg12[%swap3A, %swap3A_95] {strides = array<i32>} : memref<128x128xf32, #tpu.memory_space<vmem>>, vector<16xf32>,
        tpu.vector_store %arg12[%swap3A, %swap3A_95], %add3A_94 {strides = array<i32>} : memref<128x128xf32, #tpu.memory_space<vmem>>, vector<16xf32>,
        %get3A_97 = arith.index_cast %scan3A_81 : i32 to index
        %get3A_98 = arith.constant 16 : index
        %get3A_99 = tpu.vector_load %arg12[%get3A_97, %get3A_98] {strides = array<i32>} : memref<128x128xf32, #tpu.memory_space<vmem>>, vector<16xf32>,
        %mul3A_100 = arith.mulf %get3A_99, %gather3A : vector<16xf32>
        %add3A_101 = arith.constant 64 : i32
        %add3A_102 = arith.addi %add3A_101, %scan3A_81 : i32
        %get3A_103 = arith.index_cast %add3A_102 : i32 to index
        %get3A_104 = arith.constant 16 : index
        %get3A_105 = tpu.vector_load %arg12[%get3A_103, %get3A_104] {strides = array<i32>} : memref<128x128xf32, #tpu.memory_space<vmem>>, vector<16xf32>,
        %add3A_106 = arith.addf %mul3A_100, %get3A_105 : vector<16xf32>
        %swap3A_107 = arith.index_cast %scan3A_81 : i32 to index
        %swap3A_108 = arith.constant 16 : index
        %swap3A_109 = tpu.vector_load %arg12[%swap3A_107, %swap3A_108] {strides = array<i32>} : memref<128x128xf32, #tpu.memory_space<vmem>>, vector<16xf32>,
        tpu.vector_store %arg12[%swap3A_107, %swap3A_108], %add3A_106 {strides = array<i32>} : memref<128x128xf32, #tpu.memory_space<vmem>>, vector<16xf32>,
        %get3A_110 = arith.index_cast %scan3A_81 : i32 to index
        %get3A_111 = arith.constant 32 : index
        %get3A_112 = tpu.vector_load %arg12[%get3A_110, %get3A_111] {strides = array<i32>} : memref<128x128xf32, #tpu.memory_space<vmem>>, vector<16xf32>,
        %mul3A_113 = arith.mulf %get3A_112, %gather3A : vector<16xf32>
        %add3A_114 = arith.constant 64 : i32
        %add3A_115 = arith.addi %add3A_114, %scan3A_81 : i32
        %get3A_116 = arith.index_cast %add3A_115 : i32 to index
        %get3A_117 = arith.constant 32 : index
        %get3A_118 = tpu.vector_load %arg12[%get3A_116, %get3A_117] {strides = array<i32>} : memref<128x128xf32, #tpu.memory_space<vmem>>, vector<16xf32>,
        %add3A_119 = arith.addf %mul3A_113, %get3A_118 : vector<16xf32>
        %swap3A_120 = arith.index_cast %scan3A_81 : i32 to index
        %swap3A_121 = arith.constant 32 : index
        %swap3A_122 = tpu.vector_load %arg12[%swap3A_120, %swap3A_121] {strides = array<i32>} : memref<128x128xf32, #tpu.memory_space<vmem>>, vector<16xf32>,
        tpu.vector_store %arg12[%swap3A_120, %swap3A_121], %add3A_119 {strides = array<i32>} : memref<128x128xf32, #tpu.memory_space<vmem>>, vector<16xf32>,
        %get3A_123 = arith.index_cast %scan3A_81 : i32 to index
        %get3A_124 = arith.constant 48 : index
        %get3A_125 = tpu.vector_load %arg12[%get3A_123, %get3A_124] {strides = array<i32>} : memref<128x128xf32, #tpu.memory_space<vmem>>, vector<16xf32>,
        %mul3A_126 = arith.mulf %get3A_125, %gather3A : vector<16xf32>
        %add3A_127 = arith.constant 64 : i32
        %add3A_128 = arith.addi %add3A_127, %scan3A_81 : i32
        %get3A_129 = arith.index_cast %add3A_128 : i32 to index
        %get3A_130 = arith.constant 48 : index
        %get3A_131 = tpu.vector_load %arg12[%get3A_129, %get3A_130] {strides = array<i32>} : memref<128x128xf32, #tpu.memory_space<vmem>>, vector<16xf32>,
        %add3A_132 = arith.addf %mul3A_126, %get3A_131 : vector<16xf32>
        %swap3A_133 = arith.index_cast %scan3A_81 : i32 to index
        %swap3A_134 = arith.constant 48 : index
        %swap3A_135 = tpu.vector_load %arg12[%swap3A_133, %swap3A_134] {strides = array<i32>} : memref<128x128xf32, #tpu.memory_space<vmem>>, vector<16xf32>,
        tpu.vector_store %arg12[%swap3A_133, %swap3A_134], %add3A_132 {strides = array<i32>} : memref<128x128xf32, #tpu.memory_space<vmem>>, vector<16xf32>,
        %get3A_136 = arith.index_cast %scan3A_81 : i32 to index
        %get3A_137 = arith.constant 64 : index
        %get3A_138 = tpu.vector_load %arg12[%get3A_136, %get3A_137] {strides = array<i32>} : memref<128x128xf32, #tpu.memory_space<vmem>>, vector<16xf32>,
        %mul3A_139 = arith.mulf %get3A_138, %gather3A : vector<16xf32>
        %add3A_140 = arith.constant 64 : i32
        %add3A_141 = arith.addi %add3A_140, %scan3A_81 : i32
        %get3A_142 = arith.index_cast %add3A_141 : i32 to index
        %get3A_143 = arith.constant 64 : index
        %get3A_144 = tpu.vector_load %arg12[%get3A_142, %get3A_143] {strides = array<i32>} : memref<128x128xf32, #tpu.memory_space<vmem>>, vector<16xf32>,
        %add3A_145 = arith.addf %mul3A_139, %get3A_144 : vector<16xf32>
        %swap3A_146 = arith.index_cast %scan3A_81 : i32 to index
        %swap3A_147 = arith.constant 64 : index
        %swap3A_148 = tpu.vector_load %arg12[%swap3A_146, %swap3A_147] {strides = array<i32>} : memref<128x128xf32, #tpu.memory_space<vmem>>, vector<16xf32>,
        tpu.vector_store %arg12[%swap3A_146, %swap3A_147], %add3A_145 {strides = array<i32>} : memref<128x128xf32, #tpu.memory_space<vmem>>, vector<16xf32>,
        %get3A_149 = arith.index_cast %scan3A_81 : i32 to index
        %get3A_150 = arith.constant 80 : index
        %get3A_151 = tpu.vector_load %arg12[%get3A_149, %get3A_150] {strides = array<i32>} : memref<128x128xf32, #tpu.memory_space<vmem>>, vector<16xf32>,
        %mul3A_152 = arith.mulf %get3A_151, %gather3A : vector<16xf32>
        %add3A_153 = arith.constant 64 : i32
        %add3A_154 = arith.addi %add3A_153, %scan3A_81 : i32
        %get3A_155 = arith.index_cast %add3A_154 : i32 to index
        %get3A_156 = arith.constant 80 : index
        %get3A_157 = tpu.vector_load %arg12[%get3A_155, %get3A_156] {strides = array<i32>} : memref<128x128xf32, #tpu.memory_space<vmem>>, vector<16xf32>,
        %add3A_158 = arith.addf %mul3A_152, %get3A_157 : vector<16xf32>
        %swap3A_159 = arith.index_cast %scan3A_81 : i32 to index
        %swap3A_160 = arith.constant 80 : index
        %swap3A_161 = tpu.vector_load %arg12[%swap3A_159, %swap3A_160] {strides = array<i32>} : memref<128x128xf32, #tpu.memory_space<vmem>>, vector<16xf32>,
        tpu.vector_store %arg12[%swap3A_159, %swap3A_160], %add3A_158 {strides = array<i32>} : memref<128x128xf32, #tpu.memory_space<vmem>>, vector<16xf32>,
        %get3A_162 = arith.index_cast %scan3A_81 : i32 to index
        %get3A_163 = arith.constant 96 : index
        %get3A_164 = tpu.vector_load %arg12[%get3A_162, %get3A_163] {strides = array<i32>} : memref<128x128xf32, #tpu.memory_space<vmem>>, vector<16xf32>,
        %mul3A_165 = arith.mulf %get3A_164, %gather3A : vector<16xf32>
        %add3A_166 = arith.constant 64 : i32
        %add3A_167 = arith.addi %add3A_166, %scan3A_81 : i32
        %get3A_168 = arith.index_cast %add3A_167 : i32 to index
        %get3A_169 = arith.constant 96 : index
        %get3A_170 = tpu.vector_load %arg12[%get3A_168, %get3A_169] {strides = array<i32>} : memref<128x128xf32, #tpu.memory_space<vmem>>, vector<16xf32>,
        %add3A_171 = arith.addf %mul3A_165, %get3A_170 : vector<16xf32>
        %swap3A_172 = arith.index_cast %scan3A_81 : i32 to index
        %swap3A_173 = arith.constant 96 : index
        %swap3A_174 = tpu.vector_load %arg12[%swap3A_172, %swap3A_173] {strides = array<i32>} : memref<128x128xf32, #tpu.memory_space<vmem>>, vector<16xf32>,
        tpu.vector_store %arg12[%swap3A_172, %swap3A_173], %add3A_171 {strides = array<i32>} : memref<128x128xf32, #tpu.memory_space<vmem>>, vector<16xf32>,
        %get3A_175 = arith.index_cast %scan3A_81 : i32 to index
        %get3A_176 = arith.constant 112 : index
        %get3A_177 = tpu.vector_load %arg12[%get3A_175, %get3A_176] {strides = array<i32>} : memref<128x128xf32, #tpu.memory_space<vmem>>, vector<16xf32>,
        %mul3A_178 = arith.mulf %get3A_177, %gather3A : vector<16xf32>
        %add3A_179 = arith.constant 64 : i32
        %add3A_180 = arith.addi %add3A_179, %scan3A_81 : i32
        %get3A_181 = arith.index_cast %add3A_180 : i32 to index
        %get3A_182 = arith.constant 112 : index
        %get3A_183 = tpu.vector_load %arg12[%get3A_181, %get3A_182] {strides = array<i32>} : memref<128x128xf32, #tpu.memory_space<vmem>>, vector<16xf32>,
        %add3A_184 = arith.addf %mul3A_178, %get3A_183 : vector<16xf32>
        %swap3A_185 = arith.index_cast %scan3A_81 : i32 to index
        %swap3A_186 = arith.constant 112 : index
        %swap3A_187 = tpu.vector_load %arg12[%swap3A_185, %swap3A_186] {strides = array<i32>} : memref<128x128xf32, #tpu.memory_space<vmem>>, vector<16xf32>,
        tpu.vector_store %arg12[%swap3A_185, %swap3A_186], %add3A_184 {strides = array<i32>} : memref<128x128xf32, #tpu.memory_space<vmem>>, vector<16xf32>,
      }
      %scan3A_74 = arith.constant 64 : i32
      %mul3A_75 = arith.constant 10000 : i32
      %mul3A_76 = arith.muli %arg0, %mul3A_75 : i32
      %add3A_77 = arith.addi %mul3A_76, %min3A_7 : i32
      %mul3A_78 = arith.constant 64 : i32
      %mul3A_79 = arith.muli %mul3A_78, %scan3A_62 : i32
      %add3A_80 = arith.addi %add3A_77, %mul3A_79 : i32
      "tpu.region"() ({
        %run_scoped3A = tpu.sem_alloc : memref<!tpu.dma_semaphore, #tpu.memory_space<semaphore_mem>>
        %dma_start3A = arith.constant 0 : i32
        %dma_start3A_81 = arith.constant 0 : i32
        %dma_start3A_82 = tpu.memref_slice %arg12[%dma_start3A, %dma_start3A_81] : memref<128x128xf32, #tpu.memory_space<vmem>> -> memref<64x128xf32, #tpu.memory_space<vmem>>
        %dma_start3A_83 = arith.constant 0 : i32
        %dma_start3A_84 = tpu.memref_slice %arg7[%add3A_80, %dma_start3A_83] : memref<20000x128xf32, #tpu.memory_space<hbm>> -> memref<64x128xf32, #tpu.memory_space<hbm>>
        %dma_start3A_85 = arith.constant 0 : i32
        %dma_start3A_86 = tpu.memref_slice %arg7[%add3A_80, %dma_start3A_85] : memref<20000x128xf32, #tpu.memory_space<hbm>> -> memref<64x128xf32, #tpu.memory_space<hbm>>
        %dma_start3A_87 = arith.constant 0 : i32
        %dma_start3A_88 = arith.constant 0 : i32
        %dma_start3A_89 = tpu.memref_slice %arg12[%dma_start3A_87, %dma_start3A_88] : memref<128x128xf32, #tpu.memory_space<vmem>> -> memref<64x128xf32, #tpu.memory_space<vmem>>
        tpu.enqueue_dma source(%dma_start3A_89 : memref<64x128xf32, #tpu.memory_space<vmem>>) target(%dma_start3A_86 : memref<64x128xf32, #tpu.memory_space<hbm>>) target_semaphore(%run_scoped3A : memref<!tpu.dma_semaphore, #tpu.memory_space<semaphore_mem>>)
        %dma_wait3A = arith.constant 0 : i32
        %dma_wait3A_90 = arith.constant 0 : i32
        %dma_wait3A_91 = tpu.memref_slice %arg12[%dma_wait3A, %dma_wait3A_90] : memref<128x128xf32, #tpu.memory_space<vmem>> -> memref<64x128xf32, #tpu.memory_space<vmem>>
        %dma_wait3A_92 = arith.constant 0 : i32
        %dma_wait3A_93 = tpu.memref_slice %arg7[%add3A_80, %dma_wait3A_92] : memref<20000x128xf32, #tpu.memory_space<hbm>> -> memref<64x128xf32, #tpu.memory_space<hbm>>
        %dma_wait3A_94 = arith.constant 0 : i32
        %dma_wait3A_95 = tpu.memref_slice %arg7[%add3A_80, %dma_wait3A_94] : memref<20000x128xf32, #tpu.memory_space<hbm>> -> memref<64x128xf32, #tpu.memory_space<hbm>>
        %dma_wait3A_96 = arith.constant 0 : i32
        %dma_wait3A_97 = arith.constant 0 : i32
        %dma_wait3A_98 = tpu.memref_slice %arg12[%dma_wait3A_96, %dma_wait3A_97] : memref<128x128xf32, #tpu.memory_space<vmem>> -> memref<64x128xf32, #tpu.memory_space<vmem>>
        tpu.wait_dma2 semaphore(%run_scoped3A : memref<!tpu.dma_semaphore, #tpu.memory_space<semaphore_mem>>) src(%dma_wait3A_98 : memref<64x128xf32, #tpu.memory_space<vmem>>) dst(%dma_wait3A_95 : memref<64x128xf32, #tpu.memory_space<hbm>>)
        tpu.yield
      }) : () -> ()
    }
    %scan3A_61 = arith.constant 10 : i32
    return
  }
}

module attributes {stable_mosaic.version = 14 : i64} {
  func.func @body(%arg0: i32, %arg1: memref<1000x128xf32, #tpu.memory_space<vmem>>, %arg2: memref<128x128xf32, #tpu.memory_space<vmem>>, %arg3: memref<128x128xf32, #tpu.memory_space<vmem>>, %arg4: memref<128x2xf32, #tpu.memory_space<vmem>>, %arg5: memref<128x2xf32, #tpu.memory_space<vmem>>, %arg6: memref<2x1000x128xf32, #tpu.memory_space<vmem>>, %arg7: memref<2x1000x2xf32, #tpu.memory_space<vmem>>) attributes {dimension_semantics = [#tpu.dimension_semantics<arbitrary>], iteration_bounds = array<i64: 10>, scalar_prefetch = 0 : i64, scratch_operands = 0 : i64, tpu.core_type = #tpu.core_type<tc>, window_params = [{transform_indices = @transform_0, window_bounds = array<i64: 1000, 128>}, {pipeline_mode = #tpu.pipeline_mode<synchronous>, transform_indices = @transform_1, window_bounds = array<i64: 128, 128>}, {pipeline_mode = #tpu.pipeline_mode<synchronous>, transform_indices = @transform_2, window_bounds = array<i64: 128, 128>}, {pipeline_mode = #tpu.pipeline_mode<synchronous>, transform_indices = @transform_3, window_bounds = array<i64: 128, 2>}, {pipeline_mode = #tpu.pipeline_mode<synchronous>, transform_indices = @transform_4, window_bounds = array<i64: 128, 2>}, {transform_indices = @transform_5, window_bounds = array<i64: 2, 1000, 128>}, {transform_indices = @transform_6, window_bounds = array<i64: 2, 1000, 2>}]} {
    %get3A = arith.constant 0 : index
    %get3A_0 = arith.constant 0 : index
    %get3A_1 = vector.load %arg1[%get3A, %get3A_0] : memref<1000x128xf32, #tpu.memory_space<vmem>>, vector<1000x128xf32>
    %get3A_2 = arith.constant 0 : index
    %get3A_3 = arith.constant 0 : index
    %get3A_4 = vector.load %arg2[%get3A_2, %get3A_3] : memref<128x128xf32, #tpu.memory_space<vmem>>, vector<128x128xf32>
    %dot_general3A = arith.constant dense<0.000000e+00> : vector<1000x128xf32>
    %dot_general3A_5 = tpu.matmul %get3A_1, %get3A_4, %dot_general3A {dimension_numbers = #tpu.dot_dimension_numbers<[1], [0], [0], [1], [0, 0, 1, 1], [], []>, transpose_lhs_hint = false} : vector<1000x128xf32>, vector<128x128xf32>, vector<1000x128xf32> -> vector<1000x128xf32>
    %get3A_6 = arith.constant 0 : index
    %get3A_7 = arith.constant 0 : index
    %get3A_8 = vector.load %arg3[%get3A_6, %get3A_7] : memref<128x128xf32, #tpu.memory_space<vmem>>, vector<128x128xf32>
    %dot_general3A_9 = arith.constant dense<0.000000e+00> : vector<1000x128xf32>
    %dot_general3A_10 = tpu.matmul %get3A_1, %get3A_8, %dot_general3A_9 {dimension_numbers = #tpu.dot_dimension_numbers<[1], [0], [0], [1], [0, 0, 1, 1], [], []>, transpose_lhs_hint = false} : vector<1000x128xf32>, vector<128x128xf32>, vector<1000x128xf32> -> vector<1000x128xf32>
    %swap3A = arith.constant 0 : index
    %swap3A_11 = arith.constant 0 : index
    %swap3A_12 = arith.constant 0 : index
    %swap3A_13 = vector.load %arg6[%swap3A, %swap3A_11, %swap3A_12] : memref<2x1000x128xf32, #tpu.memory_space<vmem>>, vector<1x1000x128xf32>
    %swap3A_14 = vector.shape_cast %swap3A_13 : vector<1x1000x128xf32> to vector<1000x128xf32>
    %swap3A_15 = vector.shape_cast %dot_general3A_5 : vector<1000x128xf32> to vector<1x1000x128xf32>
    tpu.vector_store %arg6[%swap3A, %swap3A_11, %swap3A_12], %swap3A_15 {strides = array<i32>} : memref<2x1000x128xf32, #tpu.memory_space<vmem>>, vector<1x1000x128xf32>,
    %swap3A_16 = arith.constant 1 : index
    %swap3A_17 = arith.constant 0 : index
    %swap3A_18 = arith.constant 0 : index
    %swap3A_19 = vector.load %arg6[%swap3A_16, %swap3A_17, %swap3A_18] : memref<2x1000x128xf32, #tpu.memory_space<vmem>>, vector<1x1000x128xf32>
    %swap3A_20 = vector.shape_cast %swap3A_19 : vector<1x1000x128xf32> to vector<1000x128xf32>
    %swap3A_21 = vector.shape_cast %dot_general3A_10 : vector<1000x128xf32> to vector<1x1000x128xf32>
    tpu.vector_store %arg6[%swap3A_16, %swap3A_17, %swap3A_18], %swap3A_21 {strides = array<i32>} : memref<2x1000x128xf32, #tpu.memory_space<vmem>>, vector<1x1000x128xf32>,
    %get3A_22 = arith.constant 0 : index
    %get3A_23 = arith.constant 0 : index
    %get3A_24 = vector.load %arg4[%get3A_22, %get3A_23] : memref<128x2xf32, #tpu.memory_space<vmem>>, vector<128x2xf32>
    %dot_general3A_25 = arith.constant dense<0.000000e+00> : vector<1000x2xf32>
    %dot_general3A_26 = tpu.matmul %dot_general3A_5, %get3A_24, %dot_general3A_25 {dimension_numbers = #tpu.dot_dimension_numbers<[1], [0], [0], [1], [0, 0, 1, 1], [], []>, transpose_lhs_hint = false} : vector<1000x128xf32>, vector<128x2xf32>, vector<1000x2xf32> -> vector<1000x2xf32>
    %swap3A_27 = arith.constant 0 : index
    %swap3A_28 = arith.constant 0 : index
    %swap3A_29 = arith.constant 0 : index
    %swap3A_30 = vector.load %arg7[%swap3A_27, %swap3A_28, %swap3A_29] : memref<2x1000x2xf32, #tpu.memory_space<vmem>>, vector<1x1000x2xf32>
    %swap3A_31 = vector.shape_cast %swap3A_30 : vector<1x1000x2xf32> to vector<1000x2xf32>
    %swap3A_32 = vector.shape_cast %dot_general3A_26 : vector<1000x2xf32> to vector<1x1000x2xf32>
    tpu.vector_store %arg7[%swap3A_27, %swap3A_28, %swap3A_29], %swap3A_32 {strides = array<i32>} : memref<2x1000x2xf32, #tpu.memory_space<vmem>>, vector<1x1000x2xf32>,
    %get3A_33 = arith.constant 0 : index
    %get3A_34 = arith.constant 0 : index
    %get3A_35 = vector.load %arg5[%get3A_33, %get3A_34] : memref<128x2xf32, #tpu.memory_space<vmem>>, vector<128x2xf32>
    %dot_general3A_36 = arith.constant dense<0.000000e+00> : vector<1000x2xf32>
    %dot_general3A_37 = tpu.matmul %dot_general3A_10, %get3A_35, %dot_general3A_36 {dimension_numbers = #tpu.dot_dimension_numbers<[1], [0], [0], [1], [0, 0, 1, 1], [], []>, transpose_lhs_hint = false} : vector<1000x128xf32>, vector<128x2xf32>, vector<1000x2xf32> -> vector<1000x2xf32>
    %swap3A_38 = arith.constant 1 : index
    %swap3A_39 = arith.constant 0 : index
    %swap3A_40 = arith.constant 0 : index
    %swap3A_41 = vector.load %arg7[%swap3A_38, %swap3A_39, %swap3A_40] : memref<2x1000x2xf32, #tpu.memory_space<vmem>>, vector<1x1000x2xf32>
    %swap3A_42 = vector.shape_cast %swap3A_41 : vector<1x1000x2xf32> to vector<1000x2xf32>
    %swap3A_43 = vector.shape_cast %dot_general3A_37 : vector<1000x2xf32> to vector<1x1000x2xf32>
    tpu.vector_store %arg7[%swap3A_38, %swap3A_39, %swap3A_40], %swap3A_43 {strides = array<i32>} : memref<2x1000x2xf32, #tpu.memory_space<vmem>>, vector<1x1000x2xf32>,
    return
  }
  func.func @transform_0(%arg0: i32) -> (i32, i32) {
    %c0_i32 = arith.constant 0 : i32
    %c0_i32_0 = arith.constant 0 : i32
    return %arg0, %c0_i32 : i32, i32
  }
  func.func @transform_1(%arg0: i32) -> (i32, i32) {
    %c0_i32 = arith.constant 0 : i32
    %c0_i32_0 = arith.constant 0 : i32
    %c0_i32_1 = arith.constant 0 : i32
    return %c0_i32, %c0_i32_0 : i32, i32
  }
  func.func @transform_2(%arg0: i32) -> (i32, i32) {
    %c0_i32 = arith.constant 0 : i32
    %c0_i32_0 = arith.constant 0 : i32
    %c0_i32_1 = arith.constant 0 : i32
    return %c0_i32, %c0_i32_0 : i32, i32
  }
  func.func @transform_3(%arg0: i32) -> (i32, i32) {
    %c0_i32 = arith.constant 0 : i32
    %c0_i32_0 = arith.constant 0 : i32
    %c0_i32_1 = arith.constant 0 : i32
    return %c0_i32, %c0_i32_0 : i32, i32
  }
  func.func @transform_4(%arg0: i32) -> (i32, i32) {
    %c0_i32 = arith.constant 0 : i32
    %c0_i32_0 = arith.constant 0 : i32
    %c0_i32_1 = arith.constant 0 : i32
    return %c0_i32, %c0_i32_0 : i32, i32
  }
  func.func @transform_5(%arg0: i32) -> (i32, i32, i32) {
    %c0_i32 = arith.constant 0 : i32
    %c0_i32_0 = arith.constant 0 : i32
    %c0_i32_1 = arith.constant 0 : i32
    return %c0_i32, %arg0, %c0_i32_0 : i32, i32, i32
  }
  func.func @transform_6(%arg0: i32) -> (i32, i32, i32) {
    %c0_i32 = arith.constant 0 : i32
    %c0_i32_0 = arith.constant 0 : i32
    %c0_i32_1 = arith.constant 0 : i32
    return %c0_i32, %arg0, %c0_i32_0 : i32, i32, i32
  }
}

module attributes {stable_mosaic.version = 14 : i64} {
  func.func @body(%arg0: i32, %arg1: memref<1000x128xf32, #tpu.memory_space<vmem>>, %arg2: memref<1000x128xf32, #tpu.memory_space<vmem>>, %arg3: memref<1x128xf32, #tpu.memory_space<vmem>>, %arg4: memref<1x128xf32, #tpu.memory_space<vmem>>, %arg5: memref<1000x128xf32, #tpu.memory_space<vmem>>) attributes {dimension_semantics = [#tpu.dimension_semantics<arbitrary>], iteration_bounds = array<i64: 10>, scalar_prefetch = 0 : i64, scratch_operands = 0 : i64, tpu.core_type = #tpu.core_type<tc>, window_params = [{transform_indices = @transform_0, window_bounds = array<i64: 1000, 128>}, {transform_indices = @transform_1, window_bounds = array<i64: 1000, 128>}, {pipeline_mode = #tpu.pipeline_mode<synchronous>, transform_indices = @transform_2, window_bounds = array<i64: 1, 128>}, {pipeline_mode = #tpu.pipeline_mode<synchronous>, transform_indices = @transform_3, window_bounds = array<i64: 1, 128>}, {transform_indices = @transform_4, window_bounds = array<i64: 1000, 128>}]} {
    %get3A = arith.constant 0 : index
    %get3A_0 = arith.constant 0 : index
    %get3A_1 = vector.load %arg1[%get3A, %get3A_0] : memref<1000x128xf32, #tpu.memory_space<vmem>>, vector<1000x128xf32>
    %get3A_2 = arith.constant 0 : index
    %get3A_3 = arith.constant 0 : index
    %get3A_4 = vector.load %arg2[%get3A_2, %get3A_3] : memref<1000x128xf32, #tpu.memory_space<vmem>>, vector<1000x128xf32>
    %add3A = arith.addf %get3A_1, %get3A_4 : vector<1000x128xf32>
    %get3A_5 = arith.constant 0 : index
    %get3A_6 = arith.constant 0 : index
    %get3A_7 = vector.load %arg3[%get3A_5, %get3A_6] : memref<1x128xf32, #tpu.memory_space<vmem>>, vector<1x128xf32>
    %add3A_8 = vector.broadcast %get3A_7 : vector<1x128xf32> to vector<1000x128xf32>
    %add3A_9 = arith.addf %add3A, %add3A_8 : vector<1000x128xf32>
    %get3A_10 = arith.constant 0 : index
    %get3A_11 = arith.constant 0 : index
    %get3A_12 = vector.load %arg4[%get3A_10, %get3A_11] : memref<1x128xf32, #tpu.memory_space<vmem>>, vector<1x128xf32>
    %add3A_13 = vector.broadcast %get3A_12 : vector<1x128xf32> to vector<1000x128xf32>
    %add3A_14 = arith.addf %add3A_9, %add3A_13 : vector<1000x128xf32>
    %swap3A = arith.constant 0 : index
    %swap3A_15 = arith.constant 0 : index
    %swap3A_16 = vector.load %arg5[%swap3A, %swap3A_15] : memref<1000x128xf32, #tpu.memory_space<vmem>>, vector<1000x128xf32>
    tpu.vector_store %arg5[%swap3A, %swap3A_15], %add3A_14 {strides = array<i32>} : memref<1000x128xf32, #tpu.memory_space<vmem>>, vector<1000x128xf32>,
    return
  }
  func.func @transform_0(%arg0: i32) -> (i32, i32) {
    %c0_i32 = arith.constant 0 : i32
    %c0_i32_0 = arith.constant 0 : i32
    return %arg0, %c0_i32 : i32, i32
  }
  func.func @transform_1(%arg0: i32) -> (i32, i32) {
    %add3A = arith.constant 10 : i32
    %add3A_0 = arith.addi %arg0, %add3A : i32
    %c0_i32 = arith.constant 0 : i32
    %c0_i32_1 = arith.constant 0 : i32
    return %add3A_0, %c0_i32 : i32, i32
  }
  func.func @transform_2(%arg0: i32) -> (i32, i32) {
    %c0_i32 = arith.constant 0 : i32
    %c0_i32_0 = arith.constant 0 : i32
    %c0_i32_1 = arith.constant 0 : i32
    return %c0_i32, %c0_i32_0 : i32, i32
  }
  func.func @transform_3(%arg0: i32) -> (i32, i32) {
    %c0_i32 = arith.constant 0 : i32
    %c0_i32_0 = arith.constant 0 : i32
    %c0_i32_1 = arith.constant 0 : i32
    return %c0_i32, %c0_i32_0 : i32, i32
  }
  func.func @transform_4(%arg0: i32) -> (i32, i32) {
    %c0_i32 = arith.constant 0 : i32
    %c0_i32_0 = arith.constant 0 : i32
    return %arg0, %c0_i32 : i32, i32
  }
}

</mosaic_0001>

<sc_bundles>
// kernel: kernel.5.cloned.1.call-start
scs
__scs_entry_jumppad:
0x0: {  	(pc) =	sbr.rel $0x88, $3  }
0x1: {  	(tag) =	ssettag $0x0;
	lr =	simm.s32 $0x1  }
0x2: {  	[smem:$0x3F96] =	sst lr;
	_ =	strace $0xD0000000  }
0x3: {  	_ = 	snop  }
0x4: {  	_ = 	snop  }
0x5: {  	_ = 	snop  }
0x6: {  	_ = 	snop  }
0x7: {  	_ = 	snop  }
__scs_overlays_trampoline_lowered:
0x8: {  	[smem:$0x3FA5] =	sst s0  }
0x9: {  	[smem:$0x3FA6] =	sst s1  }
0xa: {  	[smem:$0x3FA7] =	sst s2  }
0xb: {  	[smem:$0x3FA8] =	sst s3  }
0xc: {  	[smem:$0x3FA9] =	sst s4  }
0xd: {  	[smem:$0x3FAA] =	sst s5  }
0xe: {  	[smem:$0x3FAB] =	sst s6  }
0xf: {  	[smem:$0x3FAC] =	sst s7  }
0x10: {  	[smem:$0x3FAD] =	sst s8  }
0x11: {  	[smem:$0x3FAE] =	sst s9;
	s0 =	simm.s32 @!p0 $0x0  }
0x12: {  	s1 =	sld [smem:$0x3F94];
	s0 =	simm.s32 @p0 $0x1  }
0x13: {  	[smem:$0x3FAF] =	sst s0;
	s0 =	simm.s32 @!p1 $0x0  }
0x14: {  	s2 =	sld [smem:$0x3F93];
	s0 =	simm.s32 @p1 $0x1  }
0x15: {  	[smem:$0x3FB0] =	sst s0;
	s0 =	simm.s32 @!p2 $0x0  }
0x16: {  	s3 =	sld [smem:$0x3FDB];
	s0 =	simm.s32 @p2 $0x1  }
0x17: {  	s4 =	simm.s32 $0x1BF5;
	[smem:$0x3FB2] =	sst s0  }
0x18: {  	s0 =	sld [smem:$0x3F95];
	_ =	swait.ge [sflag:s4], $0x0  }
0x19: {  	s7 =	sld [smem:$0x3F96]  }
0x1a: {  	s8 =	sadd.s32 $0xFFFFE003, lr  }
0x1b: {  	s9 =	sadd.s32 $0xFFFFFEF7, lr;
	s5 =	simm.s32 $0xFFFFFFFF;
	p2 =	slt.u32 s8, $0xFFFFF086  }
0x1c: {  	p1 =	slt.u32 s9, $0xF7A;
	s5 =	simm.s32 @!p2 $0x0  }
0x1d: {  	s5 =	simm.s32 @p1 $0x1;
	p0 =	seq.s32 s7, s2  }
0x1e: {  	s7 =	smul.u32 @!p0 $0xF7A, s2;
	p2 =	seq.s32 @!p0 s5, $0x0  }
0x1f: {  	s9 =	smul.u32 $0xF7A, s1;
	s8 =	simm.s32 @!p0 $0x1BF5;
	p2 =	por !p2, p0  }
0x20: {  	[sflag:s8] =	ssyncset.s32 @!p0 $0xFFFFF086;
	s6 =	sadd.s32 @!p0 s3, s7;
	s7 =	simm.s32 @!p0 $0x108  }
0x21: {  	s3 =	sadd.s32 s3, s9;
	s6 =	sadd.s32 @!p0 $0x88, s6;
	s7 =	simm.s32 @p2 $0x1082  }
0x22: {  	[simem:s7], [sflag:s8] =	dma.local @!p0 [hbm:s6], $0xF7A  }
0x23: {  	s9 =	sor.u32 $0xD0000000, s2;
	s6 =	simm.s32 $0x108;
	_ =	swait.ge @!p0 [sflag:s8], $0x0  }
0x24: {  	s3 =	sadd.s32 $0x88, s3;
	s6 =	simm.s32 @!p1 $0x1082;
	[sflag:s4] =	ssyncset.s32 $0xFFFFF086  }
0x25: {  	[simem:s6], [sflag:s4] =	dma.local [hbm:s3], $0xF7A  }
0x26: {  	[smem:$0x3F96] =	sst s1;
	(tag) =	ssettag s2;
	_ =	strace s9  }
0x27: {  	s1 =	sld [smem:$0x3FA6]  }
0x28: {  	s2 =	sld [smem:$0x3FA7]  }
0x29: {  	s4 =	sld [smem:$0x3FA9]  }
0x2a: {  	p0 =	seq.s32 s5, $0x0;
	s5 =	sld [smem:$0x3FAA]  }
0x2b: {  	s6 =	sld [smem:$0x3FAB]  }
0x2c: {  	s7 =	sld [smem:$0x3FAC]  }
0x2d: {  	s3 =	simm.s32 $0x108;
	s8 =	sld [smem:$0x3FAD]  }
0x2e: {  	s3 =	simm.s32 @!p0 $0x1082;
	s9 =	sld [smem:$0x3FAE]  }
0x2f: {  	lr =	sadd.s32 s0, s3;
	s0 =	sld [smem:$0x3FA5]  }
0x30: {  	s3 =	sld [smem:$0x3FA8]  }
0x31: {  	[smem:$0x3FB1] =	sst s10  }
0x32: {  	s10 =	sld [smem:$0x3FAF];
	_ =	sdelay $0x3  }
0x33: {  	p0 =	seq.s32 s10, $0x1;
	s10 =	sld [smem:$0x3FB1];
	_ =	sdelay $0x3  }
0x34: {  	[smem:$0x3FB1] =	sst s10  }
0x35: {  	s10 =	sld [smem:$0x3FB0];
	_ =	sdelay $0x3  }
0x36: {  	p1 =	seq.s32 s10, $0x1;
	s10 =	sld [smem:$0x3FB1];
	_ =	sdelay $0x3  }
0x37: {  	[smem:$0x3FB1] =	sst s10  }
0x38: {  	s10 =	sld [smem:$0x3FB2]  }
0x39: {  	_ = 	snop;
	(pc) =	sbr.ind lr, $3  }
0x3a: {  	_ = 	snop  }
0x3b: {  	_ = 	snop  }
0x3c: {  	p2 =	seq.s32 s10, $0x1;
	s10 =	sld [smem:$0x3FB1]  }
0x3d: {  	_ =	shalt  }
0x3e: {  	_ =	shalt  }
0x3f: {  	_ =	shalt  }
0x40: {  	_ =	shalt  }
0x41: {  	_ =	shalt  }
0x42: {  	_ =	shalt  }
0x43: {  	_ =	shalt  }
0x44: {  	_ =	shalt  }
0x45: {  	_ =	shalt  }
0x46: {  	_ =	shalt  }
0x47: {  	_ =	shalt  }
0x48: {  	_ =	shalt  }
0x49: {  	_ =	shalt  }
0x4a: {  	_ =	shalt  }
0x4b: {  	_ =	shalt  }
0x4c: {  	_ =	shalt  }
0x4d: {  	_ =	shalt  }
0x4e: {  	_ =	shalt  }
0x4f: {  	_ =	shalt  }
0x50: {  	_ =	shalt  }
0x51: {  	_ =	shalt  }
0x52: {  	_ =	shalt  }
0x53: {  	_ =	shalt  }
0x54: {  	_ =	shalt  }
0x55: {  	_ =	shalt  }
0x56: {  	_ =	shalt  }
0x57: {  	_ =	shalt  }
0x58: {  	_ =	shalt  }
0x59: {  	_ =	shalt  }
0x5a: {  	_ =	shalt  }
0x5b: {  	_ =	shalt  }
0x5c: {  	_ =	shalt  }
0x5d: {  	_ =	shalt  }
0x5e: {  	_ =	shalt  }
0x5f: {  	_ =	shalt  }
0x60: {  	_ =	shalt  }
0x61: {  	_ =	shalt  }
0x62: {  	_ =	shalt  }
0x63: {  	_ =	shalt  }
0x64: {  	_ =	shalt  }
0x65: {  	_ =	shalt  }
0x66: {  	_ =	shalt  }
0x67: {  	_ =	shalt  }
0x68: {  	_ =	shalt  }
0x69: {  	_ =	shalt  }
0x6a: {  	_ =	shalt  }
0x6b: {  	_ =	shalt  }
0x6c: {  	_ =	shalt  }
0x6d: {  	_ =	shalt  }
0x6e: {  	_ =	shalt  }
0x6f: {  	_ =	shalt  }
0x70: {  	_ =	shalt  }
0x71: {  	_ =	shalt  }
0x72: {  	_ =	shalt  }
0x73: {  	_ =	shalt  }
0x74: {  	_ =	shalt  }
0x75: {  	_ =	shalt  }
0x76: {  	_ =	shalt  }
0x77: {  	_ =	shalt  }
0x78: {  	_ =	shalt  }
0x79: {  	_ =	shalt  }
0x7a: {  	_ =	shalt  }
0x7b: {  	_ =	shalt  }
0x7c: {  	_ =	shalt  }
0x7d: {  	_ =	shalt  }
0x7e: {  	_ =	shalt  }
0x7f: {  	_ =	shalt  }
0x80: {  	_ =	shalt  }
0x81: {  	_ =	shalt  }
0x82: {  	_ =	shalt  }
0x83: {  	_ =	shalt  }
0x84: {  	_ =	shalt  }
0x85: {  	_ =	shalt  }
0x86: {  	_ =	shalt  }
0x87: {  	_ =	shalt  }
.Lfunc_end0:
.L_simem_size_0:
called_computation_lowered:
.L_overlay_start_0:
0x88: {  	s2 =	sld [smem:$0x3FD9]  }
0x89: {  	s3 =	sld [smem:$0x3FFE];
	_ =	sdelay $0x1  }
0x8a: {  	s1 =	srdreg.scid  }
0x8b: {  	s0 =	sand.u32 $0x1, s1  }
0x8c: {  	s17 =	sshll.u32 s0, $0xA;
	s2 =	sadd.s32 s3, s2  }
0x8d: {  	s2 =	sadd.s32 s2, s17  }
0x8e: {  	[smem:$0x3FBD] =	sst s2  }
0x8f: {  	_ = 	snop  }
0x90: {  	s2 =	sld [smem:$0x3FC9]  }
0x91: {  	s18 =	sld [smem:$0x3FD0];
	(tm) =	ssettm $0x1  }
0x92: {  	s4 =	sld [smem:$0x3FFB];
	_ =	sdelay $0x3  }
0x93: {  	_ =	strace s4  }
0x94: {  	s4 =	sld [smem:$0x3FFC];
	_ =	sdelay $0x3  }
0x95: {  	_ =	strace s4  }
0x96: {  	s4 =	sld [smem:$0x3FFD];
	_ =	sdelay $0x3  }
0x97: {  	_ =	strace s4  }
0x98: {  	_ =	strace $0x8FFFFFFF  }
0x99: {  	s19 =	sld [smem:$0x3FDB];
	_ =	sdelay $0x1  }
0x9a: {  	s5 =	simm.s32 $_scs_section_size  }
0x9b: {  	s6 =	simm.s32 $_size__tile_overlayer_lowered;
	s7 =	simm.s32 $_tile_overlayer_lowered  }
0x9c: {  	s22 =	simm.s32 $0x1BFF;
	s21 =	sshll.u32 s7, $0x1;
	s4 =	sadd.s32 s5, s19  }
0x9d: {  	s8 =	simm.s32 $0x0;
	s20 =	sshll.u32 s6, $0x1;
	s6 =	sadd.s32 s21, s4  }
0x9e: {  	[timem:s8], [sflag:s22] =	dma.local [hbm:s6], s20  }
0x9f: {  	_ =	swait.ge [sflag:s22], s20  }
0xa0: {  	s5 =	ssub.s32 $0x0, s20;
	[sflag:s22] =	ssyncset.done $0x0  }
0xa1: {  	[sflag:s22] =	ssyncadd.s32 s5;
	_ =	sdelay $0x1  }
0xa2: {  	s23 =	simm.s32 $0x1B8B  }
0xa3: {  	_ =	swait.ge [sflag:s23], $0x1  }
0xa4: {  	[sflag:s23] =	ssyncset.done $0x0  }
0xa5: {  	s25 =	simm.s32 $0x1B8E;
	s24 =	sld [smem:$0x3FFE];
	[sflag:s23] =	ssyncadd.s32 $0xFFFFFFFF  }
0xa6: {  	s26 =	simm.s32 $execute0_lowered;
	[smem:$0x3FD2] =	sst s25  }
0xa7: {  	s6 =	sshll.u32 s26, $0x1;
	_ =	strace $0x80000046;
	[dreg:$0x1] =	wrdreg $0xFFFFFFFF  }
0xa8: {  	s28 =	simm.s32 $_size_execute0_lowered;
	s4 =	sadd.s32 s4, s6;
	[dreg:$0x0] =	wrdreg $0x0  }
0xa9: {  	s6 =	sshll.u32 s28, $0x1;
	[dreg:$0x2] =	wrdreg s4  }
0xaa: {  	[dreg:$0x3] =	wrdreg s6  }
0xab: {  	[dreg:$0x4] =	wrdreg $0xC0  }
0xac: {  	_ =	task [dreg:s8], $0x5FFFF  }
0xad: {  	[dreg:$0x1] =	wrdreg $0xFFFFFFFF  }
0xae: {  	[dreg:$0x0] =	wrdreg $0x60  }
0xaf: {  	[dreg:$0x2] =	wrdreg s24  }
0xb0: {  	[dreg:$0x3] =	wrdreg s18  }
0xb1: {  	[dreg:$0x4] =	wrdreg s2  }
0xb2: {  	[dreg:$0x5] =	wrdreg $0xA5780  }
0xb3: {  	[dreg:$0x6] =	wrdreg $0xA3000  }
0xb4: {  	[dreg:$0x7] =	wrdreg $0x9  }
0xb5: {  	_ =	task.clear_ibuf [dreg:s8], $0x8FFFF;
	_ =	strace $0x90000046  }
0xb6: {  	s29 =	simm.s32 $0x9;
	_ =	strace $0x80000048  }
0xb7: {  	_ =	swait.ge [sflag:s29], $0x1  }
0xb8: {  	[sflag:s29] =	ssyncadd.s32 $0xFFFFFFFF  }
0xb9: {  	_ =	strace $0x90000048  }
0xba: {  	_ =	sfence  }
0xbb: {  	s30 =	sld [smem:$0x0];
	_ =	sdelay $0x2  }
0xbc: {  	s31 =	sshll.u32 s1, $0xD;
	s1 =	sshrl.u32 s1, $0x2  }
0xbd: {  	s3 =	sand.u32 $0x4000, s31;
	s1 =	sadd.s32 s1, s30  }
0xbe: {  	s0 =	sor.u32 s3, s0;
	s1 =	sshll.u32 s1, $0x11  }
0xbf: {  	s0 =	sor.u32 s1, s0  }
0xc0: {  	s0 =	sadd.s32 $0x8F2B, s0  }
0xc1: {  	[sflag:s0] =	ssyncadd.remote.s32 $0x1  }
0xc2: {  	_ =	sfence.sel $0xFFFF  }
0xc3: {  	[dreg:$0x0] =	wrdreg $0xFFFFFFFF;
	(pc) =	sbr.abs _section_cstart, $3  }
0xc4: {  	[dreg:$0x1] =	wrdreg $0xFFFFFFFF  }
0xc5: {  	_ =	task.clear_ibuf [dreg:s8], $0x2FFFF;
	_ =	strace $0x9FFFFFFF  }
0xc6: {  	(tm) =	ssettm $0x7FFFFFFF  }
0xc7: {  	_ =	shalt  }
tec
execute0_lowered:
.L_overlay_start_1:
0x0: {  	(tag) =	ssettag $0x1  }
0x1: {  	s0 =	rddreg [dreg:$0x0]  }
0x2: {  	s1 =	rddreg [dreg:$0x1]  }
0x3: {  	s2 =	rddreg [dreg:$0x2]  }
0x4: {  	s3 =	rddreg [dreg:$0x3]  }
0x5: {  	s4 =	rddreg [dreg:$0x4];
	s6 =	srdreg.scid  }
0x6: {  	s5 =	simm.s32 $0x0;
	s16 =	stileid.u32;
	s6 =	sand.u32 $0x1, s6  }
0x7: {  	[smem:$0x7FF] =	sst s5;
	s7 =	sadd.s32 $0x4EC00, s0;
	s13 =	smul.u32 $0xA0, s16  }
0x8: {  	s8 =	sadd.s32 $0x1E00, s0;
	s15 =	smul.u32 $0x280, s16;
	s9 =	sadd.s32 $0x9CE00, s0  }
0x9: {  	p0 =	slt.u32 s16, $0x4;
	s10 =	smul.u32 $0xA00, s6;
	s12 =	ssub.s32 $0x2, s6  }
0xa: {  	_ =	strace $0x80000047;
	s17 =	smul.u32 $0x2710, s6;
	s14 =	sshrl.u32 s12, $0x1  }
0xb: {  	s11 =	sadd.s32 s10, s0;
	s29 =	ssub.s32 s12, s14;
	s13 =	sadd.s32 s13, s10  }
0xc: {  	s10 =	smin.u32 s15, $0x2490;
	s11 =	sadd.s32 $0xA00, s11;
	s13 =	sshll.u32 s13, $0x4  }
0xd: {  	s0 =	smax.u32 s29, $0x1;
	[dreg:$0x6] =	wrdreg s11;
	s18 =	sadd.s32 $0x900, s13  }
0xe: {  	s16 =	sshll.u32 s10, $0x7;
	[dreg:$0x9] =	wrdreg s0;
	s19 =	sadd.s32 s1, s18  }
0xf: {  	s15 =	sadd.s32 s16, s3;
	s6 =	sadd.s32 s8, s18;
	[dreg:$0x7] =	wrdreg s19  }
0x10: {  	s20 =	sadd.s32 $0x2000, s15;
	[dreg:$0x8] =	wrdreg s6  }
0x11: {  	s30 =	simm.s32 $0x1;
	s21 =	sadd.s32 $0x4000, s15;
	[dreg:$0xa] =	wrdreg s20  }
0x12: {  	s31 =	simm.s32 $0xA080;
	s22 =	sadd.s32 $0x6000, s15;
	[dreg:$0xb] =	wrdreg s21  }
0x13: {  	s14 =	simm.s32 $0xD;
	s23 =	sadd.s32 $0x8000, s15;
	[dreg:$0xc] =	wrdreg s22  }
0x14: {  	s12 =	sadd.s32 s10, s4;
	s24 =	sadd.s32 $0xA000, s15;
	[dreg:$0xd] =	wrdreg s23  }
0x15: {  	s14 =	simm.s32 @!p0 $0xC;
	s25 =	sadd.s32 $0xC000, s15;
	[dreg:$0xe] =	wrdreg s24  }
0x16: {  	s0 =	simm.s32 $0x6080;
	s26 =	sadd.s32 $0xE000, s15;
	[dreg:$0xf] =	wrdreg s25  }
0x17: {  	s11 =	simm.s32 $0x5800;
	s28 =	sadd.s32 $0x10000, s15;
	[dreg:$0x10] =	wrdreg s26  }
0x18: {  	s16 =	simm.s32 $0x80;
	s29 =	sadd.s32 $0x12000, s15;
	[dreg:$0x11] =	wrdreg s28  }
0x19: {  	v0 =	vmov s17;
	s18 =	sadd.s32 s17, s10;
	s17 =	simm.s32 $0x6000;
	[dreg:$0x12] =	wrdreg s29  }
0x1a: {  	v1 =	vimm.f32 $0.0e+00;
	s6 =	simm.s32 $0x5000;
	s19 =	simm.s32 $0x8080;
	s20 =	simm.s32 $0x0  }
.LBB2_1:
0x1b: {  	s21 =	rddreg [dreg:$0x6]  }
0x1c: {  	[tilespmem:s5], [sflag:$0x1] =	stream.linear.gather [hbm4b:s21+s5], $0x5000, $0x38;
	[tilespmem:$0x1DDF8] =	vst v63  }
0x1d: {  	_ =	swait.ge [sflag:s30], $0x5000  }
0x1e: {  	[sflag:s30] =	ssyncset.done $0x0  }
0x1f: {  	[sflag:s30] =	ssyncadd.s32 $0xFFFFB000  }
0x20: {  	[tilespmem:$0xA080] =	vst v1  }
0x21: {  	[tilespmem:$0xA090] =	vst v1  }
0x22: {  	[tilespmem:$0xA0A0] =	vst v1  }
0x23: {  	[tilespmem:$0xA0B0] =	vst v1  }
0x24: {  	[tilespmem:$0xA0C0] =	vst v1  }
0x25: {  	[tilespmem:$0xA0D0] =	vst v1  }
0x26: {  	[tilespmem:$0xA0E0] =	vst v1  }
0x27: {  	[tilespmem:$0xA0F0] =	vst v1  }
0x28: {  	[tilespmem:$0xA100] =	vst v1  }
0x29: {  	[tilespmem:$0xA110] =	vst v1  }
0x2a: {  	[tilespmem:$0xA120] =	vst v1  }
0x2b: {  	[tilespmem:$0xA130] =	vst v1  }
0x2c: {  	[tilespmem:$0xA140] =	vst v1  }
0x2d: {  	[tilespmem:$0xA150] =	vst v1  }
0x2e: {  	[tilespmem:$0xA160] =	vst v1  }
0x2f: {  	[tilespmem:$0xA170] =	vst v1  }
0x30: {  	[tilespmem:$0xA180] =	vst v1  }
0x31: {  	[tilespmem:$0xA190] =	vst v1  }
0x32: {  	[tilespmem:$0xA1A0] =	vst v1  }
0x33: {  	[tilespmem:$0xA1B0] =	vst v1  }
0x34: {  	[tilespmem:$0xA1C0] =	vst v1  }
0x35: {  	[tilespmem:$0xA1D0] =	vst v1  }
0x36: {  	[tilespmem:$0xA1E0] =	vst v1  }
0x37: {  	[tilespmem:$0xA1F0] =	vst v1  }
0x38: {  	[tilespmem:$0xA200] =	vst v1  }
0x39: {  	[tilespmem:$0xA210] =	vst v1  }
0x3a: {  	[tilespmem:$0xA220] =	vst v1  }
0x3b: {  	[tilespmem:$0xA230] =	vst v1  }
0x3c: {  	[tilespmem:$0xA240] =	vst v1  }
0x3d: {  	[tilespmem:$0xA250] =	vst v1  }
0x3e: {  	[tilespmem:$0xA260] =	vst v1  }
0x3f: {  	[tilespmem:$0xA270] =	vst v1  }
0x40: {  	[tilespmem:$0xA280] =	vst v1  }
0x41: {  	[tilespmem:$0xA290] =	vst v1  }
0x42: {  	[tilespmem:$0xA2A0] =	vst v1  }
0x43: {  	[tilespmem:$0xA2B0] =	vst v1  }
0x44: {  	[tilespmem:$0xA2C0] =	vst v1  }
0x45: {  	[tilespmem:$0xA2D0] =	vst v1  }
0x46: {  	[tilespmem:$0xA2E0] =	vst v1  }
0x47: {  	[tilespmem:$0xA2F0] =	vst v1  }
0x48: {  	[spmem:s12] =	stream.linear.scatter [tilespmem:s31], [sflag:$0x1], $0x280, $0x38;
	[tilespmem:$0x1DDF8] =	vst v63  }
0x49: {  	s29 =	sand.u32 $0x7E00, s5;
	s22 =	sand.u32 $0x70, s5;
	_ =	swait.ge [sflag:s30], $0x280  }
0x4a: {  	s23 =	sshrl.u32 s29, $0x2;
	s21 =	simm.s32 $0x40;
	[sflag:s30] =	ssyncset.done $0x0  }
0x4b: {  	s23 =	sor.u32 s22, s23;
	s22 =	simm.s32 $0x0;
	[sflag:s30] =	ssyncadd.s32 $0xFFFFFD80  }
.LBB2_2:
0x4c: {  	p0 =	sne.s32 s21, $0x7FC0  }
0x4d: {  	[tilespmem:s23+$0x6080] =	vst v1;
	s22 =	sadd.s32 $0x10, s22;
	s23 =	smov.u32 s21;
	s21 =	sadd.s32 $0x40, s21  }
.Ltmp0:
0x4e: {  	(pc) =	sbr.rel @p0 .LBB2_2-.Ltmp0, $4  }
0x4f: {  	_ = 	snop  }
0x50: {  	s23 =	sand.u32 $0x7E00, s23  }
0x51: {  	s24 =	sand.u32 $0x70, s22;
	s23 =	sshrl.u32 s23, $0x2  }
0x52: {  	s23 =	sor.u32 s24, s23  }
0x53: {  	[tilespmem:s23+$0x6080] =	vst v1  }
0x54: {  	[spmem:s15] =	stream.linear.scatter [tilespmem:s0], [sflag:$0x1], $0x2000, $0x38;
	[tilespmem:$0x1DDF8] =	vst v63  }
0x55: {  	_ =	swait.ge [sflag:s30], $0x2000  }
0x56: {  	[sflag:s30] =	ssyncset.done $0x0  }
0x57: {  	s21 =	rddreg [dreg:$0xa];
	[sflag:s30] =	ssyncadd.s32 $0xFFFFE000  }
0x58: {  	[spmem:s21] =	stream.linear.scatter [tilespmem:s0], [sflag:$0x1], $0x2000, $0x38;
	[tilespmem:$0x1DDF8] =	vst v63  }
0x59: {  	_ =	swait.ge [sflag:s30], $0x2000  }
0x5a: {  	[sflag:s30] =	ssyncset.done $0x0  }
0x5b: {  	s29 =	rddreg [dreg:$0xb];
	[sflag:s30] =	ssyncadd.s32 $0xFFFFE000  }
0x5c: {  	[spmem:s29] =	stream.linear.scatter [tilespmem:s0], [sflag:$0x1], $0x2000, $0x38;
	[tilespmem:$0x1DDF8] =	vst v63  }
0x5d: {  	_ =	swait.ge [sflag:s30], $0x2000  }
0x5e: {  	[sflag:s30] =	ssyncset.done $0x0  }
0x5f: {  	s22 =	rddreg [dreg:$0xc];
	[sflag:s30] =	ssyncadd.s32 $0xFFFFE000  }
0x60: {  	[spmem:s22] =	stream.linear.scatter [tilespmem:s0], [sflag:$0x1], $0x2000, $0x38;
	[tilespmem:$0x1DDF8] =	vst v63  }
0x61: {  	_ =	swait.ge [sflag:s30], $0x2000  }
0x62: {  	[sflag:s30] =	ssyncset.done $0x0  }
0x63: {  	s23 =	rddreg [dreg:$0xd];
	[sflag:s30] =	ssyncadd.s32 $0xFFFFE000  }
0x64: {  	[spmem:s23] =	stream.linear.scatter [tilespmem:s0], [sflag:$0x1], $0x2000, $0x38;
	[tilespmem:$0x1DDF8] =	vst v63  }
0x65: {  	_ =	swait.ge [sflag:s30], $0x2000  }
0x66: {  	[sflag:s30] =	ssyncset.done $0x0  }
0x67: {  	s24 =	rddreg [dreg:$0xe];
	[sflag:s30] =	ssyncadd.s32 $0xFFFFE000  }
0x68: {  	[spmem:s24] =	stream.linear.scatter [tilespmem:s0], [sflag:$0x1], $0x2000, $0x38;
	[tilespmem:$0x1DDF8] =	vst v63  }
0x69: {  	_ =	swait.ge [sflag:s30], $0x2000  }
0x6a: {  	[sflag:s30] =	ssyncset.done $0x0  }
0x6b: {  	s25 =	rddreg [dreg:$0xf];
	[sflag:s30] =	ssyncadd.s32 $0xFFFFE000  }
0x6c: {  	[spmem:s25] =	stream.linear.scatter [tilespmem:s0], [sflag:$0x1], $0x2000, $0x38;
	[tilespmem:$0x1DDF8] =	vst v63  }
0x6d: {  	_ =	swait.ge [sflag:s30], $0x2000  }
0x6e: {  	[sflag:s30] =	ssyncset.done $0x0  }
0x6f: {  	s26 =	rddreg [dreg:$0x10];
	[sflag:s30] =	ssyncadd.s32 $0xFFFFE000  }
0x70: {  	[spmem:s26] =	stream.linear.scatter [tilespmem:s0], [sflag:$0x1], $0x2000, $0x38;
	[tilespmem:$0x1DDF8] =	vst v63  }
0x71: {  	_ =	swait.ge [sflag:s30], $0x2000  }
0x72: {  	[sflag:s30] =	ssyncset.done $0x0  }
0x73: {  	s28 =	rddreg [dreg:$0x11];
	[sflag:s30] =	ssyncadd.s32 $0xFFFFE000  }
0x74: {  	[spmem:s28] =	stream.linear.scatter [tilespmem:s0], [sflag:$0x1], $0x2000, $0x38;
	[tilespmem:$0x1DDF8] =	vst v63  }
0x75: {  	_ =	swait.ge [sflag:s30], $0x2000  }
0x76: {  	[sflag:s30] =	ssyncset.done $0x0  }
0x77: {  	s29 =	rddreg [dreg:$0x12];
	[sflag:s30] =	ssyncadd.s32 $0xFFFFE000  }
0x78: {  	[spmem:s29] =	stream.linear.scatter [tilespmem:s0], [sflag:$0x1], $0x2000, $0x38;
	[tilespmem:$0x1DDF8] =	vst v63  }
0x79: {  	_ =	swait.ge [sflag:s30], $0x2000  }
0x7a: {  	[sflag:s30] =	ssyncset.done $0x0  }
0x7b: {  	[sflag:s30] =	ssyncadd.s32 $0xFFFFE000  }
0x7c: {  	s21 =	simm.s32 $0x0;
	s22 =	simm.s32 $0x0;
	[bflag:$0x0] =	sbarrier.arrive $0xFFFF  }
.LBB2_4:
0x7d: {  	s23 =	sshll.u32 s22, $0x8  }
0x7e: {  	s23 =	sadd.s32 s13, s23  }
0x7f: {  	s24 =	sadd.s32 s1, s23  }
0x80: {  	[tilespmem:s6], [sflag:$0x1] =	stream.linear.gather [hbm4b:s24+s21], $0x800, $0x38;
	[tilespmem:$0x1DDF8] =	vst v63  }
0x81: {  	_ =	swait.ge [sflag:s30], $0x800  }
0x82: {  	[sflag:s30] =	ssyncset.done $0x0  }
0x83: {  	s23 =	sadd.s32 s8, s23;
	[sflag:s30] =	ssyncadd.s32 $0xFFFFF800  }
0x84: {  	[tilespmem:s11], [sflag:$0x1] =	stream.linear.gather [hbm4b:s23+s21], $0x800, $0x38;
	[tilespmem:$0x1DDF8] =	vst v63  }
0x85: {  	_ =	swait.ge [sflag:s30], $0x800  }
0x86: {  	[sflag:s30] =	ssyncset.done $0x0  }
0x87: {  	s23 =	simm.s32 $0x0;
	[sflag:s30] =	ssyncadd.s32 $0xFFFFF800  }
.LBB2_5:
0x88: {  	s24 =	sshll.u32 s23, $0x7  }
0x89: {  	v2 =	vld [tilespmem:s24+$0x5000]  }
0x8a: {  	v3 =	vld [tilespmem:s24+$0x5800];
	_ =	sdelay $0x4  }
0x8b: {  	v4 =	vshll.u32 v2, $0x1;
	v3 =	vshll.u32 v3, $0x1  }
0x8c: {  	v3 =	vor.u32 $0x1, v3;
	_ =	sdelay $0x2  }
0x8d: {  	s25 =	simm.s32 $0x0  }
0x8e: {  	v4 =	vld.idx.msk [tilespmem:v4+s25+$0x0], $0xffff  }
0x8f: {  	v3 =	vld.idx.msk [tilespmem:v3+s25+$0x0], $0xffff;
	_ =	sdelay $0x4  }
0x90: {  	v3 =	vadd.f32 v3, v4;
	_ =	sdelay $0x1  }
0x91: {  	v4 =	vmul.f32 $2.000000030e-01, v3  }
0x92: {  	vm0 =	vgt.f32 v3, $0.0e+00  }
0x93: {  	v3 =	vsel vm0, v3, v4  }
0x94: {  	v3 =	vmul.f32 $1.442695020e+00, v3;
	_ =	sdelay $0x1  }
0x95: {  	(erf) = vpow2.f32 v3;
	_ =	sdelay $0x8  }
0x96: {  	v3 =	vpop (erf)  }
0x97: {  	[tilespmem:$0x6000] =	vst v3  }
0x98: {  	v3 =	vld [tilespmem:s24+$0x5010]  }
0x99: {  	v4 =	vld [tilespmem:s24+$0x5810];
	_ =	sdelay $0x4  }
0x9a: {  	v5 =	vshll.u32 v3, $0x1;
	v4 =	vshll.u32 v4, $0x1  }
0x9b: {  	v4 =	vor.u32 $0x1, v4;
	_ =	sdelay $0x1  }
0x9c: {  	v2 =	vadd.s32 v0, v2  }
0x9d: {  	[tilespmem:s24+$0x5000] =	vst v2  }
0x9e: {  	v2 =	vld.idx.msk [tilespmem:v5+s25+$0x0], $0xffff  }
0x9f: {  	v4 =	vld.idx.msk [tilespmem:v4+s25+$0x0], $0xffff;
	_ =	sdelay $0x4  }
0xa0: {  	v2 =	vadd.f32 v4, v2;
	_ =	sdelay $0x1  }
0xa1: {  	v4 =	vmul.f32 $2.000000030e-01, v2  }
0xa2: {  	vm9 =	vgt.f32 v2, $0.0e+00  }
0xa3: {  	v2 =	vsel vm9, v2, v4  }
0xa4: {  	v2 =	vmul.f32 $1.442695020e+00, v2;
	_ =	sdelay $0x1  }
0xa5: {  	(erf) = vpow2.f32 v2;
	_ =	sdelay $0x8  }
0xa6: {  	v2 =	vpop (erf)  }
0xa7: {  	[tilespmem:$0x6010] =	vst v2  }
0xa8: {  	v2 =	vld [tilespmem:s24+$0x5020]  }
0xa9: {  	v4 =	vld [tilespmem:s24+$0x5820];
	_ =	sdelay $0x4  }
0xaa: {  	v5 =	vshll.u32 v2, $0x1;
	v4 =	vshll.u32 v4, $0x1  }
0xab: {  	v4 =	vor.u32 $0x1, v4;
	_ =	sdelay $0x1  }
0xac: {  	v3 =	vadd.s32 v0, v3  }
0xad: {  	[tilespmem:s24+$0x5010] =	vst v3  }
0xae: {  	v3 =	vld.idx.msk [tilespmem:v5+s25+$0x0], $0xffff  }
0xaf: {  	v4 =	vld.idx.msk [tilespmem:v4+s25+$0x0], $0xffff;
	_ =	sdelay $0x4  }
0xb0: {  	v3 =	vadd.f32 v4, v3;
	_ =	sdelay $0x1  }
0xb1: {  	v4 =	vmul.f32 $2.000000030e-01, v3  }
0xb2: {  	vm10 =	vgt.f32 v3, $0.0e+00  }
0xb3: {  	v3 =	vsel vm10, v3, v4  }
0xb4: {  	v3 =	vmul.f32 $1.442695020e+00, v3;
	_ =	sdelay $0x1  }
0xb5: {  	(erf) = vpow2.f32 v3;
	_ =	sdelay $0x8  }
0xb6: {  	v3 =	vpop (erf)  }
0xb7: {  	[tilespmem:$0x6020] =	vst v3  }
0xb8: {  	v3 =	vld [tilespmem:s24+$0x5030]  }
0xb9: {  	v4 =	vld [tilespmem:s24+$0x5830];
	_ =	sdelay $0x4  }
0xba: {  	v5 =	vshll.u32 v3, $0x1;
	v4 =	vshll.u32 v4, $0x1  }
0xbb: {  	v4 =	vor.u32 $0x1, v4;
	_ =	sdelay $0x1  }
0xbc: {  	v2 =	vadd.s32 v0, v2  }
0xbd: {  	[tilespmem:s24+$0x5020] =	vst v2  }
0xbe: {  	v2 =	vld.idx.msk [tilespmem:v5+s25+$0x0], $0xffff  }
0xbf: {  	v4 =	vld.idx.msk [tilespmem:v4+s25+$0x0], $0xffff;
	_ =	sdelay $0x4  }
0xc0: {  	v2 =	vadd.f32 v4, v2;
	_ =	sdelay $0x1  }
0xc1: {  	v4 =	vmul.f32 $2.000000030e-01, v2  }
0xc2: {  	vm11 =	vgt.f32 v2, $0.0e+00  }
0xc3: {  	v2 =	vsel vm11, v2, v4  }
0xc4: {  	v2 =	vmul.f32 $1.442695020e+00, v2;
	_ =	sdelay $0x1  }
0xc5: {  	(erf) = vpow2.f32 v2;
	_ =	sdelay $0x8  }
0xc6: {  	v2 =	vpop (erf)  }
0xc7: {  	[tilespmem:$0x6030] =	vst v2  }
0xc8: {  	v2 =	vld [tilespmem:s24+$0x5040]  }
0xc9: {  	v4 =	vld [tilespmem:s24+$0x5840];
	_ =	sdelay $0x4  }
0xca: {  	v5 =	vshll.u32 v2, $0x1;
	v4 =	vshll.u32 v4, $0x1  }
0xcb: {  	v4 =	vor.u32 $0x1, v4;
	_ =	sdelay $0x1  }
0xcc: {  	v3 =	vadd.s32 v0, v3  }
0xcd: {  	[tilespmem:s24+$0x5030] =	vst v3  }
0xce: {  	v3 =	vld.idx.msk [tilespmem:v5+s25+$0x0], $0xffff  }
0xcf: {  	v4 =	vld.idx.msk [tilespmem:v4+s25+$0x0], $0xffff;
	_ =	sdelay $0x4  }
0xd0: {  	v3 =	vadd.f32 v4, v3;
	_ =	sdelay $0x1  }
0xd1: {  	v4 =	vmul.f32 $2.000000030e-01, v3  }
0xd2: {  	vm12 =	vgt.f32 v3, $0.0e+00  }
0xd3: {  	v3 =	vsel vm12, v3, v4  }
0xd4: {  	v3 =	vmul.f32 $1.442695020e+00, v3;
	_ =	sdelay $0x1  }
0xd5: {  	(erf) = vpow2.f32 v3;
	_ =	sdelay $0x8  }
0xd6: {  	v3 =	vpop (erf)  }
0xd7: {  	[tilespmem:$0x6040] =	vst v3  }
0xd8: {  	v3 =	vld [tilespmem:s24+$0x5050]  }
0xd9: {  	v4 =	vld [tilespmem:s24+$0x5850];
	_ =	sdelay $0x4  }
0xda: {  	v5 =	vshll.u32 v3, $0x1;
	v4 =	vshll.u32 v4, $0x1  }
0xdb: {  	v4 =	vor.u32 $0x1, v4;
	_ =	sdelay $0x1  }
0xdc: {  	v2 =	vadd.s32 v0, v2  }
0xdd: {  	[tilespmem:s24+$0x5040] =	vst v2  }
0xde: {  	v2 =	vld.idx.msk [tilespmem:v5+s25+$0x0], $0xffff  }
0xdf: {  	v4 =	vld.idx.msk [tilespmem:v4+s25+$0x0], $0xffff;
	_ =	sdelay $0x4  }
0xe0: {  	v2 =	vadd.f32 v4, v2;
	_ =	sdelay $0x1  }
0xe1: {  	v4 =	vmul.f32 $2.000000030e-01, v2  }
0xe2: {  	vm13 =	vgt.f32 v2, $0.0e+00  }
0xe3: {  	v2 =	vsel vm13, v2, v4  }
0xe4: {  	v2 =	vmul.f32 $1.442695020e+00, v2;
	_ =	sdelay $0x1  }
0xe5: {  	(erf) = vpow2.f32 v2;
	_ =	sdelay $0x8  }
0xe6: {  	v2 =	vpop (erf)  }
0xe7: {  	[tilespmem:$0x6050] =	vst v2  }
0xe8: {  	v2 =	vld [tilespmem:s24+$0x5060]  }
0xe9: {  	v4 =	vld [tilespmem:s24+$0x5860];
	_ =	sdelay $0x4  }
0xea: {  	v5 =	vshll.u32 v2, $0x1;
	v4 =	vshll.u32 v4, $0x1  }
0xeb: {  	v4 =	vor.u32 $0x1, v4;
	_ =	sdelay $0x1  }
0xec: {  	v3 =	vadd.s32 v0, v3  }
0xed: {  	[tilespmem:s24+$0x5050] =	vst v3  }
0xee: {  	v3 =	vld.idx.msk [tilespmem:v5+s25+$0x0], $0xffff  }
0xef: {  	v4 =	vld.idx.msk [tilespmem:v4+s25+$0x0], $0xffff;
	_ =	sdelay $0x4  }
0xf0: {  	v3 =	vadd.f32 v4, v3;
	_ =	sdelay $0x1  }
0xf1: {  	v4 =	vmul.f32 $2.000000030e-01, v3  }
0xf2: {  	vm14 =	vgt.f32 v3, $0.0e+00  }
0xf3: {  	v3 =	vsel vm14, v3, v4  }
0xf4: {  	v3 =	vmul.f32 $1.442695020e+00, v3;
	_ =	sdelay $0x1  }
0xf5: {  	(erf) = vpow2.f32 v3;
	_ =	sdelay $0x8  }
0xf6: {  	v3 =	vpop (erf)  }
0xf7: {  	[tilespmem:$0x6060] =	vst v3  }
0xf8: {  	v3 =	vld [tilespmem:s24+$0x5070]  }
0xf9: {  	v4 =	vld [tilespmem:s24+$0x5870];
	_ =	sdelay $0x4  }
0xfa: {  	v5 =	vshll.u32 v3, $0x1;
	v4 =	vshll.u32 v4, $0x1  }
0xfb: {  	v4 =	vor.u32 $0x1, v4;
	_ =	sdelay $0x1  }
0xfc: {  	v2 =	vadd.s32 v0, v2  }
0xfd: {  	[tilespmem:s24+$0x5060] =	vst v2  }
0xfe: {  	v2 =	vld.idx.msk [tilespmem:v5+s25+$0x0], $0xffff  }
0xff: {  	v4 =	vld.idx.msk [tilespmem:v4+s25+$0x0], $0xffff;
	_ =	sdelay $0x4  }
0x100: {  	v2 =	vadd.f32 v4, v2;
	_ =	sdelay $0x1  }
0x101: {  	v4 =	vmul.f32 $2.000000030e-01, v2  }
0x102: {  	vm15 =	vgt.f32 v2, $0.0e+00  }
0x103: {  	v2 =	vsel vm15, v2, v4  }
0x104: {  	v2 =	vmul.f32 $1.442695020e+00, v2;
	_ =	sdelay $0x1  }
0x105: {  	(erf) = vpow2.f32 v2;
	_ =	sdelay $0x8  }
0x106: {  	v2 =	vpop (erf)  }
0x107: {  	[tilespmem:$0x6070] =	vst v2;
	v2 =	vadd.s32 v0, v3  }
0x108: {  	s26 =	sadd.s32 $0x5800, s24;
	[tilespmem:s24+$0x5070] =	vst v2  }
0x109: {  	[spmem:s4] =	stream.indirect.scatter.add.f32 [tilespmem:s17], [sflag:$0x1], $0x1, s26, s16, $0xb8;
	[tilespmem:$0x1DDF8] =	vst v63  }
0x10a: {  	_ =	swait.ge [sflag:s30], $0x80  }
0x10b: {  	[sflag:s30] =	ssyncset.done $0x0  }
0x10c: {  	s24 =	sadd.s32 $0x5000, s24;
	[sflag:s30] =	ssyncadd.s32 $0xFFFFFF80  }
0x10d: {  	[tilespmem:s0], [sflag:$0x1] =	stream.indirect.gather [hbm4b:s7+s16], $0x80, s24, s16, $0xb8;
	[tilespmem:$0x1DDF8] =	vst v63  }
0x10e: {  	_ =	swait.ge [sflag:s30], $0x4000  }
0x10f: {  	v2 =	vmov s25;
	[sflag:s30] =	ssyncset.done $0x0  }
0x110: {  	s24 =	simm.s32 $0x60C0;
	[sflag:s30] =	ssyncadd.s32 $0xFFFFC000  }
0x111: {  	v6 =	vld [tilespmem:s24+$0x30]  }
0x112: {  	v9 =	vld [tilespmem:s24+$0x10]  }
0x113: {  	v7 =	vld [tilespmem:s24+$0xFFFFFFC0]  }
0x114: {  	v3 =	vld.idx.msk [tilespmem:v2+s17+$0x0], $0xffff  }
0x115: {  	v11 =	vld [tilespmem:s24+$0xFFFFFFE0]  }
0x116: {  	v2 =	vld [tilespmem:s24+$0xFFFFFFF0]  }
0x117: {  	v4 =	vld [tilespmem:s24+$0x20]  }
0x118: {  	v5 =	vld [tilespmem:s24+$0xFFFFFFD0]  }
0x119: {  	v10 =	vmul.f32 v6, v3;
	v6 =	vld [tilespmem:s24+$0x0]  }
0x11a: {  	v8 =	vmul.f32 v7, v3  }
0x11b: {  	s28 =	simm.s32 $0x60C0;
	s25 =	simm.s32 $0x1;
	v7 =	vmul.f32 v11, v3;
	v9 =	vmul.f32 v9, v3  }
.LBB2_6:
0x11c: {  	p0 =	sne.s32 s25, $0x7F  }
0x11d: {  	v5 =	vmul.f32 v5, v3;
	v4 =	vmul.f32 v4, v3;
	[tilespmem:s24+$0x30] =	vst v10;
	s28 =	sadd.s32 $0x80, s28;
	s29 =	smov.u32 s25;
	s25 =	sadd.s32 $0x1, s25  }
0x11e: {  	[tilespmem:s24+$0xFFFFFFC0] =	vst v8;
	v8 =	vmul.f32 v2, v3;
	v3 =	vmul.f32 v6, v3  }
0x11f: {  	[tilespmem:s24+$0x10] =	vst v9  }
0x120: {  	v6 =	vmov s29;
	[tilespmem:s24+$0xFFFFFFE0] =	vst v7  }
0x121: {  	v2 =	vld [tilespmem:s28+$0xFFFFFFF0];
	[tilespmem:s24+$0xFFFFFFF0] =	vst v8  }
0x122: {  	v7 =	vld [tilespmem:s28+$0x30];
	[tilespmem:s24+$0x0] =	vst v3  }
0x123: {  	v9 =	vld [tilespmem:s28+$0x10];
	[tilespmem:s24+$0x20] =	vst v4  }
0x124: {  	v8 =	vld [tilespmem:s28+$0xFFFFFFC0];
	[tilespmem:s24+$0xFFFFFFD0] =	vst v5;
	s24 =	smov.u32 s28  }
0x125: {  	v3 =	vld.idx.msk [tilespmem:v6+s17+$0x0], $0xffff  }
0x126: {  	v11 =	vld [tilespmem:s28+$0xFFFFFFE0]  }
0x127: {  	v4 =	vld [tilespmem:s28+$0x20]  }
.Ltmp1:
0x128: {  	v5 =	vld [tilespmem:s28+$0xFFFFFFD0];
	(pc) =	sbr.rel @p0 .LBB2_6-.Ltmp1, $3  }
0x129: {  	v6 =	vld [tilespmem:s28+$0x0];
	_ =	sdelay $0x1  }
0x12a: {  	v8 =	vmul.f32 v8, v3;
	v10 =	vmul.f32 v7, v3  }
0x12b: {  	v9 =	vmul.f32 v9, v3;
	v7 =	vmul.f32 v11, v3  }
0x12c: {  	[tilespmem:s24+$0x30] =	vst v10  }
0x12d: {  	[tilespmem:s24+$0xFFFFFFC0] =	vst v8  }
0x12e: {  	v2 =	vmul.f32 v2, v3;
	[tilespmem:s24+$0x10] =	vst v9  }
0x12f: {  	v4 =	vmul.f32 v4, v3;
	[tilespmem:s24+$0xFFFFFFE0] =	vst v7  }
0x130: {  	v6 =	vmul.f32 v6, v3;
	[tilespmem:s24+$0xFFFFFFF0] =	vst v2  }
0x131: {  	s23 =	sadd.s32 $0x1, s23;
	v2 =	vmul.f32 v5, v3;
	[tilespmem:s24+$0x20] =	vst v4  }
0x132: {  	p0 =	sne.s32 s23, $0x10;
	[tilespmem:s24+$0x0] =	vst v6  }
.Ltmp2:
0x133: {  	[tilespmem:s24+$0xFFFFFFD0] =	vst v2;
	(pc) =	sbr.rel @p0 .LBB2_5-.Ltmp2, $4  }
0x134: {  	[spmem:s3] =	stream.indirect.scatter.add.f32 [tilespmem:s0], [sflag:$0x1], $0x80, s26, s16, $0xb8;
	[tilespmem:$0x1DDF8] =	vst v63  }
0x135: {  	_ =	swait.ge [sflag:s30], $0x4000  }
0x136: {  	[sflag:s30] =	ssyncset.done $0x0  }
0x137: {  	[sflag:s30] =	ssyncadd.s32 $0xFFFFC000  }
0x138: {  	s22 =	sadd.s32 $0x1, s22  }
0x139: {  	p0 =	sne.s32 s22, $0x9  }
.Ltmp3:
0x13a: {  	_ = 	snop;
	(pc) =	sbr.rel @p0 .LBB2_4-.Ltmp3, $1  }
0x13b: {  	_ =	sdelay $0x3  }
0x13c: {  	s21 =	simm.s32 $0x0;
	s22 =	rddreg [dreg:$0x7]  }
0x13d: {  	[tilespmem:s6], [sflag:$0x1] =	stream.linear.gather [hbm4b:s22+s21], $0x800, $0x38;
	[tilespmem:$0x1DDF8] =	vst v63  }
0x13e: {  	_ =	swait.ge [sflag:s30], $0x800  }
0x13f: {  	[sflag:s30] =	ssyncset.done $0x0  }
0x140: {  	s29 =	rddreg [dreg:$0x8];
	[sflag:s30] =	ssyncadd.s32 $0xFFFFF800  }
0x141: {  	[tilespmem:s11], [sflag:$0x1] =	stream.linear.gather [hbm4b:s29+s21], $0x800, $0x38;
	[tilespmem:$0x1DDF8] =	vst v63  }
0x142: {  	_ =	swait.ge [sflag:s30], $0x800  }
0x143: {  	[sflag:s30] =	ssyncset.done $0x0  }
0x144: {  	s22 =	simm.s32 $0x0;
	[sflag:s30] =	ssyncadd.s32 $0xFFFFF800  }
.LBB2_10:
0x145: {  	s23 =	sshll.u32 s22, $0x7  }
0x146: {  	v2 =	vld [tilespmem:s23+$0x5000]  }
0x147: {  	v3 =	vld [tilespmem:s23+$0x5800];
	_ =	sdelay $0x4  }
0x148: {  	v4 =	vshll.u32 v2, $0x1;
	v3 =	vshll.u32 v3, $0x1  }
0x149: {  	v3 =	vor.u32 $0x1, v3;
	_ =	sdelay $0x3  }
0x14a: {  	v4 =	vld.idx.msk [tilespmem:v4+s21+$0x0], $0xffff  }
0x14b: {  	v3 =	vld.idx.msk [tilespmem:v3+s21+$0x0], $0xffff;
	_ =	sdelay $0x4  }
0x14c: {  	v3 =	vadd.f32 v3, v4;
	_ =	sdelay $0x1  }
0x14d: {  	v4 =	vmul.f32 $2.000000030e-01, v3  }
0x14e: {  	vm0 =	vgt.f32 v3, $0.0e+00  }
0x14f: {  	v3 =	vsel vm0, v3, v4  }
0x150: {  	v3 =	vmul.f32 $1.442695020e+00, v3;
	_ =	sdelay $0x1  }
0x151: {  	(erf) = vpow2.f32 v3;
	_ =	sdelay $0x8  }
0x152: {  	v3 =	vpop (erf)  }
0x153: {  	[tilespmem:$0x6000] =	vst v3  }
0x154: {  	v3 =	vld [tilespmem:s23+$0x5010]  }
0x155: {  	v4 =	vld [tilespmem:s23+$0x5810];
	_ =	sdelay $0x4  }
0x156: {  	v5 =	vshll.u32 v3, $0x1;
	v4 =	vshll.u32 v4, $0x1  }
0x157: {  	v4 =	vor.u32 $0x1, v4;
	_ =	sdelay $0x1  }
0x158: {  	v2 =	vadd.s32 v0, v2  }
0x159: {  	[tilespmem:s23+$0x5000] =	vst v2  }
0x15a: {  	v2 =	vld.idx.msk [tilespmem:v5+s21+$0x0], $0xffff  }
0x15b: {  	v4 =	vld.idx.msk [tilespmem:v4+s21+$0x0], $0xffff;
	_ =	sdelay $0x4  }
0x15c: {  	v2 =	vadd.f32 v4, v2;
	_ =	sdelay $0x1  }
0x15d: {  	v4 =	vmul.f32 $2.000000030e-01, v2  }
0x15e: {  	vm9 =	vgt.f32 v2, $0.0e+00  }
0x15f: {  	v2 =	vsel vm9, v2, v4  }
0x160: {  	v2 =	vmul.f32 $1.442695020e+00, v2;
	_ =	sdelay $0x1  }
0x161: {  	(erf) = vpow2.f32 v2;
	_ =	sdelay $0x8  }
0x162: {  	v2 =	vpop (erf)  }
0x163: {  	[tilespmem:$0x6010] =	vst v2  }
0x164: {  	v2 =	vld [tilespmem:s23+$0x5020]  }
0x165: {  	v4 =	vld [tilespmem:s23+$0x5820];
	_ =	sdelay $0x4  }
0x166: {  	v5 =	vshll.u32 v2, $0x1;
	v4 =	vshll.u32 v4, $0x1  }
0x167: {  	v4 =	vor.u32 $0x1, v4;
	_ =	sdelay $0x1  }
0x168: {  	v3 =	vadd.s32 v0, v3  }
0x169: {  	[tilespmem:s23+$0x5010] =	vst v3  }
0x16a: {  	v3 =	vld.idx.msk [tilespmem:v5+s21+$0x0], $0xffff  }
0x16b: {  	v4 =	vld.idx.msk [tilespmem:v4+s21+$0x0], $0xffff;
	_ =	sdelay $0x4  }
0x16c: {  	v3 =	vadd.f32 v4, v3;
	_ =	sdelay $0x1  }
0x16d: {  	v4 =	vmul.f32 $2.000000030e-01, v3  }
0x16e: {  	vm10 =	vgt.f32 v3, $0.0e+00  }
0x16f: {  	v3 =	vsel vm10, v3, v4  }
0x170: {  	v3 =	vmul.f32 $1.442695020e+00, v3;
	_ =	sdelay $0x1  }
0x171: {  	(erf) = vpow2.f32 v3;
	_ =	sdelay $0x8  }
0x172: {  	v3 =	vpop (erf)  }
0x173: {  	[tilespmem:$0x6020] =	vst v3  }
0x174: {  	v3 =	vld [tilespmem:s23+$0x5030]  }
0x175: {  	v4 =	vld [tilespmem:s23+$0x5830];
	_ =	sdelay $0x4  }
0x176: {  	v5 =	vshll.u32 v3, $0x1;
	v4 =	vshll.u32 v4, $0x1  }
0x177: {  	v4 =	vor.u32 $0x1, v4;
	_ =	sdelay $0x1  }
0x178: {  	v2 =	vadd.s32 v0, v2  }
0x179: {  	[tilespmem:s23+$0x5020] =	vst v2  }
0x17a: {  	v2 =	vld.idx.msk [tilespmem:v5+s21+$0x0], $0xffff  }
0x17b: {  	v4 =	vld.idx.msk [tilespmem:v4+s21+$0x0], $0xffff;
	_ =	sdelay $0x4  }
0x17c: {  	v2 =	vadd.f32 v4, v2;
	_ =	sdelay $0x1  }
0x17d: {  	v4 =	vmul.f32 $2.000000030e-01, v2  }
0x17e: {  	vm11 =	vgt.f32 v2, $0.0e+00  }
0x17f: {  	v2 =	vsel vm11, v2, v4  }
0x180: {  	v2 =	vmul.f32 $1.442695020e+00, v2;
	_ =	sdelay $0x1  }
0x181: {  	(erf) = vpow2.f32 v2;
	_ =	sdelay $0x8  }
0x182: {  	v2 =	vpop (erf)  }
0x183: {  	[tilespmem:$0x6030] =	vst v2  }
0x184: {  	v2 =	vld [tilespmem:s23+$0x5040]  }
0x185: {  	v4 =	vld [tilespmem:s23+$0x5840];
	_ =	sdelay $0x4  }
0x186: {  	v5 =	vshll.u32 v2, $0x1;
	v4 =	vshll.u32 v4, $0x1  }
0x187: {  	v4 =	vor.u32 $0x1, v4;
	_ =	sdelay $0x1  }
0x188: {  	v3 =	vadd.s32 v0, v3  }
0x189: {  	[tilespmem:s23+$0x5030] =	vst v3  }
0x18a: {  	v3 =	vld.idx.msk [tilespmem:v5+s21+$0x0], $0xffff  }
0x18b: {  	v4 =	vld.idx.msk [tilespmem:v4+s21+$0x0], $0xffff;
	_ =	sdelay $0x4  }
0x18c: {  	v3 =	vadd.f32 v4, v3;
	_ =	sdelay $0x1  }
0x18d: {  	v4 =	vmul.f32 $2.000000030e-01, v3  }
0x18e: {  	vm12 =	vgt.f32 v3, $0.0e+00  }
0x18f: {  	v3 =	vsel vm12, v3, v4  }
0x190: {  	v3 =	vmul.f32 $1.442695020e+00, v3;
	_ =	sdelay $0x1  }
0x191: {  	(erf) = vpow2.f32 v3;
	_ =	sdelay $0x8  }
0x192: {  	v3 =	vpop (erf)  }
0x193: {  	[tilespmem:$0x6040] =	vst v3  }
0x194: {  	v3 =	vld [tilespmem:s23+$0x5050]  }
0x195: {  	v4 =	vld [tilespmem:s23+$0x5850];
	_ =	sdelay $0x4  }
0x196: {  	v5 =	vshll.u32 v3, $0x1;
	v4 =	vshll.u32 v4, $0x1  }
0x197: {  	v4 =	vor.u32 $0x1, v4;
	_ =	sdelay $0x1  }
0x198: {  	v2 =	vadd.s32 v0, v2  }
0x199: {  	[tilespmem:s23+$0x5040] =	vst v2  }
0x19a: {  	v2 =	vld.idx.msk [tilespmem:v5+s21+$0x0], $0xffff  }
0x19b: {  	v4 =	vld.idx.msk [tilespmem:v4+s21+$0x0], $0xffff;
	_ =	sdelay $0x4  }
0x19c: {  	v2 =	vadd.f32 v4, v2;
	_ =	sdelay $0x1  }
0x19d: {  	v4 =	vmul.f32 $2.000000030e-01, v2  }
0x19e: {  	vm13 =	vgt.f32 v2, $0.0e+00  }
0x19f: {  	v2 =	vsel vm13, v2, v4  }
0x1a0: {  	v2 =	vmul.f32 $1.442695020e+00, v2;
	_ =	sdelay $0x1  }
0x1a1: {  	(erf) = vpow2.f32 v2;
	_ =	sdelay $0x8  }
0x1a2: {  	v2 =	vpop (erf)  }
0x1a3: {  	[tilespmem:$0x6050] =	vst v2  }
0x1a4: {  	v2 =	vld [tilespmem:s23+$0x5060]  }
0x1a5: {  	v4 =	vld [tilespmem:s23+$0x5860];
	_ =	sdelay $0x4  }
0x1a6: {  	v5 =	vshll.u32 v2, $0x1;
	v4 =	vshll.u32 v4, $0x1  }
0x1a7: {  	v4 =	vor.u32 $0x1, v4;
	_ =	sdelay $0x1  }
0x1a8: {  	v3 =	vadd.s32 v0, v3  }
0x1a9: {  	[tilespmem:s23+$0x5050] =	vst v3  }
0x1aa: {  	v3 =	vld.idx.msk [tilespmem:v5+s21+$0x0], $0xffff  }
0x1ab: {  	v4 =	vld.idx.msk [tilespmem:v4+s21+$0x0], $0xffff;
	_ =	sdelay $0x4  }
0x1ac: {  	v3 =	vadd.f32 v4, v3;
	_ =	sdelay $0x1  }
0x1ad: {  	v4 =	vmul.f32 $2.000000030e-01, v3  }
0x1ae: {  	vm14 =	vgt.f32 v3, $0.0e+00  }
0x1af: {  	v3 =	vsel vm14, v3, v4  }
0x1b0: {  	v3 =	vmul.f32 $1.442695020e+00, v3;
	_ =	sdelay $0x1  }
0x1b1: {  	(erf) = vpow2.f32 v3;
	_ =	sdelay $0x8  }
0x1b2: {  	v3 =	vpop (erf)  }
0x1b3: {  	[tilespmem:$0x6060] =	vst v3  }
0x1b4: {  	v3 =	vld [tilespmem:s23+$0x5070]  }
0x1b5: {  	v4 =	vld [tilespmem:s23+$0x5870];
	_ =	sdelay $0x4  }
0x1b6: {  	v5 =	vshll.u32 v3, $0x1;
	v4 =	vshll.u32 v4, $0x1  }
0x1b7: {  	v4 =	vor.u32 $0x1, v4;
	_ =	sdelay $0x1  }
0x1b8: {  	v2 =	vadd.s32 v0, v2  }
0x1b9: {  	[tilespmem:s23+$0x5060] =	vst v2  }
0x1ba: {  	v2 =	vld.idx.msk [tilespmem:v5+s21+$0x0], $0xffff  }
0x1bb: {  	v4 =	vld.idx.msk [tilespmem:v4+s21+$0x0], $0xffff;
	_ =	sdelay $0x4  }
0x1bc: {  	v2 =	vadd.f32 v4, v2;
	_ =	sdelay $0x1  }
0x1bd: {  	v4 =	vmul.f32 $2.000000030e-01, v2  }
0x1be: {  	vm15 =	vgt.f32 v2, $0.0e+00  }
0x1bf: {  	v2 =	vsel vm15, v2, v4  }
0x1c0: {  	v2 =	vmul.f32 $1.442695020e+00, v2;
	_ =	sdelay $0x1  }
0x1c1: {  	(erf) = vpow2.f32 v2;
	_ =	sdelay $0x8  }
0x1c2: {  	v2 =	vpop (erf)  }
0x1c3: {  	[tilespmem:$0x6070] =	vst v2;
	v2 =	vadd.s32 v0, v3  }
0x1c4: {  	s24 =	sadd.s32 $0x5800, s23;
	[tilespmem:s23+$0x5070] =	vst v2  }
0x1c5: {  	[spmem:s4] =	stream.indirect.scatter.add.f32 [tilespmem:s17], [sflag:$0x1], $0x1, s24, s16, $0xb8;
	[tilespmem:$0x1DDF8] =	vst v63  }
0x1c6: {  	_ =	swait.ge [sflag:s30], $0x80  }
0x1c7: {  	[sflag:s30] =	ssyncset.done $0x0  }
0x1c8: {  	s23 =	sadd.s32 $0x5000, s23;
	[sflag:s30] =	ssyncadd.s32 $0xFFFFFF80  }
0x1c9: {  	[tilespmem:s0], [sflag:$0x1] =	stream.indirect.gather [hbm4b:s7+s16], $0x80, s23, s16, $0xb8;
	[tilespmem:$0x1DDF8] =	vst v63  }
0x1ca: {  	_ =	swait.ge [sflag:s30], $0x4000  }
0x1cb: {  	v2 =	vmov s21;
	[sflag:s30] =	ssyncset.done $0x0  }
0x1cc: {  	s23 =	simm.s32 $0x60C0;
	[sflag:s30] =	ssyncadd.s32 $0xFFFFC000  }
0x1cd: {  	v6 =	vld [tilespmem:s23+$0x30]  }
0x1ce: {  	v9 =	vld [tilespmem:s23+$0x10]  }
0x1cf: {  	v7 =	vld [tilespmem:s23+$0xFFFFFFC0]  }
0x1d0: {  	v3 =	vld.idx.msk [tilespmem:v2+s17+$0x0], $0xffff  }
0x1d1: {  	v11 =	vld [tilespmem:s23+$0xFFFFFFE0]  }
0x1d2: {  	v2 =	vld [tilespmem:s23+$0xFFFFFFF0]  }
0x1d3: {  	v4 =	vld [tilespmem:s23+$0x20]  }
0x1d4: {  	v5 =	vld [tilespmem:s23+$0xFFFFFFD0]  }
0x1d5: {  	v10 =	vmul.f32 v6, v3;
	v6 =	vld [tilespmem:s23+$0x0]  }
0x1d6: {  	v8 =	vmul.f32 v7, v3  }
0x1d7: {  	s25 =	simm.s32 $0x1;
	s26 =	simm.s32 $0x60C0;
	v7 =	vmul.f32 v11, v3;
	v9 =	vmul.f32 v9, v3  }
.LBB2_11:
0x1d8: {  	p0 =	sne.s32 s25, $0x7F  }
0x1d9: {  	v5 =	vmul.f32 v5, v3;
	v4 =	vmul.f32 v4, v3;
	[tilespmem:s23+$0x30] =	vst v10;
	s26 =	sadd.s32 $0x80, s26;
	s28 =	smov.u32 s25;
	s25 =	sadd.s32 $0x1, s25  }
0x1da: {  	[tilespmem:s23+$0xFFFFFFC0] =	vst v8;
	v8 =	vmul.f32 v2, v3;
	v3 =	vmul.f32 v6, v3  }
0x1db: {  	[tilespmem:s23+$0x10] =	vst v9  }
0x1dc: {  	v6 =	vmov s28;
	[tilespmem:s23+$0xFFFFFFE0] =	vst v7  }
0x1dd: {  	v2 =	vld [tilespmem:s26+$0xFFFFFFF0];
	[tilespmem:s23+$0xFFFFFFF0] =	vst v8  }
0x1de: {  	v7 =	vld [tilespmem:s26+$0x30];
	[tilespmem:s23+$0x0] =	vst v3  }
0x1df: {  	v9 =	vld [tilespmem:s26+$0x10];
	[tilespmem:s23+$0x20] =	vst v4  }
0x1e0: {  	v8 =	vld [tilespmem:s26+$0xFFFFFFC0];
	[tilespmem:s23+$0xFFFFFFD0] =	vst v5;
	s23 =	smov.u32 s26  }
0x1e1: {  	v3 =	vld.idx.msk [tilespmem:v6+s17+$0x0], $0xffff  }
0x1e2: {  	v11 =	vld [tilespmem:s26+$0xFFFFFFE0]  }
0x1e3: {  	v4 =	vld [tilespmem:s26+$0x20]  }
.Ltmp4:
0x1e4: {  	v5 =	vld [tilespmem:s26+$0xFFFFFFD0];
	(pc) =	sbr.rel @p0 .LBB2_11-.Ltmp4, $3  }
0x1e5: {  	v6 =	vld [tilespmem:s26+$0x0];
	_ =	sdelay $0x1  }
0x1e6: {  	v8 =	vmul.f32 v8, v3;
	v10 =	vmul.f32 v7, v3  }
0x1e7: {  	v9 =	vmul.f32 v9, v3;
	v7 =	vmul.f32 v11, v3  }
0x1e8: {  	[tilespmem:s23+$0x30] =	vst v10  }
0x1e9: {  	[tilespmem:s23+$0xFFFFFFC0] =	vst v8  }
0x1ea: {  	v2 =	vmul.f32 v2, v3;
	[tilespmem:s23+$0x10] =	vst v9  }
0x1eb: {  	v4 =	vmul.f32 v4, v3;
	[tilespmem:s23+$0xFFFFFFE0] =	vst v7  }
0x1ec: {  	v6 =	vmul.f32 v6, v3;
	[tilespmem:s23+$0xFFFFFFF0] =	vst v2  }
0x1ed: {  	s22 =	sadd.s32 $0x1, s22;
	v2 =	vmul.f32 v5, v3;
	[tilespmem:s23+$0x20] =	vst v4  }
0x1ee: {  	p0 =	sne.s32 s22, s14;
	[tilespmem:s23+$0x0] =	vst v6  }
.Ltmp5:
0x1ef: {  	[tilespmem:s23+$0xFFFFFFD0] =	vst v2;
	(pc) =	sbr.rel @p0 .LBB2_10-.Ltmp5, $4  }
0x1f0: {  	[spmem:s3] =	stream.indirect.scatter.add.f32 [tilespmem:s0], [sflag:$0x1], $0x80, s24, s16, $0xb8;
	[tilespmem:$0x1DDF8] =	vst v63  }
0x1f1: {  	_ =	swait.ge [sflag:s30], $0x4000  }
0x1f2: {  	[sflag:s30] =	ssyncset.done $0x0  }
0x1f3: {  	[sflag:s30] =	ssyncadd.s32 $0xFFFFC000  }
0x1f4: {  	[bflag:$0x0] =	sbarrier.arrive $0xFFFF  }
0x1f5: {  	[tilespmem:s31], [sflag:$0x1] =	stream.linear.gather [spmem:s12], $0x280, $0x38;
	[tilespmem:$0x1DDF8] =	vst v63  }
0x1f6: {  	_ =	swait.ge [sflag:s30], $0x280  }
0x1f7: {  	s21 =	simm.s32 $0x0;
	[sflag:s30] =	ssyncset.done $0x0  }
0x1f8: {  	s22 =	simm.s32 $0x0;
	s23 =	simm.s32 $0x40;
	[sflag:s30] =	ssyncadd.s32 $0xFFFFFD80  }
.LBB2_14:
0x1f9: {  	p0 =	sne.s32 s23, $0x9C0;
	v2 =	vld [tilespmem:s22+$0xA080];
	_ =	sdelay $0x4  }
0x1fa: {  	v2 =	vmax.f32 v2, $9.999999710e-10  }
0x1fb: {  	(erf) = vrcp.f32 v2;
	_ =	sdelay $0x5  }
.Ltmp6:
0x1fc: {  	(pc) =	sbr.rel @p0 .LBB2_14-.Ltmp6, $3  }
0x1fd: {  	_ =	sdelay $0x1  }
0x1fe: {  	v2 =	vpop (erf)  }
0x1ff: {  	[tilespmem:s22+$0xA080] =	vst v2;
	s22 =	sshra.s32 s23, $0x2;
	s23 =	sadd.s32 $0x40, s23  }
0x200: {  	v2 =	vld [tilespmem:s22+$0xA080];
	_ =	sdelay $0x4  }
0x201: {  	v2 =	vmax.f32 v2, $9.999999710e-10  }
0x202: {  	(erf) = vrcp.f32 v2;
	_ =	sdelay $0x8  }
0x203: {  	v2 =	vpop (erf)  }
0x204: {  	[tilespmem:s22+$0xA080] =	vst v2;
	s22 =	simm.s32 $0x0  }
.LBB2_16:
0x205: {  	s23 =	sshll.u32 s22, $0x6  }
0x206: {  	s25 =	sadd.s32 s10, s23  }
0x207: {  	s24 =	sshll.u32 s25, $0x7  }
0x208: {  	s24 =	sand.u32 $0x3FFFFF80, s24  }
0x209: {  	s26 =	sadd.s32 s24, s3;
	s24 =	simm.s32 $0x6080  }
0x20a: {  	[tilespmem:s24], [sflag:$0x1] =	stream.linear.gather [spmem:s26], $0x2000, $0x38;
	[tilespmem:$0x1DDF8] =	vst v63  }
0x20b: {  	_ =	swait.ge [sflag:s30], $0x2000  }
0x20c: {  	s25 =	sshll.u32 s25, $0x4;
	[sflag:s30] =	ssyncset.done $0x0  }
0x20d: {  	s28 =	simm.s32 $0x0;
	s25 =	sadd.s32 s2, s25;
	[sflag:s30] =	ssyncadd.s32 $0xFFFFE000  }
0x20e: {  	[tilespmem:s19], [sflag:$0x1] =	stream.linear.gather [hbm4b:s25+s28], $0x2000, $0x38;
	[tilespmem:$0x1DDF8] =	vst v63  }
0x20f: {  	_ =	swait.ge [sflag:s30], $0x2000  }
0x210: {  	[sflag:s30] =	ssyncset.done $0x0  }
0x211: {  	[sflag:s30] =	ssyncadd.s32 $0xFFFFE000  }
0x212: {  	v13 =	vld [tilespmem:s24+$0x2030]  }
0x213: {  	v2 =	vld [tilespmem:s24+$0x2070]  }
0x214: {  	s29 =	sadd.s32 $0x0, s21;
	v5 =	vld [tilespmem:s24+$0x0]  }
0x215: {  	v3 =	vmov s29;
	v7 =	vld [tilespmem:s24+$0x20]  }
0x216: {  	v9 =	vld [tilespmem:s24+$0x30]  }
0x217: {  	v10 =	vld [tilespmem:s24+$0x2000]  }
0x218: {  	v11 =	vld [tilespmem:s24+$0x2020]  }
0x219: {  	v14 =	vld [tilespmem:s24+$0x40]  }
0x21a: {  	v3 =	vld.idx.msk [tilespmem:v3+s31+$0x0], $0xffff  }
0x21b: {  	v12 =	vld [tilespmem:s24+$0x10]  }
0x21c: {  	v15 =	vld [tilespmem:s24+$0x60]  }
0x21d: {  	v16 =	vld [tilespmem:s24+$0x2010]  }
0x21e: {  	v4 =	vld [tilespmem:s24+$0x70]  }
0x21f: {  	v6 =	vld [tilespmem:s24+$0x50]  }
0x220: {  	v8 =	vld [tilespmem:s24+$0x2040];
	v5 =	vmul.f32 v5, v3;
	v17 =	vmul.f32 v7, v3  }
0x221: {  	v18 =	vmul.f32 v12, v3;
	v19 =	vmul.f32 v9, v3;
	v7 =	vld [tilespmem:s24+$0x2050]  }
0x222: {  	v9 =	vmul.f32 v15, v3;
	v12 =	vadd.f32 v10, v5;
	v11 =	vadd.f32 v11, v17;
	v10 =	vld [tilespmem:s24+$0x2060]  }
0x223: {  	s26 =	simm.s32 $0x6100;
	s25 =	simm.s32 $0x1;
	v14 =	vmul.f32 v14, v3;
	v5 =	vadd.f32 v16, v18;
	v13 =	vadd.f32 v13, v19  }
.LBB2_17:
0x224: {  	s28 =	sadd.s32 s25, s21;
	v15 =	vld [tilespmem:s26+$0x2030];
	p0 =	sne.s32 s25, $0x3F;
	s25 =	sadd.s32 $0x1, s25;
	[tilespmem:s24+$0x0] =	vst v12;
	v6 =	vmul.f32 v6, v3;
	v3 =	vmul.f32 v4, v3  }
0x225: {  	v4 =	vmov s28;
	v12 =	vld [tilespmem:s26+$0x2070];
	[tilespmem:s24+$0x30] =	vst v13;
	v8 =	vadd.f32 v8, v14  }
0x226: {  	v13 =	vld [tilespmem:s26+$0x0];
	[tilespmem:s24+$0x20] =	vst v11;
	v6 =	vadd.f32 v7, v6;
	v2 =	vadd.f32 v2, v3  }
0x227: {  	v7 =	vld [tilespmem:s26+$0x20];
	[tilespmem:s24+$0x40] =	vst v8;
	v3 =	vadd.f32 v10, v9  }
0x228: {  	v9 =	vld [tilespmem:s26+$0x30];
	[tilespmem:s24+$0x70] =	vst v2  }
0x229: {  	v10 =	vld [tilespmem:s26+$0x2000];
	[tilespmem:s24+$0x60] =	vst v3  }
0x22a: {  	v11 =	vld [tilespmem:s26+$0x2020];
	[tilespmem:s24+$0x10] =	vst v5;
	v2 =	vmov v12  }
0x22b: {  	v14 =	vld [tilespmem:s26+$0x40];
	[tilespmem:s24+$0x50] =	vst v6;
	s24 =	smov.u32 s26  }
0x22c: {  	v3 =	vld.idx.msk [tilespmem:v4+s31+$0x0], $0xffff  }
0x22d: {  	v4 =	vld [tilespmem:s26+$0x70]  }
0x22e: {  	v5 =	vld [tilespmem:s26+$0x10]  }
0x22f: {  	v16 =	vld [tilespmem:s26+$0x60]  }
0x230: {  	v17 =	vld [tilespmem:s26+$0x2010]  }
.Ltmp7:
0x231: {  	v6 =	vld [tilespmem:s26+$0x50];
	(pc) =	sbr.rel @p0 .LBB2_17-.Ltmp7, $4  }
0x232: {  	v12 =	vmul.f32 v13, v3;
	v13 =	vmul.f32 v7, v3;
	v8 =	vld [tilespmem:s26+$0x2040]  }
0x233: {  	v18 =	vmul.f32 v9, v3;
	v5 =	vmul.f32 v5, v3;
	v7 =	vld [tilespmem:s26+$0x2050]  }
0x234: {  	v12 =	vadd.f32 v10, v12;
	v11 =	vadd.f32 v11, v13;
	v9 =	vmul.f32 v16, v3;
	v10 =	vld [tilespmem:s26+$0x2060]  }
0x235: {  	v14 =	vmul.f32 v14, v3;
	v13 =	vadd.f32 v15, v18;
	s26 =	sadd.s32 $0x80, s26;
	v5 =	vadd.f32 v17, v5  }
0x236: {  	[tilespmem:s24+$0x0] =	vst v12  }
0x237: {  	v4 =	vmul.f32 v4, v3;
	[tilespmem:s24+$0x20] =	vst v11  }
0x238: {  	[tilespmem:s24+$0x30] =	vst v13;
	v8 =	vadd.f32 v8, v14  }
0x239: {  	v3 =	vmul.f32 v6, v3;
	[tilespmem:s24+$0x10] =	vst v5;
	v2 =	vadd.f32 v2, v4  }
0x23a: {  	[tilespmem:s24+$0x40] =	vst v8;
	v63 =	vadd.f32 v10, v9  }
0x23b: {  	s23 =	sadd.s32 s23, s18;
	s22 =	sadd.s32 $0x1, s22;
	[tilespmem:s24+$0x70] =	vst v2;
	v2 =	vadd.f32 v7, v3  }
0x23c: {  	s23 =	sshll.u32 s23, $0x4;
	p0 =	sne.s32 s22, $0xA;
	[tilespmem:s24+$0x60] =	vst v63  }
.Ltmp8:
0x23d: {  	s23 =	sadd.s32 s9, s23;
	[tilespmem:s24+$0x50] =	vst v2;
	(pc) =	sbr.rel @p0 .LBB2_16-.Ltmp8, $4  }
0x23e: {  	[hbm4b:s23+s5] =	stream.linear.scatter [tilespmem:s0], [sflag:$0x1], $0x2000, $0x38;
	[tilespmem:$0x1DDF8] =	vst v63  }
0x23f: {  	_ =	swait.ge [sflag:s30], $0x2000  }
0x240: {  	[sflag:s30] =	ssyncset.done $0x0  }
0x241: {  	s21 =	sadd.s32 $0x40, s21;
	[sflag:s30] =	ssyncadd.s32 $0xFFFFE000  }
0x242: {  	s20 =	sadd.s32 $0x1, s20;
	s21 =	rddreg [dreg:$0x9]  }
0x243: {  	p0 =	sne.s32 s20, s21  }
.Ltmp9:
0x244: {  	_ = 	snop;
	(pc) =	sbr.rel @p0 .LBB2_1-.Ltmp9, $1  }
0x245: {  	_ =	sdelay $0x3  }
0x246: {  	_ =	sfence.sel $0x180000  }
0x247: {  	[bflag:$0x0] =	sbarrier.arrive $0xFFFF  }
0x248: {  	_ =	strace $0x90000047  }
0x249: {  	s0 =	stileid.u32;
	[bflag:$0x2] =	sbarrier.arrive $0xFFFF  }
0x24a: {  	p0 =	sne.s32 s0, $0x0;
	s0 =	rddreg [dreg:$0x5]  }
0x24b: {  	s0 =	sadd.s32 @!p0 $0x100000, s0  }
0x24c: {  	[sflag:s0] =	ssyncadd.tile.s32 @!p0 $0x1;
	_ =	shalt  }
.Lfunc_end2:
_tile_overlayer_lowered:
.L_overlay_start_2:
0x24d: {  	(tag) =	ssettag $0x2  }
0x24e: {  	s0 =	rddreg [dreg:$0x0];
	s2 =	stileid.u32  }
0x24f: {  	s1 =	rddreg [dreg:$0x1];
	p0 =	sne.s32 s2, $0x0  }
0x250: {  	s3 =	rddreg [dreg:$0x2];
	[bflag:$0x3] =	sbarrier.arrive $0xFFFF;
	s2 =	simm.s32 @!p0 $0x1C01  }
0x251: {  	[timem:s3], [sflag:s2] =	dma.local @!p0 [hbm:s0], s1  }
0x252: {  	s0 =	simm.s32 @!p0 $0x1  }
0x253: {  	_ =	swait.ge @!p0 [sflag:s0], s1  }
0x254: {  	s1 =	ssub.s32 @!p0 $0x0, s1;
	[sflag:s0] =	ssyncset.done @!p0 $0x0  }
0x255: {  	[sflag:s0] =	ssyncadd.s32 @!p0 s1  }
0x256: {  	[bflag:$0x3] =	sbarrier.arrive $0xFFFF  }
0x257: {  	_ =	shalt  }

</sc_bundles>
